<compile_context>
chip_gen: v7x
topology: tpu7x:2x2x1
jax: 0.10.2.dev20260603
libtpu: 0.0.44.dev20260713+nightly
codegen_flags: <defaults>
</compile_context>

<pallas_src>
import functools

import jax
import jax.numpy as jnp
from jax import lax
from jax.experimental import pallas as pl
from jax.experimental.pallas import tpu as pltpu
from jax.experimental.pallas import tpu_sc as plsc

N = 100000
E = 6400000
NPAD = 102400
ROWS = 800
TABW = 100096
LANES = 128

NC = 2
NS = 16
NW = NC * NS
BLK = 2048
NBLK = E // BLK
BASE_BLK = NBLK // NW
EXTRA = NBLK % NW
CC = BLK
NCOPIES = 96
NBUF = 4
SHROW = 6272


def _tc_att_loss(r_ref, x_ref, att_ref, loss_ref):
    x = x_ref[...]
    att = jax.nn.sigmoid(x)
    att_ref[...] = att
    r = r_ref[0]
    row = lax.broadcasted_iota(jnp.int32, (ROWS, LANES), 0)
    col = lax.broadcasted_iota(jnp.int32, (ROWS, LANES), 1)
    valid = (row * LANES + col) < N
    term = (att * jnp.log(att / r + 1e-6)
            + (1.0 - att) * jnp.log((1.0 - att) / (1.0 - r + 1e-6) + 1e-6))
    loss_ref[0] = jnp.sum(jnp.where(valid, term, 0.0)) / N


_mesh = plsc.VectorSubcoreMesh(core_axis_name="c", subcore_axis_name="s")


@functools.partial(
    pl.kernel,
    mesh=_mesh,
    out_type=jax.ShapeDtypeStruct((E,), jnp.float32),
    scratch_types=[
        pltpu.VMEM((TABW,), jnp.float32),
        pltpu.VMEM((NBUF, 2, CC), jnp.int32),
        pltpu.VMEM((NBUF * CC,), jnp.float32),
        pltpu.VMEM_SHARED((NS, SHROW), jnp.float32),
        pltpu.SemaphoreType.DMA,
        pltpu.SemaphoreType.DMA,
        pltpu.SemaphoreType.DMA,
    ],
    compiler_params=pltpu.CompilerParams(needs_layout_passes=False),
)
def _sc_edge_att(att_hbm, ei_hbm, out_hbm, tab, ibuf, obuf, shtab, insem, outsem, tabsem):
    w = lax.axis_index("s") * NC + lax.axis_index("c")
    base = (w * BASE_BLK + jnp.minimum(w, EXTRA)) * BLK

    def in_off(c):
        return pl.multiple_of(base + c * CC, BLK)

    s_id = lax.axis_index("s")
    sh_off = pl.multiple_of(s_id * SHROW, 128)
    pltpu.async_copy(att_hbm.at[pl.ds(sh_off, SHROW)], shtab.at[s_id], tabsem)
    for c0 in range(NBUF - 1):
        pltpu.async_copy(ei_hbm.at[:, pl.ds(in_off(c0), CC)], ibuf.at[c0], insem)
    pltpu.make_async_copy(att_hbm.at[pl.ds(sh_off, SHROW)], shtab.at[s_id], tabsem).wait()
    plsc.subcore_barrier()
    for k in range(NS - 1):
        pltpu.async_copy(shtab.at[k], tab.at[pl.ds(k * SHROW, SHROW)], tabsem)
    _last = TABW - (NS - 1) * SHROW
    pltpu.async_copy(
        shtab.at[NS - 1, pl.ds(0, _last)],
        tab.at[pl.ds((NS - 1) * SHROW, _last)], tabsem,
    )
    for k in range(NS - 1):
        pltpu.make_async_copy(shtab.at[k], tab.at[pl.ds(k * SHROW, SHROW)], tabsem).wait()
    pltpu.make_async_copy(
        shtab.at[NS - 1, pl.ds(0, _last)],
        tab.at[pl.ds((NS - 1) * SHROW, _last)], tabsem,
    ).wait()

    def group_body(g, carry):
        for b in range(NBUF):
            c = g * NBUF + b
            off = in_off(c)
            pltpu.make_async_copy(
                ei_hbm.at[:, pl.ds(off, CC)], ibuf.at[b], insem
            ).wait()

            @pl.when(c + NBUF - 1 < NCOPIES)
            def _():
                pltpu.async_copy(
                    ei_hbm.at[:, pl.ds(in_off(c + NBUF - 1), CC)],
                    ibuf.at[(b + NBUF - 1) % NBUF], insem,
                )

            @pl.when(c >= NBUF)
            def _():
                pltpu.make_async_copy(
                    obuf.at[pl.ds(b * CC, CC)], out_hbm.at[pl.ds(off, CC)], outsem
                ).wait()

            @plsc.parallel_loop(0, CC // 16, 1, unroll=16)
            def _(j):
                s = ibuf[b, 0, pl.ds(j * 16, 16)]
                d = ibuf[b, 1, pl.ds(j * 16, 16)]
                obuf[pl.ds(b * CC + j * 16, 16)] = (
                    plsc.load_gather(tab, [s]) * plsc.load_gather(tab, [d])
                )

            pltpu.async_copy(obuf.at[pl.ds(b * CC, CC)], out_hbm.at[pl.ds(off, CC)], outsem)
        return carry

    lax.fori_loop(0, NCOPIES // NBUF, group_body, 0)

    for b in range(NBUF):
        pltpu.make_async_copy(
            obuf.at[pl.ds(b * CC, CC)], out_hbm.at[pl.ds(in_off(0), CC)], outsem
        ).wait()

    ntail = (BASE_BLK - NCOPIES) + (w < EXTRA).astype(jnp.int32)

    def tail_body(t, carry):
        toff = pl.multiple_of(base + NCOPIES * CC + t * BLK, BLK)
        pltpu.sync_copy(ei_hbm.at[:, pl.ds(toff, BLK)], ibuf.at[0, :, pl.ds(0, BLK)])

        @plsc.parallel_loop(0, BLK // 16, 1, unroll=8)
        def _(j):
            s = ibuf[0, 0, pl.ds(j * 16, 16)]
            d = ibuf[0, 1, pl.ds(j * 16, 16)]
            obuf[pl.ds(j * 16, 16)] = (
                plsc.load_gather(tab, [s]) * plsc.load_gather(tab, [d])
            )

        pltpu.sync_copy(obuf.at[pl.ds(0, BLK)], out_hbm.at[pl.ds(toff, BLK)])
        return carry

    lax.fori_loop(0, ntail, tail_body, 0)


def kernel(att_log_logits, edge_index, epoch):
    r = jnp.maximum(0.9 - (epoch // 10).astype(jnp.float32) * 0.1, 0.7)
    x = jnp.pad(att_log_logits.reshape(-1), (0, NPAD - N)).reshape(ROWS, LANES)

    att2d, loss = pl.pallas_call(
        _tc_att_loss,
        in_specs=[
            pl.BlockSpec(memory_space=pltpu.SMEM),
            pl.BlockSpec(memory_space=pltpu.VMEM),
        ],
        out_specs=[
            pl.BlockSpec(memory_space=pltpu.VMEM),
            pl.BlockSpec(memory_space=pltpu.SMEM),
        ],
        out_shape=[
            jax.ShapeDtypeStruct((ROWS, LANES), jnp.float32),
            jax.ShapeDtypeStruct((1,), jnp.float32),
        ],
    )(r.reshape(1), x)

    edge_att = _sc_edge_att(att2d.reshape(NPAD), edge_index)
    return edge_att.reshape(E, 1), loss[0]

# --- scband reference (transcript-rebuilt; emitter-appended) ---
"""Pipeline reference for scband-gsat-39109972197977 (READ-ONLY COPY).

The authoritative reference and input builder live on the scoring server;
editing this copy changes nothing except your own understanding.
"""

import jax, jax.numpy as jnp
import numpy as np


def _get_r(decay_interval, decay_r, current_epoch, init_r=0.9, final_r=0.5):
    r = init_r - current_epoch // decay_interval * decay_r
    r = jnp.maximum(r, final_r)
    return r


def setup_inputs(seed: int = 0) -> dict:
    key = jax.random.key(seed)
    k1, k2 = jax.random.split(key)
    N = 100000
    E = 6400000
    att_log_logits = jax.random.normal(k1, (N, 1), dtype=jnp.float32)
    edge_index = jax.random.randint(k2, (2, E), 0, N, dtype=jnp.int32)
    return {"att_log_logits": att_log_logits, "edge_index": edge_index, "epoch": 0}


def reference(att_log_logits, edge_index, epoch):
    # GSAT.sampling with training=False: deterministic sigmoid (concrete Bernoulli mean)
    att = jax.nn.sigmoid(att_log_logits)
    # learn_edge_att=False path: lift_node_att_to_edge_att
    src_lifted_att = jnp.take(att, edge_index[0], axis=0)
    dst_lifted_att = jnp.take(att, edge_index[1], axis=0)
    edge_att = src_lifted_att * dst_lifted_att
    # info loss term from __loss__ (r schedule from get_r with final_r=0.7, decay_interval=10, decay_r=0.1)
    r = _get_r(10, 0.1, epoch, init_r=0.9, final_r=0.7)
    info_loss = (att * jnp.log(att / r + 1e-06)
                 + (1.0 - att) * jnp.log((1.0 - att) / (1.0 - r + 1e-06) + 1e-06)).mean()
    return (edge_att, info_loss)

if __name__ == "__main__":
    import jax
    _d = setup_inputs()
    print(jax.jit(kernel)(*tuple(_d.values())))

</pallas_src>

<mosaic_0001>
#map = affine_map<(d0, d1) -> (0)>
#map1 = affine_map<(d0, d1) -> (0, 0)>
module attributes {stable_mosaic.version = 14 : i64} {
  func.func @_sc_edge_att(%arg0: i32, %arg1: i32, %arg2: memref<102400xf32, #tpu.memory_space<hbm>>, %arg3: memref<2x6400000xi32, #tpu.memory_space<hbm>>, %arg4: memref<6400000xf32, #tpu.memory_space<hbm>>, %arg5: memref<100096xf32, #tpu.memory_space<vmem>>, %arg6: memref<4x2x2048xi32, #tpu.memory_space<vmem>>, %arg7: memref<8192xf32, #tpu.memory_space<vmem>>, %arg8: memref<16x6272xf32, #tpu.memory_space<vmem_shared>>, %arg9: memref<!tpu.dma_semaphore, #tpu.memory_space<semaphore_mem>>, %arg10: memref<!tpu.dma_semaphore, #tpu.memory_space<semaphore_mem>>, %arg11: memref<!tpu.dma_semaphore, #tpu.memory_space<semaphore_mem>>) attributes {dimension_semantics = [#tpu.dimension_semantics<core_parallel>, #tpu.dimension_semantics<subcore_parallel>], iteration_bounds = array<i64: 2, 16>, scalar_prefetch = 0 : i64, scratch_operands = 7 : i64, tpu.core_type = #tpu.core_type<sc_vector_subcore>, window_params = [{transform_indices = #map}, {transform_indices = #map1}, {transform_indices = #map}]} {
    %mul3A = arith.constant 2 : i32
    %mul3A_0 = arith.muli %arg1, %mul3A : i32
    %add3A = arith.addi %mul3A_0, %arg0 : i32
    %mul3A_1 = arith.constant 97 : i32
    %mul3A_2 = arith.muli %add3A, %mul3A_1 : i32
    %min3A = arith.constant 21 : i32
    %min3A_3 = arith.minsi %add3A, %min3A : i32
    %add3A_4 = arith.addi %mul3A_2, %min3A_3 : i32
    %mul3A_5 = arith.constant 2048 : i32
    %mul3A_6 = arith.muli %add3A_4, %mul3A_5 : i32
    %mul3A_7 = arith.constant 6272 : i32
    %mul3A_8 = arith.muli %arg1, %mul3A_7 : i32
    %multiple_of3A = tpu.assume_multiple %mul3A_8, 128 : i32
    %dma_start3A = arith.constant 0 : i32
    %dma_start3A_9 = tpu.memref_slice %arg8[%arg1, %dma_start3A] : memref<16x6272xf32, #tpu.memory_space<vmem_shared>> -> memref<1x6272xf32, #tpu.memory_space<vmem_shared>>
    %dma_start3A_10 = tpu.memref_squeeze %dma_start3A_9 : memref<1x6272xf32, #tpu.memory_space<vmem_shared>> -> memref<6272xf32, #tpu.memory_space<vmem_shared>>
    %dma_start3A_11 = tpu.memref_slice %arg2[%multiple_of3A] : memref<102400xf32, #tpu.memory_space<hbm>> -> memref<6272xf32, #tpu.memory_space<hbm>>
    tpu.enqueue_dma source(%dma_start3A_11 : memref<6272xf32, #tpu.memory_space<hbm>>) target(%dma_start3A_10 : memref<6272xf32, #tpu.memory_space<vmem_shared>>) target_semaphore(%arg11 : memref<!tpu.dma_semaphore, #tpu.memory_space<semaphore_mem>>)
    %add3A_12 = arith.constant 0 : i32
    %add3A_13 = arith.addi %mul3A_6, %add3A_12 : i32
    %multiple_of3A_14 = tpu.assume_multiple %add3A_13, 2048 : i32
    %dma_start3A_15 = arith.constant 0 : i32
    %dma_start3A_16 = arith.constant 0 : i32
    %dma_start3A_17 = arith.constant 0 : i32
    %dma_start3A_18 = tpu.memref_slice %arg6[%dma_start3A_15, %dma_start3A_16, %dma_start3A_17] : memref<4x2x2048xi32, #tpu.memory_space<vmem>> -> memref<1x2x2048xi32, #tpu.memory_space<vmem>>
    %dma_start3A_19 = tpu.memref_squeeze %dma_start3A_18 : memref<1x2x2048xi32, #tpu.memory_space<vmem>> -> memref<2x2048xi32, #tpu.memory_space<vmem>>
    %dma_start3A_20 = arith.constant 0 : i32
    %dma_start3A_21 = tpu.memref_slice %arg3[%dma_start3A_20, %multiple_of3A_14] : memref<2x6400000xi32, #tpu.memory_space<hbm>> -> memref<2x2048xi32, #tpu.memory_space<hbm>>
    %dma_start3A_22 = arith.constant 0 : i32
    %dma_start3A_23 = arith.constant 0 : i32
    %dma_start3A_24 = tpu.memref_slice %arg6[%dma_start3A_15, %dma_start3A_22, %dma_start3A_23] : memref<4x2x2048xi32, #tpu.memory_space<vmem>> -> memref<1x2x2048xi32, #tpu.memory_space<vmem>>
    %dma_start3A_25 = tpu.memref_squeeze %dma_start3A_24 : memref<1x2x2048xi32, #tpu.memory_space<vmem>> -> memref<2x2048xi32, #tpu.memory_space<vmem>>
    %dma_start3A_26 = arith.constant 0 : i32
    %dma_start3A_27 = tpu.memref_slice %arg3[%dma_start3A_26, %multiple_of3A_14] : memref<2x6400000xi32, #tpu.memory_space<hbm>> -> memref<2x2048xi32, #tpu.memory_space<hbm>>
    tpu.enqueue_dma source(%dma_start3A_27 : memref<2x2048xi32, #tpu.memory_space<hbm>>) target(%dma_start3A_25 : memref<2x2048xi32, #tpu.memory_space<vmem>>) target_semaphore(%arg9 : memref<!tpu.dma_semaphore, #tpu.memory_space<semaphore_mem>>)
    %add3A_28 = arith.constant 2048 : i32
    %add3A_29 = arith.addi %mul3A_6, %add3A_28 : i32
    %multiple_of3A_30 = tpu.assume_multiple %add3A_29, 2048 : i32
    %dma_start3A_31 = arith.constant 1 : i32
    %dma_start3A_32 = arith.constant 0 : i32
    %dma_start3A_33 = arith.constant 0 : i32
    %dma_start3A_34 = tpu.memref_slice %arg6[%dma_start3A_31, %dma_start3A_32, %dma_start3A_33] : memref<4x2x2048xi32, #tpu.memory_space<vmem>> -> memref<1x2x2048xi32, #tpu.memory_space<vmem>>
    %dma_start3A_35 = tpu.memref_squeeze %dma_start3A_34 : memref<1x2x2048xi32, #tpu.memory_space<vmem>> -> memref<2x2048xi32, #tpu.memory_space<vmem>>
    %dma_start3A_36 = arith.constant 0 : i32
    %dma_start3A_37 = tpu.memref_slice %arg3[%dma_start3A_36, %multiple_of3A_30] : memref<2x6400000xi32, #tpu.memory_space<hbm>> -> memref<2x2048xi32, #tpu.memory_space<hbm>>
    %dma_start3A_38 = arith.constant 0 : i32
    %dma_start3A_39 = arith.constant 0 : i32
    %dma_start3A_40 = tpu.memref_slice %arg6[%dma_start3A_31, %dma_start3A_38, %dma_start3A_39] : memref<4x2x2048xi32, #tpu.memory_space<vmem>> -> memref<1x2x2048xi32, #tpu.memory_space<vmem>>
    %dma_start3A_41 = tpu.memref_squeeze %dma_start3A_40 : memref<1x2x2048xi32, #tpu.memory_space<vmem>> -> memref<2x2048xi32, #tpu.memory_space<vmem>>
    %dma_start3A_42 = arith.constant 0 : i32
    %dma_start3A_43 = tpu.memref_slice %arg3[%dma_start3A_42, %multiple_of3A_30] : memref<2x6400000xi32, #tpu.memory_space<hbm>> -> memref<2x2048xi32, #tpu.memory_space<hbm>>
    tpu.enqueue_dma source(%dma_start3A_43 : memref<2x2048xi32, #tpu.memory_space<hbm>>) target(%dma_start3A_41 : memref<2x2048xi32, #tpu.memory_space<vmem>>) target_semaphore(%arg9 : memref<!tpu.dma_semaphore, #tpu.memory_space<semaphore_mem>>)
    %add3A_44 = arith.constant 4096 : i32
    %add3A_45 = arith.addi %mul3A_6, %add3A_44 : i32
    %multiple_of3A_46 = tpu.assume_multiple %add3A_45, 2048 : i32
    %dma_start3A_47 = arith.constant 2 : i32
    %dma_start3A_48 = arith.constant 0 : i32
    %dma_start3A_49 = arith.constant 0 : i32
    %dma_start3A_50 = tpu.memref_slice %arg6[%dma_start3A_47, %dma_start3A_48, %dma_start3A_49] : memref<4x2x2048xi32, #tpu.memory_space<vmem>> -> memref<1x2x2048xi32, #tpu.memory_space<vmem>>
    %dma_start3A_51 = tpu.memref_squeeze %dma_start3A_50 : memref<1x2x2048xi32, #tpu.memory_space<vmem>> -> memref<2x2048xi32, #tpu.memory_space<vmem>>
    %dma_start3A_52 = arith.constant 0 : i32
    %dma_start3A_53 = tpu.memref_slice %arg3[%dma_start3A_52, %multiple_of3A_46] : memref<2x6400000xi32, #tpu.memory_space<hbm>> -> memref<2x2048xi32, #tpu.memory_space<hbm>>
    %dma_start3A_54 = arith.constant 0 : i32
    %dma_start3A_55 = arith.constant 0 : i32
    %dma_start3A_56 = tpu.memref_slice %arg6[%dma_start3A_47, %dma_start3A_54, %dma_start3A_55] : memref<4x2x2048xi32, #tpu.memory_space<vmem>> -> memref<1x2x2048xi32, #tpu.memory_space<vmem>>
    %dma_start3A_57 = tpu.memref_squeeze %dma_start3A_56 : memref<1x2x2048xi32, #tpu.memory_space<vmem>> -> memref<2x2048xi32, #tpu.memory_space<vmem>>
    %dma_start3A_58 = arith.constant 0 : i32
    %dma_start3A_59 = tpu.memref_slice %arg3[%dma_start3A_58, %multiple_of3A_46] : memref<2x6400000xi32, #tpu.memory_space<hbm>> -> memref<2x2048xi32, #tpu.memory_space<hbm>>
    tpu.enqueue_dma source(%dma_start3A_59 : memref<2x2048xi32, #tpu.memory_space<hbm>>) target(%dma_start3A_57 : memref<2x2048xi32, #tpu.memory_space<vmem>>) target_semaphore(%arg9 : memref<!tpu.dma_semaphore, #tpu.memory_space<semaphore_mem>>)
    %dma_wait3A = arith.constant 0 : i32
    %dma_wait3A_60 = tpu.memref_slice %arg8[%arg1, %dma_wait3A] : memref<16x6272xf32, #tpu.memory_space<vmem_shared>> -> memref<1x6272xf32, #tpu.memory_space<vmem_shared>>
    %dma_wait3A_61 = tpu.memref_squeeze %dma_wait3A_60 : memref<1x6272xf32, #tpu.memory_space<vmem_shared>> -> memref<6272xf32, #tpu.memory_space<vmem_shared>>
    %dma_wait3A_62 = tpu.memref_slice %arg2[%multiple_of3A] : memref<102400xf32, #tpu.memory_space<hbm>> -> memref<6272xf32, #tpu.memory_space<hbm>>
    tpu.wait_dma2 semaphore(%arg11 : memref<!tpu.dma_semaphore, #tpu.memory_space<semaphore_mem>>) src(%dma_wait3A_62 : memref<6272xf32, #tpu.memory_space<hbm>>) dst(%dma_wait3A_61 : memref<6272xf32, #tpu.memory_space<vmem_shared>>)
    %barrier3A = arith.constant 0 : index
    tpu.barrier barrier_id(%barrier3A)
    %dma_start3A_63 = arith.constant 0 : i32
    %dma_start3A_64 = arith.constant 0 : i32
    %dma_start3A_65 = tpu.memref_slice %arg5[%dma_start3A_64] : memref<100096xf32, #tpu.memory_space<vmem>> -> memref<6272xf32, #tpu.memory_space<vmem>>
    %dma_start3A_66 = arith.constant 0 : i32
    %dma_start3A_67 = tpu.memref_slice %arg8[%dma_start3A_63, %dma_start3A_66] : memref<16x6272xf32, #tpu.memory_space<vmem_shared>> -> memref<1x6272xf32, #tpu.memory_space<vmem_shared>>
    %dma_start3A_68 = tpu.memref_squeeze %dma_start3A_67 : memref<1x6272xf32, #tpu.memory_space<vmem_shared>> -> memref<6272xf32, #tpu.memory_space<vmem_shared>>
    %dma_start3A_69 = arith.constant 0 : i32
    %dma_start3A_70 = tpu.memref_slice %arg5[%dma_start3A_69] : memref<100096xf32, #tpu.memory_space<vmem>> -> memref<6272xf32, #tpu.memory_space<vmem>>
    %dma_start3A_71 = arith.constant 0 : i32
    %dma_start3A_72 = tpu.memref_slice %arg8[%dma_start3A_63, %dma_start3A_71] : memref<16x6272xf32, #tpu.memory_space<vmem_shared>> -> memref<1x6272xf32, #tpu.memory_space<vmem_shared>>
    %dma_start3A_73 = tpu.memref_squeeze %dma_start3A_72 : memref<1x6272xf32, #tpu.memory_space<vmem_shared>> -> memref<6272xf32, #tpu.memory_space<vmem_shared>>
    tpu.enqueue_dma source(%dma_start3A_73 : memref<6272xf32, #tpu.memory_space<vmem_shared>>) target(%dma_start3A_70 : memref<6272xf32, #tpu.memory_space<vmem>>) target_semaphore(%arg11 : memref<!tpu.dma_semaphore, #tpu.memory_space<semaphore_mem>>)
    %dma_start3A_74 = arith.constant 1 : i32
    %dma_start3A_75 = arith.constant 6272 : i32
    %dma_start3A_76 = tpu.memref_slice %arg5[%dma_start3A_75] : memref<100096xf32, #tpu.memory_space<vmem>> -> memref<6272xf32, #tpu.memory_space<vmem>>
    %dma_start3A_77 = arith.constant 0 : i32
    %dma_start3A_78 = tpu.memref_slice %arg8[%dma_start3A_74, %dma_start3A_77] : memref<16x6272xf32, #tpu.memory_space<vmem_shared>> -> memref<1x6272xf32, #tpu.memory_space<vmem_shared>>
    %dma_start3A_79 = tpu.memref_squeeze %dma_start3A_78 : memref<1x6272xf32, #tpu.memory_space<vmem_shared>> -> memref<6272xf32, #tpu.memory_space<vmem_shared>>
    %dma_start3A_80 = arith.constant 6272 : i32
    %dma_start3A_81 = tpu.memref_slice %arg5[%dma_start3A_80] : memref<100096xf32, #tpu.memory_space<vmem>> -> memref<6272xf32, #tpu.memory_space<vmem>>
    %dma_start3A_82 = arith.constant 0 : i32
    %dma_start3A_83 = tpu.memref_slice %arg8[%dma_start3A_74, %dma_start3A_82] : memref<16x6272xf32, #tpu.memory_space<vmem_shared>> -> memref<1x6272xf32, #tpu.memory_space<vmem_shared>>
    %dma_start3A_84 = tpu.memref_squeeze %dma_start3A_83 : memref<1x6272xf32, #tpu.memory_space<vmem_shared>> -> memref<6272xf32, #tpu.memory_space<vmem_shared>>
    tpu.enqueue_dma source(%dma_start3A_84 : memref<6272xf32, #tpu.memory_space<vmem_shared>>) target(%dma_start3A_81 : memref<6272xf32, #tpu.memory_space<vmem>>) target_semaphore(%arg11 : memref<!tpu.dma_semaphore, #tpu.memory_space<semaphore_mem>>)
    %dma_start3A_85 = arith.constant 2 : i32
    %dma_start3A_86 = arith.constant 12544 : i32
    %dma_start3A_87 = tpu.memref_slice %arg5[%dma_start3A_86] : memref<100096xf32, #tpu.memory_space<vmem>> -> memref<6272xf32, #tpu.memory_space<vmem>>
    %dma_start3A_88 = arith.constant 0 : i32
    %dma_start3A_89 = tpu.memref_slice %arg8[%dma_start3A_85, %dma_start3A_88] : memref<16x6272xf32, #tpu.memory_space<vmem_shared>> -> memref<1x6272xf32, #tpu.memory_space<vmem_shared>>
    %dma_start3A_90 = tpu.memref_squeeze %dma_start3A_89 : memref<1x6272xf32, #tpu.memory_space<vmem_shared>> -> memref<6272xf32, #tpu.memory_space<vmem_shared>>
    %dma_start3A_91 = arith.constant 12544 : i32
    %dma_start3A_92 = tpu.memref_slice %arg5[%dma_start3A_91] : memref<100096xf32, #tpu.memory_space<vmem>> -> memref<6272xf32, #tpu.memory_space<vmem>>
    %dma_start3A_93 = arith.constant 0 : i32
    %dma_start3A_94 = tpu.memref_slice %arg8[%dma_start3A_85, %dma_start3A_93] : memref<16x6272xf32, #tpu.memory_space<vmem_shared>> -> memref<1x6272xf32, #tpu.memory_space<vmem_shared>>
    %dma_start3A_95 = tpu.memref_squeeze %dma_start3A_94 : memref<1x6272xf32, #tpu.memory_space<vmem_shared>> -> memref<6272xf32, #tpu.memory_space<vmem_shared>>
    tpu.enqueue_dma source(%dma_start3A_95 : memref<6272xf32, #tpu.memory_space<vmem_shared>>) target(%dma_start3A_92 : memref<6272xf32, #tpu.memory_space<vmem>>) target_semaphore(%arg11 : memref<!tpu.dma_semaphore, #tpu.memory_space<semaphore_mem>>)
    %dma_start3A_96 = arith.constant 3 : i32
    %dma_start3A_97 = arith.constant 18816 : i32
    %dma_start3A_98 = tpu.memref_slice %arg5[%dma_start3A_97] : memref<100096xf32, #tpu.memory_space<vmem>> -> memref<6272xf32, #tpu.memory_space<vmem>>
    %dma_start3A_99 = arith.constant 0 : i32
    %dma_start3A_100 = tpu.memref_slice %arg8[%dma_start3A_96, %dma_start3A_99] : memref<16x6272xf32, #tpu.memory_space<vmem_shared>> -> memref<1x6272xf32, #tpu.memory_space<vmem_shared>>
    %dma_start3A_101 = tpu.memref_squeeze %dma_start3A_100 : memref<1x6272xf32, #tpu.memory_space<vmem_shared>> -> memref<6272xf32, #tpu.memory_space<vmem_shared>>
    %dma_start3A_102 = arith.constant 18816 : i32
    %dma_start3A_103 = tpu.memref_slice %arg5[%dma_start3A_102] : memref<100096xf32, #tpu.memory_space<vmem>> -> memref<6272xf32, #tpu.memory_space<vmem>>
    %dma_start3A_104 = arith.constant 0 : i32
    %dma_start3A_105 = tpu.memref_slice %arg8[%dma_start3A_96, %dma_start3A_104] : memref<16x6272xf32, #tpu.memory_space<vmem_shared>> -> memref<1x6272xf32, #tpu.memory_space<vmem_shared>>
    %dma_start3A_106 = tpu.memref_squeeze %dma_start3A_105 : memref<1x6272xf32, #tpu.memory_space<vmem_shared>> -> memref<6272xf32, #tpu.memory_space<vmem_shared>>
    tpu.enqueue_dma source(%dma_start3A_106 : memref<6272xf32, #tpu.memory_space<vmem_shared>>) target(%dma_start3A_103 : memref<6272xf32, #tpu.memory_space<vmem>>) target_semaphore(%arg11 : memref<!tpu.dma_semaphore, #tpu.memory_space<semaphore_mem>>)
    %dma_start3A_107 = arith.constant 4 : i32
    %dma_start3A_108 = arith.constant 25088 : i32
    %dma_start3A_109 = tpu.memref_slice %arg5[%dma_start3A_108] : memref<100096xf32, #tpu.memory_space<vmem>> -> memref<6272xf32, #tpu.memory_space<vmem>>
    %dma_start3A_110 = arith.constant 0 : i32
    %dma_start3A_111 = tpu.memref_slice %arg8[%dma_start3A_107, %dma_start3A_110] : memref<16x6272xf32, #tpu.memory_space<vmem_shared>> -> memref<1x6272xf32, #tpu.memory_space<vmem_shared>>
    %dma_start3A_112 = tpu.memref_squeeze %dma_start3A_111 : memref<1x6272xf32, #tpu.memory_space<vmem_shared>> -> memref<6272xf32, #tpu.memory_space<vmem_shared>>
    %dma_start3A_113 = arith.constant 25088 : i32
    %dma_start3A_114 = tpu.memref_slice %arg5[%dma_start3A_113] : memref<100096xf32, #tpu.memory_space<vmem>> -> memref<6272xf32, #tpu.memory_space<vmem>>
    %dma_start3A_115 = arith.constant 0 : i32
    %dma_start3A_116 = tpu.memref_slice %arg8[%dma_start3A_107, %dma_start3A_115] : memref<16x6272xf32, #tpu.memory_space<vmem_shared>> -> memref<1x6272xf32, #tpu.memory_space<vmem_shared>>
    %dma_start3A_117 = tpu.memref_squeeze %dma_start3A_116 : memref<1x6272xf32, #tpu.memory_space<vmem_shared>> -> memref<6272xf32, #tpu.memory_space<vmem_shared>>
    tpu.enqueue_dma source(%dma_start3A_117 : memref<6272xf32, #tpu.memory_space<vmem_shared>>) target(%dma_start3A_114 : memref<6272xf32, #tpu.memory_space<vmem>>) target_semaphore(%arg11 : memref<!tpu.dma_semaphore, #tpu.memory_space<semaphore_mem>>)
    %dma_start3A_118 = arith.constant 5 : i32
    %dma_start3A_119 = arith.constant 31360 : i32
    %dma_start3A_120 = tpu.memref_slice %arg5[%dma_start3A_119] : memref<100096xf32, #tpu.memory_space<vmem>> -> memref<6272xf32, #tpu.memory_space<vmem>>
    %dma_start3A_121 = arith.constant 0 : i32
    %dma_start3A_122 = tpu.memref_slice %arg8[%dma_start3A_118, %dma_start3A_121] : memref<16x6272xf32, #tpu.memory_space<vmem_shared>> -> memref<1x6272xf32, #tpu.memory_space<vmem_shared>>
    %dma_start3A_123 = tpu.memref_squeeze %dma_start3A_122 : memref<1x6272xf32, #tpu.memory_space<vmem_shared>> -> memref<6272xf32, #tpu.memory_space<vmem_shared>>
    %dma_start3A_124 = arith.constant 31360 : i32
    %dma_start3A_125 = tpu.memref_slice %arg5[%dma_start3A_124] : memref<100096xf32, #tpu.memory_space<vmem>> -> memref<6272xf32, #tpu.memory_space<vmem>>
    %dma_start3A_126 = arith.constant 0 : i32
    %dma_start3A_127 = tpu.memref_slice %arg8[%dma_start3A_118, %dma_start3A_126] : memref<16x6272xf32, #tpu.memory_space<vmem_shared>> -> memref<1x6272xf32, #tpu.memory_space<vmem_shared>>
    %dma_start3A_128 = tpu.memref_squeeze %dma_start3A_127 : memref<1x6272xf32, #tpu.memory_space<vmem_shared>> -> memref<6272xf32, #tpu.memory_space<vmem_shared>>
    tpu.enqueue_dma source(%dma_start3A_128 : memref<6272xf32, #tpu.memory_space<vmem_shared>>) target(%dma_start3A_125 : memref<6272xf32, #tpu.memory_space<vmem>>) target_semaphore(%arg11 : memref<!tpu.dma_semaphore, #tpu.memory_space<semaphore_mem>>)
    %dma_start3A_129 = arith.constant 6 : i32
    %dma_start3A_130 = arith.constant 37632 : i32
    %dma_start3A_131 = tpu.memref_slice %arg5[%dma_start3A_130] : memref<100096xf32, #tpu.memory_space<vmem>> -> memref<6272xf32, #tpu.memory_space<vmem>>
    %dma_start3A_132 = arith.constant 0 : i32
    %dma_start3A_133 = tpu.memref_slice %arg8[%dma_start3A_129, %dma_start3A_132] : memref<16x6272xf32, #tpu.memory_space<vmem_shared>> -> memref<1x6272xf32, #tpu.memory_space<vmem_shared>>
    %dma_start3A_134 = tpu.memref_squeeze %dma_start3A_133 : memref<1x6272xf32, #tpu.memory_space<vmem_shared>> -> memref<6272xf32, #tpu.memory_space<vmem_shared>>
    %dma_start3A_135 = arith.constant 37632 : i32
    %dma_start3A_136 = tpu.memref_slice %arg5[%dma_start3A_135] : memref<100096xf32, #tpu.memory_space<vmem>> -> memref<6272xf32, #tpu.memory_space<vmem>>
    %dma_start3A_137 = arith.constant 0 : i32
    %dma_start3A_138 = tpu.memref_slice %arg8[%dma_start3A_129, %dma_start3A_137] : memref<16x6272xf32, #tpu.memory_space<vmem_shared>> -> memref<1x6272xf32, #tpu.memory_space<vmem_shared>>
    %dma_start3A_139 = tpu.memref_squeeze %dma_start3A_138 : memref<1x6272xf32, #tpu.memory_space<vmem_shared>> -> memref<6272xf32, #tpu.memory_space<vmem_shared>>
    tpu.enqueue_dma source(%dma_start3A_139 : memref<6272xf32, #tpu.memory_space<vmem_shared>>) target(%dma_start3A_136 : memref<6272xf32, #tpu.memory_space<vmem>>) target_semaphore(%arg11 : memref<!tpu.dma_semaphore, #tpu.memory_space<semaphore_mem>>)
    %dma_start3A_140 = arith.constant 7 : i32
    %dma_start3A_141 = arith.constant 43904 : i32
    %dma_start3A_142 = tpu.memref_slice %arg5[%dma_start3A_141] : memref<100096xf32, #tpu.memory_space<vmem>> -> memref<6272xf32, #tpu.memory_space<vmem>>
    %dma_start3A_143 = arith.constant 0 : i32
    %dma_start3A_144 = tpu.memref_slice %arg8[%dma_start3A_140, %dma_start3A_143] : memref<16x6272xf32, #tpu.memory_space<vmem_shared>> -> memref<1x6272xf32, #tpu.memory_space<vmem_shared>>
    %dma_start3A_145 = tpu.memref_squeeze %dma_start3A_144 : memref<1x6272xf32, #tpu.memory_space<vmem_shared>> -> memref<6272xf32, #tpu.memory_space<vmem_shared>>
    %dma_start3A_146 = arith.constant 43904 : i32
    %dma_start3A_147 = tpu.memref_slice %arg5[%dma_start3A_146] : memref<100096xf32, #tpu.memory_space<vmem>> -> memref<6272xf32, #tpu.memory_space<vmem>>
    %dma_start3A_148 = arith.constant 0 : i32
    %dma_start3A_149 = tpu.memref_slice %arg8[%dma_start3A_140, %dma_start3A_148] : memref<16x6272xf32, #tpu.memory_space<vmem_shared>> -> memref<1x6272xf32, #tpu.memory_space<vmem_shared>>
    %dma_start3A_150 = tpu.memref_squeeze %dma_start3A_149 : memref<1x6272xf32, #tpu.memory_space<vmem_shared>> -> memref<6272xf32, #tpu.memory_space<vmem_shared>>
    tpu.enqueue_dma source(%dma_start3A_150 : memref<6272xf32, #tpu.memory_space<vmem_shared>>) target(%dma_start3A_147 : memref<6272xf32, #tpu.memory_space<vmem>>) target_semaphore(%arg11 : memref<!tpu.dma_semaphore, #tpu.memory_space<semaphore_mem>>)
    %dma_start3A_151 = arith.constant 8 : i32
    %dma_start3A_152 = arith.constant 50176 : i32
    %dma_start3A_153 = tpu.memref_slice %arg5[%dma_start3A_152] : memref<100096xf32, #tpu.memory_space<vmem>> -> memref<6272xf32, #tpu.memory_space<vmem>>
    %dma_start3A_154 = arith.constant 0 : i32
    %dma_start3A_155 = tpu.memref_slice %arg8[%dma_start3A_151, %dma_start3A_154] : memref<16x6272xf32, #tpu.memory_space<vmem_shared>> -> memref<1x6272xf32, #tpu.memory_space<vmem_shared>>
    %dma_start3A_156 = tpu.memref_squeeze %dma_start3A_155 : memref<1x6272xf32, #tpu.memory_space<vmem_shared>> -> memref<6272xf32, #tpu.memory_space<vmem_shared>>
    %dma_start3A_157 = arith.constant 50176 : i32
    %dma_start3A_158 = tpu.memref_slice %arg5[%dma_start3A_157] : memref<100096xf32, #tpu.memory_space<vmem>> -> memref<6272xf32, #tpu.memory_space<vmem>>
    %dma_start3A_159 = arith.constant 0 : i32
    %dma_start3A_160 = tpu.memref_slice %arg8[%dma_start3A_151, %dma_start3A_159] : memref<16x6272xf32, #tpu.memory_space<vmem_shared>> -> memref<1x6272xf32, #tpu.memory_space<vmem_shared>>
    %dma_start3A_161 = tpu.memref_squeeze %dma_start3A_160 : memref<1x6272xf32, #tpu.memory_space<vmem_shared>> -> memref<6272xf32, #tpu.memory_space<vmem_shared>>
    tpu.enqueue_dma source(%dma_start3A_161 : memref<6272xf32, #tpu.memory_space<vmem_shared>>) target(%dma_start3A_158 : memref<6272xf32, #tpu.memory_space<vmem>>) target_semaphore(%arg11 : memref<!tpu.dma_semaphore, #tpu.memory_space<semaphore_mem>>)
    %dma_start3A_162 = arith.constant 9 : i32
    %dma_start3A_163 = arith.constant 56448 : i32
    %dma_start3A_164 = tpu.memref_slice %arg5[%dma_start3A_163] : memref<100096xf32, #tpu.memory_space<vmem>> -> memref<6272xf32, #tpu.memory_space<vmem>>
    %dma_start3A_165 = arith.constant 0 : i32
    %dma_start3A_166 = tpu.memref_slice %arg8[%dma_start3A_162, %dma_start3A_165] : memref<16x6272xf32, #tpu.memory_space<vmem_shared>> -> memref<1x6272xf32, #tpu.memory_space<vmem_shared>>
    %dma_start3A_167 = tpu.memref_squeeze %dma_start3A_166 : memref<1x6272xf32, #tpu.memory_space<vmem_shared>> -> memref<6272xf32, #tpu.memory_space<vmem_shared>>
    %dma_start3A_168 = arith.constant 56448 : i32
    %dma_start3A_169 = tpu.memref_slice %arg5[%dma_start3A_168] : memref<100096xf32, #tpu.memory_space<vmem>> -> memref<6272xf32, #tpu.memory_space<vmem>>
    %dma_start3A_170 = arith.constant 0 : i32
    %dma_start3A_171 = tpu.memref_slice %arg8[%dma_start3A_162, %dma_start3A_170] : memref<16x6272xf32, #tpu.memory_space<vmem_shared>> -> memref<1x6272xf32, #tpu.memory_space<vmem_shared>>
    %dma_start3A_172 = tpu.memref_squeeze %dma_start3A_171 : memref<1x6272xf32, #tpu.memory_space<vmem_shared>> -> memref<6272xf32, #tpu.memory_space<vmem_shared>>
    tpu.enqueue_dma source(%dma_start3A_172 : memref<6272xf32, #tpu.memory_space<vmem_shared>>) target(%dma_start3A_169 : memref<6272xf32, #tpu.memory_space<vmem>>) target_semaphore(%arg11 : memref<!tpu.dma_semaphore, #tpu.memory_space<semaphore_mem>>)
    %dma_start3A_173 = arith.constant 10 : i32
    %dma_start3A_174 = arith.constant 62720 : i32
    %dma_start3A_175 = tpu.memref_slice %arg5[%dma_start3A_174] : memref<100096xf32, #tpu.memory_space<vmem>> -> memref<6272xf32, #tpu.memory_space<vmem>>
    %dma_start3A_176 = arith.constant 0 : i32
    %dma_start3A_177 = tpu.memref_slice %arg8[%dma_start3A_173, %dma_start3A_176] : memref<16x6272xf32, #tpu.memory_space<vmem_shared>> -> memref<1x6272xf32, #tpu.memory_space<vmem_shared>>
    %dma_start3A_178 = tpu.memref_squeeze %dma_start3A_177 : memref<1x6272xf32, #tpu.memory_space<vmem_shared>> -> memref<6272xf32, #tpu.memory_space<vmem_shared>>
    %dma_start3A_179 = arith.constant 62720 : i32
    %dma_start3A_180 = tpu.memref_slice %arg5[%dma_start3A_179] : memref<100096xf32, #tpu.memory_space<vmem>> -> memref<6272xf32, #tpu.memory_space<vmem>>
    %dma_start3A_181 = arith.constant 0 : i32
    %dma_start3A_182 = tpu.memref_slice %arg8[%dma_start3A_173, %dma_start3A_181] : memref<16x6272xf32, #tpu.memory_space<vmem_shared>> -> memref<1x6272xf32, #tpu.memory_space<vmem_shared>>
    %dma_start3A_183 = tpu.memref_squeeze %dma_start3A_182 : memref<1x6272xf32, #tpu.memory_space<vmem_shared>> -> memref<6272xf32, #tpu.memory_space<vmem_shared>>
    tpu.enqueue_dma source(%dma_start3A_183 : memref<6272xf32, #tpu.memory_space<vmem_shared>>) target(%dma_start3A_180 : memref<6272xf32, #tpu.memory_space<vmem>>) target_semaphore(%arg11 : memref<!tpu.dma_semaphore, #tpu.memory_space<semaphore_mem>>)
    %dma_start3A_184 = arith.constant 11 : i32
    %dma_start3A_185 = arith.constant 68992 : i32
    %dma_start3A_186 = tpu.memref_slice %arg5[%dma_start3A_185] : memref<100096xf32, #tpu.memory_space<vmem>> -> memref<6272xf32, #tpu.memory_space<vmem>>
    %dma_start3A_187 = arith.constant 0 : i32
    %dma_start3A_188 = tpu.memref_slice %arg8[%dma_start3A_184, %dma_start3A_187] : memref<16x6272xf32, #tpu.memory_space<vmem_shared>> -> memref<1x6272xf32, #tpu.memory_space<vmem_shared>>
    %dma_start3A_189 = tpu.memref_squeeze %dma_start3A_188 : memref<1x6272xf32, #tpu.memory_space<vmem_shared>> -> memref<6272xf32, #tpu.memory_space<vmem_shared>>
    %dma_start3A_190 = arith.constant 68992 : i32
    %dma_start3A_191 = tpu.memref_slice %arg5[%dma_start3A_190] : memref<100096xf32, #tpu.memory_space<vmem>> -> memref<6272xf32, #tpu.memory_space<vmem>>
    %dma_start3A_192 = arith.constant 0 : i32
    %dma_start3A_193 = tpu.memref_slice %arg8[%dma_start3A_184, %dma_start3A_192] : memref<16x6272xf32, #tpu.memory_space<vmem_shared>> -> memref<1x6272xf32, #tpu.memory_space<vmem_shared>>
    %dma_start3A_194 = tpu.memref_squeeze %dma_start3A_193 : memref<1x6272xf32, #tpu.memory_space<vmem_shared>> -> memref<6272xf32, #tpu.memory_space<vmem_shared>>
    tpu.enqueue_dma source(%dma_start3A_194 : memref<6272xf32, #tpu.memory_space<vmem_shared>>) target(%dma_start3A_191 : memref<6272xf32, #tpu.memory_space<vmem>>) target_semaphore(%arg11 : memref<!tpu.dma_semaphore, #tpu.memory_space<semaphore_mem>>)
    %dma_start3A_195 = arith.constant 12 : i32
    %dma_start3A_196 = arith.constant 75264 : i32
    %dma_start3A_197 = tpu.memref_slice %arg5[%dma_start3A_196] : memref<100096xf32, #tpu.memory_space<vmem>> -> memref<6272xf32, #tpu.memory_space<vmem>>
    %dma_start3A_198 = arith.constant 0 : i32
    %dma_start3A_199 = tpu.memref_slice %arg8[%dma_start3A_195, %dma_start3A_198] : memref<16x6272xf32, #tpu.memory_space<vmem_shared>> -> memref<1x6272xf32, #tpu.memory_space<vmem_shared>>
    %dma_start3A_200 = tpu.memref_squeeze %dma_start3A_199 : memref<1x6272xf32, #tpu.memory_space<vmem_shared>> -> memref<6272xf32, #tpu.memory_space<vmem_shared>>
    %dma_start3A_201 = arith.constant 75264 : i32
    %dma_start3A_202 = tpu.memref_slice %arg5[%dma_start3A_201] : memref<100096xf32, #tpu.memory_space<vmem>> -> memref<6272xf32, #tpu.memory_space<vmem>>
    %dma_start3A_203 = arith.constant 0 : i32
    %dma_start3A_204 = tpu.memref_slice %arg8[%dma_start3A_195, %dma_start3A_203] : memref<16x6272xf32, #tpu.memory_space<vmem_shared>> -> memref<1x6272xf32, #tpu.memory_space<vmem_shared>>
    %dma_start3A_205 = tpu.memref_squeeze %dma_start3A_204 : memref<1x6272xf32, #tpu.memory_space<vmem_shared>> -> memref<6272xf32, #tpu.memory_space<vmem_shared>>
    tpu.enqueue_dma source(%dma_start3A_205 : memref<6272xf32, #tpu.memory_space<vmem_shared>>) target(%dma_start3A_202 : memref<6272xf32, #tpu.memory_space<vmem>>) target_semaphore(%arg11 : memref<!tpu.dma_semaphore, #tpu.memory_space<semaphore_mem>>)
    %dma_start3A_206 = arith.constant 13 : i32
    %dma_start3A_207 = arith.constant 81536 : i32
    %dma_start3A_208 = tpu.memref_slice %arg5[%dma_start3A_207] : memref<100096xf32, #tpu.memory_space<vmem>> -> memref<6272xf32, #tpu.memory_space<vmem>>
    %dma_start3A_209 = arith.constant 0 : i32
    %dma_start3A_210 = tpu.memref_slice %arg8[%dma_start3A_206, %dma_start3A_209] : memref<16x6272xf32, #tpu.memory_space<vmem_shared>> -> memref<1x6272xf32, #tpu.memory_space<vmem_shared>>
    %dma_start3A_211 = tpu.memref_squeeze %dma_start3A_210 : memref<1x6272xf32, #tpu.memory_space<vmem_shared>> -> memref<6272xf32, #tpu.memory_space<vmem_shared>>
    %dma_start3A_212 = arith.constant 81536 : i32
    %dma_start3A_213 = tpu.memref_slice %arg5[%dma_start3A_212] : memref<100096xf32, #tpu.memory_space<vmem>> -> memref<6272xf32, #tpu.memory_space<vmem>>
    %dma_start3A_214 = arith.constant 0 : i32
    %dma_start3A_215 = tpu.memref_slice %arg8[%dma_start3A_206, %dma_start3A_214] : memref<16x6272xf32, #tpu.memory_space<vmem_shared>> -> memref<1x6272xf32, #tpu.memory_space<vmem_shared>>
    %dma_start3A_216 = tpu.memref_squeeze %dma_start3A_215 : memref<1x6272xf32, #tpu.memory_space<vmem_shared>> -> memref<6272xf32, #tpu.memory_space<vmem_shared>>
    tpu.enqueue_dma source(%dma_start3A_216 : memref<6272xf32, #tpu.memory_space<vmem_shared>>) target(%dma_start3A_213 : memref<6272xf32, #tpu.memory_space<vmem>>) target_semaphore(%arg11 : memref<!tpu.dma_semaphore, #tpu.memory_space<semaphore_mem>>)
    %dma_start3A_217 = arith.constant 14 : i32
    %dma_start3A_218 = arith.constant 87808 : i32
    %dma_start3A_219 = tpu.memref_slice %arg5[%dma_start3A_218] : memref<100096xf32, #tpu.memory_space<vmem>> -> memref<6272xf32, #tpu.memory_space<vmem>>
    %dma_start3A_220 = arith.constant 0 : i32
    %dma_start3A_221 = tpu.memref_slice %arg8[%dma_start3A_217, %dma_start3A_220] : memref<16x6272xf32, #tpu.memory_space<vmem_shared>> -> memref<1x6272xf32, #tpu.memory_space<vmem_shared>>
    %dma_start3A_222 = tpu.memref_squeeze %dma_start3A_221 : memref<1x6272xf32, #tpu.memory_space<vmem_shared>> -> memref<6272xf32, #tpu.memory_space<vmem_shared>>
    %dma_start3A_223 = arith.constant 87808 : i32
    %dma_start3A_224 = tpu.memref_slice %arg5[%dma_start3A_223] : memref<100096xf32, #tpu.memory_space<vmem>> -> memref<6272xf32, #tpu.memory_space<vmem>>
    %dma_start3A_225 = arith.constant 0 : i32
    %dma_start3A_226 = tpu.memref_slice %arg8[%dma_start3A_217, %dma_start3A_225] : memref<16x6272xf32, #tpu.memory_space<vmem_shared>> -> memref<1x6272xf32, #tpu.memory_space<vmem_shared>>
    %dma_start3A_227 = tpu.memref_squeeze %dma_start3A_226 : memref<1x6272xf32, #tpu.memory_space<vmem_shared>> -> memref<6272xf32, #tpu.memory_space<vmem_shared>>
    tpu.enqueue_dma source(%dma_start3A_227 : memref<6272xf32, #tpu.memory_space<vmem_shared>>) target(%dma_start3A_224 : memref<6272xf32, #tpu.memory_space<vmem>>) target_semaphore(%arg11 : memref<!tpu.dma_semaphore, #tpu.memory_space<semaphore_mem>>)
    %dma_start3A_228 = arith.constant 15 : i32
    %dma_start3A_229 = arith.constant 94080 : i32
    %dma_start3A_230 = tpu.memref_slice %arg5[%dma_start3A_229] : memref<100096xf32, #tpu.memory_space<vmem>> -> memref<6016xf32, #tpu.memory_space<vmem>>
    %dma_start3A_231 = arith.constant 0 : i32
    %dma_start3A_232 = tpu.memref_slice %arg8[%dma_start3A_228, %dma_start3A_231] : memref<16x6272xf32, #tpu.memory_space<vmem_shared>> -> memref<1x6016xf32, #tpu.memory_space<vmem_shared>>
    %dma_start3A_233 = tpu.memref_squeeze %dma_start3A_232 : memref<1x6016xf32, #tpu.memory_space<vmem_shared>> -> memref<6016xf32, #tpu.memory_space<vmem_shared>>
    %dma_start3A_234 = arith.constant 94080 : i32
    %dma_start3A_235 = tpu.memref_slice %arg5[%dma_start3A_234] : memref<100096xf32, #tpu.memory_space<vmem>> -> memref<6016xf32, #tpu.memory_space<vmem>>
    %dma_start3A_236 = arith.constant 0 : i32
    %dma_start3A_237 = tpu.memref_slice %arg8[%dma_start3A_228, %dma_start3A_236] : memref<16x6272xf32, #tpu.memory_space<vmem_shared>> -> memref<1x6016xf32, #tpu.memory_space<vmem_shared>>
    %dma_start3A_238 = tpu.memref_squeeze %dma_start3A_237 : memref<1x6016xf32, #tpu.memory_space<vmem_shared>> -> memref<6016xf32, #tpu.memory_space<vmem_shared>>
    tpu.enqueue_dma source(%dma_start3A_238 : memref<6016xf32, #tpu.memory_space<vmem_shared>>) target(%dma_start3A_235 : memref<6016xf32, #tpu.memory_space<vmem>>) target_semaphore(%arg11 : memref<!tpu.dma_semaphore, #tpu.memory_space<semaphore_mem>>)
    %dma_wait3A_239 = arith.constant 0 : i32
    %dma_wait3A_240 = arith.constant 0 : i32
    %dma_wait3A_241 = tpu.memref_slice %arg5[%dma_wait3A_240] : memref<100096xf32, #tpu.memory_space<vmem>> -> memref<6272xf32, #tpu.memory_space<vmem>>
    %dma_wait3A_242 = arith.constant 0 : i32
    %dma_wait3A_243 = tpu.memref_slice %arg8[%dma_wait3A_239, %dma_wait3A_242] : memref<16x6272xf32, #tpu.memory_space<vmem_shared>> -> memref<1x6272xf32, #tpu.memory_space<vmem_shared>>
    %dma_wait3A_244 = tpu.memref_squeeze %dma_wait3A_243 : memref<1x6272xf32, #tpu.memory_space<vmem_shared>> -> memref<6272xf32, #tpu.memory_space<vmem_shared>>
    %dma_wait3A_245 = arith.constant 0 : i32
    %dma_wait3A_246 = tpu.memref_slice %arg5[%dma_wait3A_245] : memref<100096xf32, #tpu.memory_space<vmem>> -> memref<6272xf32, #tpu.memory_space<vmem>>
    %dma_wait3A_247 = arith.constant 0 : i32
    %dma_wait3A_248 = tpu.memref_slice %arg8[%dma_wait3A_239, %dma_wait3A_247] : memref<16x6272xf32, #tpu.memory_space<vmem_shared>> -> memref<1x6272xf32, #tpu.memory_space<vmem_shared>>
    %dma_wait3A_249 = tpu.memref_squeeze %dma_wait3A_248 : memref<1x6272xf32, #tpu.memory_space<vmem_shared>> -> memref<6272xf32, #tpu.memory_space<vmem_shared>>
    tpu.wait_dma2 semaphore(%arg11 : memref<!tpu.dma_semaphore, #tpu.memory_space<semaphore_mem>>) src(%dma_wait3A_249 : memref<6272xf32, #tpu.memory_space<vmem_shared>>) dst(%dma_wait3A_246 : memref<6272xf32, #tpu.memory_space<vmem>>)
    %dma_wait3A_250 = arith.constant 1 : i32
    %dma_wait3A_251 = arith.constant 6272 : i32
    %dma_wait3A_252 = tpu.memref_slice %arg5[%dma_wait3A_251] : memref<100096xf32, #tpu.memory_space<vmem>> -> memref<6272xf32, #tpu.memory_space<vmem>>
    %dma_wait3A_253 = arith.constant 0 : i32
    %dma_wait3A_254 = tpu.memref_slice %arg8[%dma_wait3A_250, %dma_wait3A_253] : memref<16x6272xf32, #tpu.memory_space<vmem_shared>> -> memref<1x6272xf32, #tpu.memory_space<vmem_shared>>
    %dma_wait3A_255 = tpu.memref_squeeze %dma_wait3A_254 : memref<1x6272xf32, #tpu.memory_space<vmem_shared>> -> memref<6272xf32, #tpu.memory_space<vmem_shared>>
    %dma_wait3A_256 = arith.constant 6272 : i32
    %dma_wait3A_257 = tpu.memref_slice %arg5[%dma_wait3A_256] : memref<100096xf32, #tpu.memory_space<vmem>> -> memref<6272xf32, #tpu.memory_space<vmem>>
    %dma_wait3A_258 = arith.constant 0 : i32
    %dma_wait3A_259 = tpu.memref_slice %arg8[%dma_wait3A_250, %dma_wait3A_258] : memref<16x6272xf32, #tpu.memory_space<vmem_shared>> -> memref<1x6272xf32, #tpu.memory_space<vmem_shared>>
    %dma_wait3A_260 = tpu.memref_squeeze %dma_wait3A_259 : memref<1x6272xf32, #tpu.memory_space<vmem_shared>> -> memref<6272xf32, #tpu.memory_space<vmem_shared>>
    tpu.wait_dma2 semaphore(%arg11 : memref<!tpu.dma_semaphore, #tpu.memory_space<semaphore_mem>>) src(%dma_wait3A_260 : memref<6272xf32, #tpu.memory_space<vmem_shared>>) dst(%dma_wait3A_257 : memref<6272xf32, #tpu.memory_space<vmem>>)
    %dma_wait3A_261 = arith.constant 2 : i32
    %dma_wait3A_262 = arith.constant 12544 : i32
    %dma_wait3A_263 = tpu.memref_slice %arg5[%dma_wait3A_262] : memref<100096xf32, #tpu.memory_space<vmem>> -> memref<6272xf32, #tpu.memory_space<vmem>>
    %dma_wait3A_264 = arith.constant 0 : i32
    %dma_wait3A_265 = tpu.memref_slice %arg8[%dma_wait3A_261, %dma_wait3A_264] : memref<16x6272xf32, #tpu.memory_space<vmem_shared>> -> memref<1x6272xf32, #tpu.memory_space<vmem_shared>>
    %dma_wait3A_266 = tpu.memref_squeeze %dma_wait3A_265 : memref<1x6272xf32, #tpu.memory_space<vmem_shared>> -> memref<6272xf32, #tpu.memory_space<vmem_shared>>
    %dma_wait3A_267 = arith.constant 12544 : i32
    %dma_wait3A_268 = tpu.memref_slice %arg5[%dma_wait3A_267] : memref<100096xf32, #tpu.memory_space<vmem>> -> memref<6272xf32, #tpu.memory_space<vmem>>
    %dma_wait3A_269 = arith.constant 0 : i32
    %dma_wait3A_270 = tpu.memref_slice %arg8[%dma_wait3A_261, %dma_wait3A_269] : memref<16x6272xf32, #tpu.memory_space<vmem_shared>> -> memref<1x6272xf32, #tpu.memory_space<vmem_shared>>
    %dma_wait3A_271 = tpu.memref_squeeze %dma_wait3A_270 : memref<1x6272xf32, #tpu.memory_space<vmem_shared>> -> memref<6272xf32, #tpu.memory_space<vmem_shared>>
    tpu.wait_dma2 semaphore(%arg11 : memref<!tpu.dma_semaphore, #tpu.memory_space<semaphore_mem>>) src(%dma_wait3A_271 : memref<6272xf32, #tpu.memory_space<vmem_shared>>) dst(%dma_wait3A_268 : memref<6272xf32, #tpu.memory_space<vmem>>)
    %dma_wait3A_272 = arith.constant 3 : i32
    %dma_wait3A_273 = arith.constant 18816 : i32
    %dma_wait3A_274 = tpu.memref_slice %arg5[%dma_wait3A_273] : memref<100096xf32, #tpu.memory_space<vmem>> -> memref<6272xf32, #tpu.memory_space<vmem>>
    %dma_wait3A_275 = arith.constant 0 : i32
    %dma_wait3A_276 = tpu.memref_slice %arg8[%dma_wait3A_272, %dma_wait3A_275] : memref<16x6272xf32, #tpu.memory_space<vmem_shared>> -> memref<1x6272xf32, #tpu.memory_space<vmem_shared>>
    %dma_wait3A_277 = tpu.memref_squeeze %dma_wait3A_276 : memref<1x6272xf32, #tpu.memory_space<vmem_shared>> -> memref<6272xf32, #tpu.memory_space<vmem_shared>>
    %dma_wait3A_278 = arith.constant 18816 : i32
    %dma_wait3A_279 = tpu.memref_slice %arg5[%dma_wait3A_278] : memref<100096xf32, #tpu.memory_space<vmem>> -> memref<6272xf32, #tpu.memory_space<vmem>>
    %dma_wait3A_280 = arith.constant 0 : i32
    %dma_wait3A_281 = tpu.memref_slice %arg8[%dma_wait3A_272, %dma_wait3A_280] : memref<16x6272xf32, #tpu.memory_space<vmem_shared>> -> memref<1x6272xf32, #tpu.memory_space<vmem_shared>>
    %dma_wait3A_282 = tpu.memref_squeeze %dma_wait3A_281 : memref<1x6272xf32, #tpu.memory_space<vmem_shared>> -> memref<6272xf32, #tpu.memory_space<vmem_shared>>
    tpu.wait_dma2 semaphore(%arg11 : memref<!tpu.dma_semaphore, #tpu.memory_space<semaphore_mem>>) src(%dma_wait3A_282 : memref<6272xf32, #tpu.memory_space<vmem_shared>>) dst(%dma_wait3A_279 : memref<6272xf32, #tpu.memory_space<vmem>>)
    %dma_wait3A_283 = arith.constant 4 : i32
    %dma_wait3A_284 = arith.constant 25088 : i32
    %dma_wait3A_285 = tpu.memref_slice %arg5[%dma_wait3A_284] : memref<100096xf32, #tpu.memory_space<vmem>> -> memref<6272xf32, #tpu.memory_space<vmem>>
    %dma_wait3A_286 = arith.constant 0 : i32
    %dma_wait3A_287 = tpu.memref_slice %arg8[%dma_wait3A_283, %dma_wait3A_286] : memref<16x6272xf32, #tpu.memory_space<vmem_shared>> -> memref<1x6272xf32, #tpu.memory_space<vmem_shared>>
    %dma_wait3A_288 = tpu.memref_squeeze %dma_wait3A_287 : memref<1x6272xf32, #tpu.memory_space<vmem_shared>> -> memref<6272xf32, #tpu.memory_space<vmem_shared>>
    %dma_wait3A_289 = arith.constant 25088 : i32
    %dma_wait3A_290 = tpu.memref_slice %arg5[%dma_wait3A_289] : memref<100096xf32, #tpu.memory_space<vmem>> -> memref<6272xf32, #tpu.memory_space<vmem>>
    %dma_wait3A_291 = arith.constant 0 : i32
    %dma_wait3A_292 = tpu.memref_slice %arg8[%dma_wait3A_283, %dma_wait3A_291] : memref<16x6272xf32, #tpu.memory_space<vmem_shared>> -> memref<1x6272xf32, #tpu.memory_space<vmem_shared>>
    %dma_wait3A_293 = tpu.memref_squeeze %dma_wait3A_292 : memref<1x6272xf32, #tpu.memory_space<vmem_shared>> -> memref<6272xf32, #tpu.memory_space<vmem_shared>>
    tpu.wait_dma2 semaphore(%arg11 : memref<!tpu.dma_semaphore, #tpu.memory_space<semaphore_mem>>) src(%dma_wait3A_293 : memref<6272xf32, #tpu.memory_space<vmem_shared>>) dst(%dma_wait3A_290 : memref<6272xf32, #tpu.memory_space<vmem>>)
    %dma_wait3A_294 = arith.constant 5 : i32
    %dma_wait3A_295 = arith.constant 31360 : i32
    %dma_wait3A_296 = tpu.memref_slice %arg5[%dma_wait3A_295] : memref<100096xf32, #tpu.memory_space<vmem>> -> memref<6272xf32, #tpu.memory_space<vmem>>
    %dma_wait3A_297 = arith.constant 0 : i32
    %dma_wait3A_298 = tpu.memref_slice %arg8[%dma_wait3A_294, %dma_wait3A_297] : memref<16x6272xf32, #tpu.memory_space<vmem_shared>> -> memref<1x6272xf32, #tpu.memory_space<vmem_shared>>
    %dma_wait3A_299 = tpu.memref_squeeze %dma_wait3A_298 : memref<1x6272xf32, #tpu.memory_space<vmem_shared>> -> memref<6272xf32, #tpu.memory_space<vmem_shared>>
    %dma_wait3A_300 = arith.constant 31360 : i32
    %dma_wait3A_301 = tpu.memref_slice %arg5[%dma_wait3A_300] : memref<100096xf32, #tpu.memory_space<vmem>> -> memref<6272xf32, #tpu.memory_space<vmem>>
    %dma_wait3A_302 = arith.constant 0 : i32
    %dma_wait3A_303 = tpu.memref_slice %arg8[%dma_wait3A_294, %dma_wait3A_302] : memref<16x6272xf32, #tpu.memory_space<vmem_shared>> -> memref<1x6272xf32, #tpu.memory_space<vmem_shared>>
    %dma_wait3A_304 = tpu.memref_squeeze %dma_wait3A_303 : memref<1x6272xf32, #tpu.memory_space<vmem_shared>> -> memref<6272xf32, #tpu.memory_space<vmem_shared>>
    tpu.wait_dma2 semaphore(%arg11 : memref<!tpu.dma_semaphore, #tpu.memory_space<semaphore_mem>>) src(%dma_wait3A_304 : memref<6272xf32, #tpu.memory_space<vmem_shared>>) dst(%dma_wait3A_301 : memref<6272xf32, #tpu.memory_space<vmem>>)
    %dma_wait3A_305 = arith.constant 6 : i32
    %dma_wait3A_306 = arith.constant 37632 : i32
    %dma_wait3A_307 = tpu.memref_slice %arg5[%dma_wait3A_306] : memref<100096xf32, #tpu.memory_space<vmem>> -> memref<6272xf32, #tpu.memory_space<vmem>>
    %dma_wait3A_308 = arith.constant 0 : i32
    %dma_wait3A_309 = tpu.memref_slice %arg8[%dma_wait3A_305, %dma_wait3A_308] : memref<16x6272xf32, #tpu.memory_space<vmem_shared>> -> memref<1x6272xf32, #tpu.memory_space<vmem_shared>>
    %dma_wait3A_310 = tpu.memref_squeeze %dma_wait3A_309 : memref<1x6272xf32, #tpu.memory_space<vmem_shared>> -> memref<6272xf32, #tpu.memory_space<vmem_shared>>
    %dma_wait3A_311 = arith.constant 37632 : i32
    %dma_wait3A_312 = tpu.memref_slice %arg5[%dma_wait3A_311] : memref<100096xf32, #tpu.memory_space<vmem>> -> memref<6272xf32, #tpu.memory_space<vmem>>
    %dma_wait3A_313 = arith.constant 0 : i32
    %dma_wait3A_314 = tpu.memref_slice %arg8[%dma_wait3A_305, %dma_wait3A_313] : memref<16x6272xf32, #tpu.memory_space<vmem_shared>> -> memref<1x6272xf32, #tpu.memory_space<vmem_shared>>
    %dma_wait3A_315 = tpu.memref_squeeze %dma_wait3A_314 : memref<1x6272xf32, #tpu.memory_space<vmem_shared>> -> memref<6272xf32, #tpu.memory_space<vmem_shared>>
    tpu.wait_dma2 semaphore(%arg11 : memref<!tpu.dma_semaphore, #tpu.memory_space<semaphore_mem>>) src(%dma_wait3A_315 : memref<6272xf32, #tpu.memory_space<vmem_shared>>) dst(%dma_wait3A_312 : memref<6272xf32, #tpu.memory_space<vmem>>)
    %dma_wait3A_316 = arith.constant 7 : i32
    %dma_wait3A_317 = arith.constant 43904 : i32
    %dma_wait3A_318 = tpu.memref_slice %arg5[%dma_wait3A_317] : memref<100096xf32, #tpu.memory_space<vmem>> -> memref<6272xf32, #tpu.memory_space<vmem>>
    %dma_wait3A_319 = arith.constant 0 : i32
    %dma_wait3A_320 = tpu.memref_slice %arg8[%dma_wait3A_316, %dma_wait3A_319] : memref<16x6272xf32, #tpu.memory_space<vmem_shared>> -> memref<1x6272xf32, #tpu.memory_space<vmem_shared>>
    %dma_wait3A_321 = tpu.memref_squeeze %dma_wait3A_320 : memref<1x6272xf32, #tpu.memory_space<vmem_shared>> -> memref<6272xf32, #tpu.memory_space<vmem_shared>>
    %dma_wait3A_322 = arith.constant 43904 : i32
    %dma_wait3A_323 = tpu.memref_slice %arg5[%dma_wait3A_322] : memref<100096xf32, #tpu.memory_space<vmem>> -> memref<6272xf32, #tpu.memory_space<vmem>>
    %dma_wait3A_324 = arith.constant 0 : i32
    %dma_wait3A_325 = tpu.memref_slice %arg8[%dma_wait3A_316, %dma_wait3A_324] : memref<16x6272xf32, #tpu.memory_space<vmem_shared>> -> memref<1x6272xf32, #tpu.memory_space<vmem_shared>>
    %dma_wait3A_326 = tpu.memref_squeeze %dma_wait3A_325 : memref<1x6272xf32, #tpu.memory_space<vmem_shared>> -> memref<6272xf32, #tpu.memory_space<vmem_shared>>
    tpu.wait_dma2 semaphore(%arg11 : memref<!tpu.dma_semaphore, #tpu.memory_space<semaphore_mem>>) src(%dma_wait3A_326 : memref<6272xf32, #tpu.memory_space<vmem_shared>>) dst(%dma_wait3A_323 : memref<6272xf32, #tpu.memory_space<vmem>>)
    %dma_wait3A_327 = arith.constant 8 : i32
    %dma_wait3A_328 = arith.constant 50176 : i32
    %dma_wait3A_329 = tpu.memref_slice %arg5[%dma_wait3A_328] : memref<100096xf32, #tpu.memory_space<vmem>> -> memref<6272xf32, #tpu.memory_space<vmem>>
    %dma_wait3A_330 = arith.constant 0 : i32
    %dma_wait3A_331 = tpu.memref_slice %arg8[%dma_wait3A_327, %dma_wait3A_330] : memref<16x6272xf32, #tpu.memory_space<vmem_shared>> -> memref<1x6272xf32, #tpu.memory_space<vmem_shared>>
    %dma_wait3A_332 = tpu.memref_squeeze %dma_wait3A_331 : memref<1x6272xf32, #tpu.memory_space<vmem_shared>> -> memref<6272xf32, #tpu.memory_space<vmem_shared>>
    %dma_wait3A_333 = arith.constant 50176 : i32
    %dma_wait3A_334 = tpu.memref_slice %arg5[%dma_wait3A_333] : memref<100096xf32, #tpu.memory_space<vmem>> -> memref<6272xf32, #tpu.memory_space<vmem>>
    %dma_wait3A_335 = arith.constant 0 : i32
    %dma_wait3A_336 = tpu.memref_slice %arg8[%dma_wait3A_327, %dma_wait3A_335] : memref<16x6272xf32, #tpu.memory_space<vmem_shared>> -> memref<1x6272xf32, #tpu.memory_space<vmem_shared>>
    %dma_wait3A_337 = tpu.memref_squeeze %dma_wait3A_336 : memref<1x6272xf32, #tpu.memory_space<vmem_shared>> -> memref<6272xf32, #tpu.memory_space<vmem_shared>>
    tpu.wait_dma2 semaphore(%arg11 : memref<!tpu.dma_semaphore, #tpu.memory_space<semaphore_mem>>) src(%dma_wait3A_337 : memref<6272xf32, #tpu.memory_space<vmem_shared>>) dst(%dma_wait3A_334 : memref<6272xf32, #tpu.memory_space<vmem>>)
    %dma_wait3A_338 = arith.constant 9 : i32
    %dma_wait3A_339 = arith.constant 56448 : i32
    %dma_wait3A_340 = tpu.memref_slice %arg5[%dma_wait3A_339] : memref<100096xf32, #tpu.memory_space<vmem>> -> memref<6272xf32, #tpu.memory_space<vmem>>
    %dma_wait3A_341 = arith.constant 0 : i32
    %dma_wait3A_342 = tpu.memref_slice %arg8[%dma_wait3A_338, %dma_wait3A_341] : memref<16x6272xf32, #tpu.memory_space<vmem_shared>> -> memref<1x6272xf32, #tpu.memory_space<vmem_shared>>
    %dma_wait3A_343 = tpu.memref_squeeze %dma_wait3A_342 : memref<1x6272xf32, #tpu.memory_space<vmem_shared>> -> memref<6272xf32, #tpu.memory_space<vmem_shared>>
    %dma_wait3A_344 = arith.constant 56448 : i32
    %dma_wait3A_345 = tpu.memref_slice %arg5[%dma_wait3A_344] : memref<100096xf32, #tpu.memory_space<vmem>> -> memref<6272xf32, #tpu.memory_space<vmem>>
    %dma_wait3A_346 = arith.constant 0 : i32
    %dma_wait3A_347 = tpu.memref_slice %arg8[%dma_wait3A_338, %dma_wait3A_346] : memref<16x6272xf32, #tpu.memory_space<vmem_shared>> -> memref<1x6272xf32, #tpu.memory_space<vmem_shared>>
    %dma_wait3A_348 = tpu.memref_squeeze %dma_wait3A_347 : memref<1x6272xf32, #tpu.memory_space<vmem_shared>> -> memref<6272xf32, #tpu.memory_space<vmem_shared>>
    tpu.wait_dma2 semaphore(%arg11 : memref<!tpu.dma_semaphore, #tpu.memory_space<semaphore_mem>>) src(%dma_wait3A_348 : memref<6272xf32, #tpu.memory_space<vmem_shared>>) dst(%dma_wait3A_345 : memref<6272xf32, #tpu.memory_space<vmem>>)
    %dma_wait3A_349 = arith.constant 10 : i32
    %dma_wait3A_350 = arith.constant 62720 : i32
    %dma_wait3A_351 = tpu.memref_slice %arg5[%dma_wait3A_350] : memref<100096xf32, #tpu.memory_space<vmem>> -> memref<6272xf32, #tpu.memory_space<vmem>>
    %dma_wait3A_352 = arith.constant 0 : i32
    %dma_wait3A_353 = tpu.memref_slice %arg8[%dma_wait3A_349, %dma_wait3A_352] : memref<16x6272xf32, #tpu.memory_space<vmem_shared>> -> memref<1x6272xf32, #tpu.memory_space<vmem_shared>>
    %dma_wait3A_354 = tpu.memref_squeeze %dma_wait3A_353 : memref<1x6272xf32, #tpu.memory_space<vmem_shared>> -> memref<6272xf32, #tpu.memory_space<vmem_shared>>
    %dma_wait3A_355 = arith.constant 62720 : i32
    %dma_wait3A_356 = tpu.memref_slice %arg5[%dma_wait3A_355] : memref<100096xf32, #tpu.memory_space<vmem>> -> memref<6272xf32, #tpu.memory_space<vmem>>
    %dma_wait3A_357 = arith.constant 0 : i32
    %dma_wait3A_358 = tpu.memref_slice %arg8[%dma_wait3A_349, %dma_wait3A_357] : memref<16x6272xf32, #tpu.memory_space<vmem_shared>> -> memref<1x6272xf32, #tpu.memory_space<vmem_shared>>
    %dma_wait3A_359 = tpu.memref_squeeze %dma_wait3A_358 : memref<1x6272xf32, #tpu.memory_space<vmem_shared>> -> memref<6272xf32, #tpu.memory_space<vmem_shared>>
    tpu.wait_dma2 semaphore(%arg11 : memref<!tpu.dma_semaphore, #tpu.memory_space<semaphore_mem>>) src(%dma_wait3A_359 : memref<6272xf32, #tpu.memory_space<vmem_shared>>) dst(%dma_wait3A_356 : memref<6272xf32, #tpu.memory_space<vmem>>)
    %dma_wait3A_360 = arith.constant 11 : i32
    %dma_wait3A_361 = arith.constant 68992 : i32
    %dma_wait3A_362 = tpu.memref_slice %arg5[%dma_wait3A_361] : memref<100096xf32, #tpu.memory_space<vmem>> -> memref<6272xf32, #tpu.memory_space<vmem>>
    %dma_wait3A_363 = arith.constant 0 : i32
    %dma_wait3A_364 = tpu.memref_slice %arg8[%dma_wait3A_360, %dma_wait3A_363] : memref<16x6272xf32, #tpu.memory_space<vmem_shared>> -> memref<1x6272xf32, #tpu.memory_space<vmem_shared>>
    %dma_wait3A_365 = tpu.memref_squeeze %dma_wait3A_364 : memref<1x6272xf32, #tpu.memory_space<vmem_shared>> -> memref<6272xf32, #tpu.memory_space<vmem_shared>>
    %dma_wait3A_366 = arith.constant 68992 : i32
    %dma_wait3A_367 = tpu.memref_slice %arg5[%dma_wait3A_366] : memref<100096xf32, #tpu.memory_space<vmem>> -> memref<6272xf32, #tpu.memory_space<vmem>>
    %dma_wait3A_368 = arith.constant 0 : i32
    %dma_wait3A_369 = tpu.memref_slice %arg8[%dma_wait3A_360, %dma_wait3A_368] : memref<16x6272xf32, #tpu.memory_space<vmem_shared>> -> memref<1x6272xf32, #tpu.memory_space<vmem_shared>>
    %dma_wait3A_370 = tpu.memref_squeeze %dma_wait3A_369 : memref<1x6272xf32, #tpu.memory_space<vmem_shared>> -> memref<6272xf32, #tpu.memory_space<vmem_shared>>
    tpu.wait_dma2 semaphore(%arg11 : memref<!tpu.dma_semaphore, #tpu.memory_space<semaphore_mem>>) src(%dma_wait3A_370 : memref<6272xf32, #tpu.memory_space<vmem_shared>>) dst(%dma_wait3A_367 : memref<6272xf32, #tpu.memory_space<vmem>>)
    %dma_wait3A_371 = arith.constant 12 : i32
    %dma_wait3A_372 = arith.constant 75264 : i32
    %dma_wait3A_373 = tpu.memref_slice %arg5[%dma_wait3A_372] : memref<100096xf32, #tpu.memory_space<vmem>> -> memref<6272xf32, #tpu.memory_space<vmem>>
    %dma_wait3A_374 = arith.constant 0 : i32
    %dma_wait3A_375 = tpu.memref_slice %arg8[%dma_wait3A_371, %dma_wait3A_374] : memref<16x6272xf32, #tpu.memory_space<vmem_shared>> -> memref<1x6272xf32, #tpu.memory_space<vmem_shared>>
    %dma_wait3A_376 = tpu.memref_squeeze %dma_wait3A_375 : memref<1x6272xf32, #tpu.memory_space<vmem_shared>> -> memref<6272xf32, #tpu.memory_space<vmem_shared>>
    %dma_wait3A_377 = arith.constant 75264 : i32
    %dma_wait3A_378 = tpu.memref_slice %arg5[%dma_wait3A_377] : memref<100096xf32, #tpu.memory_space<vmem>> -> memref<6272xf32, #tpu.memory_space<vmem>>
    %dma_wait3A_379 = arith.constant 0 : i32
    %dma_wait3A_380 = tpu.memref_slice %arg8[%dma_wait3A_371, %dma_wait3A_379] : memref<16x6272xf32, #tpu.memory_space<vmem_shared>> -> memref<1x6272xf32, #tpu.memory_space<vmem_shared>>
    %dma_wait3A_381 = tpu.memref_squeeze %dma_wait3A_380 : memref<1x6272xf32, #tpu.memory_space<vmem_shared>> -> memref<6272xf32, #tpu.memory_space<vmem_shared>>
    tpu.wait_dma2 semaphore(%arg11 : memref<!tpu.dma_semaphore, #tpu.memory_space<semaphore_mem>>) src(%dma_wait3A_381 : memref<6272xf32, #tpu.memory_space<vmem_shared>>) dst(%dma_wait3A_378 : memref<6272xf32, #tpu.memory_space<vmem>>)
    %dma_wait3A_382 = arith.constant 13 : i32
    %dma_wait3A_383 = arith.constant 81536 : i32
    %dma_wait3A_384 = tpu.memref_slice %arg5[%dma_wait3A_383] : memref<100096xf32, #tpu.memory_space<vmem>> -> memref<6272xf32, #tpu.memory_space<vmem>>
    %dma_wait3A_385 = arith.constant 0 : i32
    %dma_wait3A_386 = tpu.memref_slice %arg8[%dma_wait3A_382, %dma_wait3A_385] : memref<16x6272xf32, #tpu.memory_space<vmem_shared>> -> memref<1x6272xf32, #tpu.memory_space<vmem_shared>>
    %dma_wait3A_387 = tpu.memref_squeeze %dma_wait3A_386 : memref<1x6272xf32, #tpu.memory_space<vmem_shared>> -> memref<6272xf32, #tpu.memory_space<vmem_shared>>
    %dma_wait3A_388 = arith.constant 81536 : i32
    %dma_wait3A_389 = tpu.memref_slice %arg5[%dma_wait3A_388] : memref<100096xf32, #tpu.memory_space<vmem>> -> memref<6272xf32, #tpu.memory_space<vmem>>
    %dma_wait3A_390 = arith.constant 0 : i32
    %dma_wait3A_391 = tpu.memref_slice %arg8[%dma_wait3A_382, %dma_wait3A_390] : memref<16x6272xf32, #tpu.memory_space<vmem_shared>> -> memref<1x6272xf32, #tpu.memory_space<vmem_shared>>
    %dma_wait3A_392 = tpu.memref_squeeze %dma_wait3A_391 : memref<1x6272xf32, #tpu.memory_space<vmem_shared>> -> memref<6272xf32, #tpu.memory_space<vmem_shared>>
    tpu.wait_dma2 semaphore(%arg11 : memref<!tpu.dma_semaphore, #tpu.memory_space<semaphore_mem>>) src(%dma_wait3A_392 : memref<6272xf32, #tpu.memory_space<vmem_shared>>) dst(%dma_wait3A_389 : memref<6272xf32, #tpu.memory_space<vmem>>)
    %dma_wait3A_393 = arith.constant 14 : i32
    %dma_wait3A_394 = arith.constant 87808 : i32
    %dma_wait3A_395 = tpu.memref_slice %arg5[%dma_wait3A_394] : memref<100096xf32, #tpu.memory_space<vmem>> -> memref<6272xf32, #tpu.memory_space<vmem>>
    %dma_wait3A_396 = arith.constant 0 : i32
    %dma_wait3A_397 = tpu.memref_slice %arg8[%dma_wait3A_393, %dma_wait3A_396] : memref<16x6272xf32, #tpu.memory_space<vmem_shared>> -> memref<1x6272xf32, #tpu.memory_space<vmem_shared>>
    %dma_wait3A_398 = tpu.memref_squeeze %dma_wait3A_397 : memref<1x6272xf32, #tpu.memory_space<vmem_shared>> -> memref<6272xf32, #tpu.memory_space<vmem_shared>>
    %dma_wait3A_399 = arith.constant 87808 : i32
    %dma_wait3A_400 = tpu.memref_slice %arg5[%dma_wait3A_399] : memref<100096xf32, #tpu.memory_space<vmem>> -> memref<6272xf32, #tpu.memory_space<vmem>>
    %dma_wait3A_401 = arith.constant 0 : i32
    %dma_wait3A_402 = tpu.memref_slice %arg8[%dma_wait3A_393, %dma_wait3A_401] : memref<16x6272xf32, #tpu.memory_space<vmem_shared>> -> memref<1x6272xf32, #tpu.memory_space<vmem_shared>>
    %dma_wait3A_403 = tpu.memref_squeeze %dma_wait3A_402 : memref<1x6272xf32, #tpu.memory_space<vmem_shared>> -> memref<6272xf32, #tpu.memory_space<vmem_shared>>
    tpu.wait_dma2 semaphore(%arg11 : memref<!tpu.dma_semaphore, #tpu.memory_space<semaphore_mem>>) src(%dma_wait3A_403 : memref<6272xf32, #tpu.memory_space<vmem_shared>>) dst(%dma_wait3A_400 : memref<6272xf32, #tpu.memory_space<vmem>>)
    %dma_wait3A_404 = arith.constant 15 : i32
    %dma_wait3A_405 = arith.constant 94080 : i32
    %dma_wait3A_406 = tpu.memref_slice %arg5[%dma_wait3A_405] : memref<100096xf32, #tpu.memory_space<vmem>> -> memref<6016xf32, #tpu.memory_space<vmem>>
    %dma_wait3A_407 = arith.constant 0 : i32
    %dma_wait3A_408 = tpu.memref_slice %arg8[%dma_wait3A_404, %dma_wait3A_407] : memref<16x6272xf32, #tpu.memory_space<vmem_shared>> -> memref<1x6016xf32, #tpu.memory_space<vmem_shared>>
    %dma_wait3A_409 = tpu.memref_squeeze %dma_wait3A_408 : memref<1x6016xf32, #tpu.memory_space<vmem_shared>> -> memref<6016xf32, #tpu.memory_space<vmem_shared>>
    %dma_wait3A_410 = arith.constant 94080 : i32
    %dma_wait3A_411 = tpu.memref_slice %arg5[%dma_wait3A_410] : memref<100096xf32, #tpu.memory_space<vmem>> -> memref<6016xf32, #tpu.memory_space<vmem>>
    %dma_wait3A_412 = arith.constant 0 : i32
    %dma_wait3A_413 = tpu.memref_slice %arg8[%dma_wait3A_404, %dma_wait3A_412] : memref<16x6272xf32, #tpu.memory_space<vmem_shared>> -> memref<1x6016xf32, #tpu.memory_space<vmem_shared>>
    %dma_wait3A_414 = tpu.memref_squeeze %dma_wait3A_413 : memref<1x6016xf32, #tpu.memory_space<vmem_shared>> -> memref<6016xf32, #tpu.memory_space<vmem_shared>>
    tpu.wait_dma2 semaphore(%arg11 : memref<!tpu.dma_semaphore, #tpu.memory_space<semaphore_mem>>) src(%dma_wait3A_414 : memref<6016xf32, #tpu.memory_space<vmem_shared>>) dst(%dma_wait3A_411 : memref<6016xf32, #tpu.memory_space<vmem>>)
    %scan3A = arith.constant 0 : i32
    %scan3A_415 = arith.constant 0 : i32
    %scan3A_416 = arith.constant 24 : i32
    %scan3A_417 = arith.addi %scan3A_415, %scan3A_416 : i32
    %scan3A_418 = arith.constant 1 : i32
    scf.for %scan3A_468 = %scan3A_415 to %scan3A_417 step %scan3A_418  : i32 {
      %mul3A_469 = arith.constant 4 : i32
      %mul3A_470 = arith.muli %scan3A_468, %mul3A_469 : i32
      %add3A_471 = arith.constant 0 : i32
      %add3A_472 = arith.addi %mul3A_470, %add3A_471 : i32
      %mul3A_473 = arith.constant 2048 : i32
      %mul3A_474 = arith.muli %add3A_472, %mul3A_473 : i32
      %add3A_475 = arith.addi %mul3A_6, %mul3A_474 : i32
      %multiple_of3A_476 = tpu.assume_multiple %add3A_475, 2048 : i32
      %dma_wait3A_477 = arith.constant 0 : i32
      %dma_wait3A_478 = arith.constant 0 : i32
      %dma_wait3A_479 = arith.constant 0 : i32
      %dma_wait3A_480 = tpu.memref_slice %arg6[%dma_wait3A_477, %dma_wait3A_478, %dma_wait3A_479] : memref<4x2x2048xi32, #tpu.memory_space<vmem>> -> memref<1x2x2048xi32, #tpu.memory_space<vmem>>
      %dma_wait3A_481 = tpu.memref_squeeze %dma_wait3A_480 : memref<1x2x2048xi32, #tpu.memory_space<vmem>> -> memref<2x2048xi32, #tpu.memory_space<vmem>>
      %dma_wait3A_482 = arith.constant 0 : i32
      %dma_wait3A_483 = tpu.memref_slice %arg3[%dma_wait3A_482, %multiple_of3A_476] : memref<2x6400000xi32, #tpu.memory_space<hbm>> -> memref<2x2048xi32, #tpu.memory_space<hbm>>
      %dma_wait3A_484 = arith.constant 0 : i32
      %dma_wait3A_485 = arith.constant 0 : i32
      %dma_wait3A_486 = tpu.memref_slice %arg6[%dma_wait3A_477, %dma_wait3A_484, %dma_wait3A_485] : memref<4x2x2048xi32, #tpu.memory_space<vmem>> -> memref<1x2x2048xi32, #tpu.memory_space<vmem>>
      %dma_wait3A_487 = tpu.memref_squeeze %dma_wait3A_486 : memref<1x2x2048xi32, #tpu.memory_space<vmem>> -> memref<2x2048xi32, #tpu.memory_space<vmem>>
      %dma_wait3A_488 = arith.constant 0 : i32
      %dma_wait3A_489 = tpu.memref_slice %arg3[%dma_wait3A_488, %multiple_of3A_476] : memref<2x6400000xi32, #tpu.memory_space<hbm>> -> memref<2x2048xi32, #tpu.memory_space<hbm>>
      tpu.wait_dma2 semaphore(%arg9 : memref<!tpu.dma_semaphore, #tpu.memory_space<semaphore_mem>>) src(%dma_wait3A_489 : memref<2x2048xi32, #tpu.memory_space<hbm>>) dst(%dma_wait3A_487 : memref<2x2048xi32, #tpu.memory_space<vmem>>)
      %add3A_490 = arith.constant 4 : i32
      %add3A_491 = arith.addi %add3A_472, %add3A_490 : i32
      %sub3A = arith.constant 1 : i32
      %sub3A_492 = arith.subi %add3A_491, %sub3A : i32
      %lt3A_493 = arith.constant 96 : i32
      %lt3A_494 = arith.cmpi slt, %sub3A_492, %lt3A_493 : i32
      %convert_element_type3A_495 = arith.extui %lt3A_494 : i1 to i32
      %cond3A = arith.constant 0 : i32
      %cond3A_496 = arith.cmpi ne, %convert_element_type3A_495, %cond3A : i32
      scf.if %cond3A_496 {
        %add3A_641 = arith.constant 4 : i32
        %add3A_642 = arith.addi %add3A_472, %add3A_641 : i32
        %sub3A_643 = arith.constant 1 : i32
        %sub3A_644 = arith.subi %add3A_642, %sub3A_643 : i32
        %mul3A_645 = arith.constant 2048 : i32
        %mul3A_646 = arith.muli %sub3A_644, %mul3A_645 : i32
        %add3A_647 = arith.addi %mul3A_6, %mul3A_646 : i32
        %multiple_of3A_648 = tpu.assume_multiple %add3A_647, 2048 : i32
        %dma_start3A_649 = arith.constant 3 : i32
        %dma_start3A_650 = arith.constant 0 : i32
        %dma_start3A_651 = arith.constant 0 : i32
        %dma_start3A_652 = tpu.memref_slice %arg6[%dma_start3A_649, %dma_start3A_650, %dma_start3A_651] : memref<4x2x2048xi32, #tpu.memory_space<vmem>> -> memref<1x2x2048xi32, #tpu.memory_space<vmem>>
        %dma_start3A_653 = tpu.memref_squeeze %dma_start3A_652 : memref<1x2x2048xi32, #tpu.memory_space<vmem>> -> memref<2x2048xi32, #tpu.memory_space<vmem>>
        %dma_start3A_654 = arith.constant 0 : i32
        %dma_start3A_655 = tpu.memref_slice %arg3[%dma_start3A_654, %multiple_of3A_648] : memref<2x6400000xi32, #tpu.memory_space<hbm>> -> memref<2x2048xi32, #tpu.memory_space<hbm>>
        %dma_start3A_656 = arith.constant 0 : i32
        %dma_start3A_657 = arith.constant 0 : i32
        %dma_start3A_658 = tpu.memref_slice %arg6[%dma_start3A_649, %dma_start3A_656, %dma_start3A_657] : memref<4x2x2048xi32, #tpu.memory_space<vmem>> -> memref<1x2x2048xi32, #tpu.memory_space<vmem>>
        %dma_start3A_659 = tpu.memref_squeeze %dma_start3A_658 : memref<1x2x2048xi32, #tpu.memory_space<vmem>> -> memref<2x2048xi32, #tpu.memory_space<vmem>>
        %dma_start3A_660 = arith.constant 0 : i32
        %dma_start3A_661 = tpu.memref_slice %arg3[%dma_start3A_660, %multiple_of3A_648] : memref<2x6400000xi32, #tpu.memory_space<hbm>> -> memref<2x2048xi32, #tpu.memory_space<hbm>>
        tpu.enqueue_dma source(%dma_start3A_661 : memref<2x2048xi32, #tpu.memory_space<hbm>>) target(%dma_start3A_659 : memref<2x2048xi32, #tpu.memory_space<vmem>>) target_semaphore(%arg9 : memref<!tpu.dma_semaphore, #tpu.memory_space<semaphore_mem>>)
      } else {
      }
      %ge3A = arith.constant 4 : i32
      %ge3A_497 = arith.cmpi sge, %add3A_472, %ge3A : i32
      %convert_element_type3A_498 = arith.extui %ge3A_497 : i1 to i32
      %cond3A_499 = arith.constant 0 : i32
      %cond3A_500 = arith.cmpi ne, %convert_element_type3A_498, %cond3A_499 : i32
      scf.if %cond3A_500 {
        %dma_wait3A_641 = arith.constant 0 : i32
        %dma_wait3A_642 = tpu.memref_slice %arg7[%dma_wait3A_641] : memref<8192xf32, #tpu.memory_space<vmem>> -> memref<2048xf32, #tpu.memory_space<vmem>>
        %dma_wait3A_643 = tpu.memref_slice %arg4[%multiple_of3A_476] : memref<6400000xf32, #tpu.memory_space<hbm>> -> memref<2048xf32, #tpu.memory_space<hbm>>
        %dma_wait3A_644 = tpu.memref_slice %arg4[%multiple_of3A_476] : memref<6400000xf32, #tpu.memory_space<hbm>> -> memref<2048xf32, #tpu.memory_space<hbm>>
        %dma_wait3A_645 = arith.constant 0 : i32
        %dma_wait3A_646 = tpu.memref_slice %arg7[%dma_wait3A_645] : memref<8192xf32, #tpu.memory_space<vmem>> -> memref<2048xf32, #tpu.memory_space<vmem>>
        tpu.wait_dma2 semaphore(%arg10 : memref<!tpu.dma_semaphore, #tpu.memory_space<semaphore_mem>>) src(%dma_wait3A_646 : memref<2048xf32, #tpu.memory_space<vmem>>) dst(%dma_wait3A_644 : memref<2048xf32, #tpu.memory_space<hbm>>)
      } else {
      }
      %parallel_loop3A = arith.constant 0 : i32
      %parallel_loop3A_501 = arith.constant 128 : i32
      %parallel_loop3A_502 = arith.constant 1 : i32
      scf.for %parallel_loop3A_641 = %parallel_loop3A to %parallel_loop3A_501 step %parallel_loop3A_502  : i32 {
        %parallel_loop3A_642 = arith.constant 16 : i32
        %parallel_loop3A_643 = arith.muli %parallel_loop3A_641, %parallel_loop3A_642 : i32
        %parallel_loop3A_644 = arith.constant 0 : i32
        %parallel_loop3A_645 = arith.constant 0 : i32
        %parallel_loop3A_646 = arith.index_cast %parallel_loop3A_644 : i32 to index
        %parallel_loop3A_647 = arith.index_cast %parallel_loop3A_645 : i32 to index
        %parallel_loop3A_648 = arith.index_cast %parallel_loop3A_643 : i32 to index
        %parallel_loop3A_649 = tpu.vector_load %arg6[%parallel_loop3A_646, %parallel_loop3A_647, %parallel_loop3A_648] {strides = array<i32>} : memref<4x2x2048xi32, #tpu.memory_space<vmem>>, vector<16xi32>,
        %parallel_loop3A_650 = arith.constant 16 : i32
        %parallel_loop3A_651 = arith.muli %parallel_loop3A_641, %parallel_loop3A_650 : i32
        %parallel_loop3A_652 = arith.constant 0 : i32
        %parallel_loop3A_653 = arith.constant 1 : i32
        %parallel_loop3A_654 = arith.index_cast %parallel_loop3A_652 : i32 to index
        %parallel_loop3A_655 = arith.index_cast %parallel_loop3A_653 : i32 to index
        %parallel_loop3A_656 = arith.index_cast %parallel_loop3A_651 : i32 to index
        %parallel_loop3A_657 = tpu.vector_load %arg6[%parallel_loop3A_654, %parallel_loop3A_655, %parallel_loop3A_656] {strides = array<i32>} : memref<4x2x2048xi32, #tpu.memory_space<vmem>>, vector<16xi32>,
        %parallel_loop3A_658 = tpu.vector_load_idx %arg5[%parallel_loop3A_649] : memref<100096xf32, #tpu.memory_space<vmem>>[vector<16xi32>], vector<16xf32>,
        %parallel_loop3A_659 = tpu.vector_load_idx %arg5[%parallel_loop3A_657] : memref<100096xf32, #tpu.memory_space<vmem>>[vector<16xi32>], vector<16xf32>,
        %parallel_loop3A_660 = arith.mulf %parallel_loop3A_658, %parallel_loop3A_659 : vector<16xf32>
        %parallel_loop3A_661 = arith.constant 16 : i32
        %parallel_loop3A_662 = arith.muli %parallel_loop3A_641, %parallel_loop3A_661 : i32
        %parallel_loop3A_663 = arith.constant 0 : i32
        %parallel_loop3A_664 = arith.addi %parallel_loop3A_663, %parallel_loop3A_662 : i32
        %parallel_loop3A_665 = arith.index_cast %parallel_loop3A_664 : i32 to index
        %parallel_loop3A_666 = tpu.vector_load %arg7[%parallel_loop3A_665] {strides = array<i32>} : memref<8192xf32, #tpu.memory_space<vmem>>, vector<16xf32>,
        tpu.vector_store %arg7[%parallel_loop3A_665], %parallel_loop3A_660 {strides = array<i32>} : memref<8192xf32, #tpu.memory_space<vmem>>, vector<16xf32>,
      } {sc.loop_unroll_factor = 16 : i64, sc.parallel_access}
      %dma_start3A_503 = arith.constant 0 : i32
      %dma_start3A_504 = tpu.memref_slice %arg7[%dma_start3A_503] : memref<8192xf32, #tpu.memory_space<vmem>> -> memref<2048xf32, #tpu.memory_space<vmem>>
      %dma_start3A_505 = tpu.memref_slice %arg4[%multiple_of3A_476] : memref<6400000xf32, #tpu.memory_space<hbm>> -> memref<2048xf32, #tpu.memory_space<hbm>>
      %dma_start3A_506 = tpu.memref_slice %arg4[%multiple_of3A_476] : memref<6400000xf32, #tpu.memory_space<hbm>> -> memref<2048xf32, #tpu.memory_space<hbm>>
      %dma_start3A_507 = arith.constant 0 : i32
      %dma_start3A_508 = tpu.memref_slice %arg7[%dma_start3A_507] : memref<8192xf32, #tpu.memory_space<vmem>> -> memref<2048xf32, #tpu.memory_space<vmem>>
      tpu.enqueue_dma source(%dma_start3A_508 : memref<2048xf32, #tpu.memory_space<vmem>>) target(%dma_start3A_506 : memref<2048xf32, #tpu.memory_space<hbm>>) target_semaphore(%arg10 : memref<!tpu.dma_semaphore, #tpu.memory_space<semaphore_mem>>)
      %mul3A_509 = arith.constant 4 : i32
      %mul3A_510 = arith.muli %scan3A_468, %mul3A_509 : i32
      %add3A_511 = arith.constant 1 : i32
      %add3A_512 = arith.addi %mul3A_510, %add3A_511 : i32
      %mul3A_513 = arith.constant 2048 : i32
      %mul3A_514 = arith.muli %add3A_512, %mul3A_513 : i32
      %add3A_515 = arith.addi %mul3A_6, %mul3A_514 : i32
      %multiple_of3A_516 = tpu.assume_multiple %add3A_515, 2048 : i32
      %dma_wait3A_517 = arith.constant 1 : i32
      %dma_wait3A_518 = arith.constant 0 : i32
      %dma_wait3A_519 = arith.constant 0 : i32
      %dma_wait3A_520 = tpu.memref_slice %arg6[%dma_wait3A_517, %dma_wait3A_518, %dma_wait3A_519] : memref<4x2x2048xi32, #tpu.memory_space<vmem>> -> memref<1x2x2048xi32, #tpu.memory_space<vmem>>
      %dma_wait3A_521 = tpu.memref_squeeze %dma_wait3A_520 : memref<1x2x2048xi32, #tpu.memory_space<vmem>> -> memref<2x2048xi32, #tpu.memory_space<vmem>>
      %dma_wait3A_522 = arith.constant 0 : i32
      %dma_wait3A_523 = tpu.memref_slice %arg3[%dma_wait3A_522, %multiple_of3A_516] : memref<2x6400000xi32, #tpu.memory_space<hbm>> -> memref<2x2048xi32, #tpu.memory_space<hbm>>
      %dma_wait3A_524 = arith.constant 0 : i32
      %dma_wait3A_525 = arith.constant 0 : i32
      %dma_wait3A_526 = tpu.memref_slice %arg6[%dma_wait3A_517, %dma_wait3A_524, %dma_wait3A_525] : memref<4x2x2048xi32, #tpu.memory_space<vmem>> -> memref<1x2x2048xi32, #tpu.memory_space<vmem>>
      %dma_wait3A_527 = tpu.memref_squeeze %dma_wait3A_526 : memref<1x2x2048xi32, #tpu.memory_space<vmem>> -> memref<2x2048xi32, #tpu.memory_space<vmem>>
      %dma_wait3A_528 = arith.constant 0 : i32
      %dma_wait3A_529 = tpu.memref_slice %arg3[%dma_wait3A_528, %multiple_of3A_516] : memref<2x6400000xi32, #tpu.memory_space<hbm>> -> memref<2x2048xi32, #tpu.memory_space<hbm>>
      tpu.wait_dma2 semaphore(%arg9 : memref<!tpu.dma_semaphore, #tpu.memory_space<semaphore_mem>>) src(%dma_wait3A_529 : memref<2x2048xi32, #tpu.memory_space<hbm>>) dst(%dma_wait3A_527 : memref<2x2048xi32, #tpu.memory_space<vmem>>)
      %add3A_530 = arith.constant 4 : i32
      %add3A_531 = arith.addi %add3A_512, %add3A_530 : i32
      %sub3A_532 = arith.constant 1 : i32
      %sub3A_533 = arith.subi %add3A_531, %sub3A_532 : i32
      %lt3A_534 = arith.constant 96 : i32
      %lt3A_535 = arith.cmpi slt, %sub3A_533, %lt3A_534 : i32
      %convert_element_type3A_536 = arith.extui %lt3A_535 : i1 to i32
      %cond3A_537 = arith.constant 0 : i32
      %cond3A_538 = arith.cmpi ne, %convert_element_type3A_536, %cond3A_537 : i32
      scf.if %cond3A_538 {
        %add3A_641 = arith.constant 4 : i32
        %add3A_642 = arith.addi %add3A_512, %add3A_641 : i32
        %sub3A_643 = arith.constant 1 : i32
        %sub3A_644 = arith.subi %add3A_642, %sub3A_643 : i32
        %mul3A_645 = arith.constant 2048 : i32
        %mul3A_646 = arith.muli %sub3A_644, %mul3A_645 : i32
        %add3A_647 = arith.addi %mul3A_6, %mul3A_646 : i32
        %multiple_of3A_648 = tpu.assume_multiple %add3A_647, 2048 : i32
        %dma_start3A_649 = arith.constant 0 : i32
        %dma_start3A_650 = arith.constant 0 : i32
        %dma_start3A_651 = arith.constant 0 : i32
        %dma_start3A_652 = tpu.memref_slice %arg6[%dma_start3A_649, %dma_start3A_650, %dma_start3A_651] : memref<4x2x2048xi32, #tpu.memory_space<vmem>> -> memref<1x2x2048xi32, #tpu.memory_space<vmem>>
        %dma_start3A_653 = tpu.memref_squeeze %dma_start3A_652 : memref<1x2x2048xi32, #tpu.memory_space<vmem>> -> memref<2x2048xi32, #tpu.memory_space<vmem>>
        %dma_start3A_654 = arith.constant 0 : i32
        %dma_start3A_655 = tpu.memref_slice %arg3[%dma_start3A_654, %multiple_of3A_648] : memref<2x6400000xi32, #tpu.memory_space<hbm>> -> memref<2x2048xi32, #tpu.memory_space<hbm>>
        %dma_start3A_656 = arith.constant 0 : i32
        %dma_start3A_657 = arith.constant 0 : i32
        %dma_start3A_658 = tpu.memref_slice %arg6[%dma_start3A_649, %dma_start3A_656, %dma_start3A_657] : memref<4x2x2048xi32, #tpu.memory_space<vmem>> -> memref<1x2x2048xi32, #tpu.memory_space<vmem>>
        %dma_start3A_659 = tpu.memref_squeeze %dma_start3A_658 : memref<1x2x2048xi32, #tpu.memory_space<vmem>> -> memref<2x2048xi32, #tpu.memory_space<vmem>>
        %dma_start3A_660 = arith.constant 0 : i32
        %dma_start3A_661 = tpu.memref_slice %arg3[%dma_start3A_660, %multiple_of3A_648] : memref<2x6400000xi32, #tpu.memory_space<hbm>> -> memref<2x2048xi32, #tpu.memory_space<hbm>>
        tpu.enqueue_dma source(%dma_start3A_661 : memref<2x2048xi32, #tpu.memory_space<hbm>>) target(%dma_start3A_659 : memref<2x2048xi32, #tpu.memory_space<vmem>>) target_semaphore(%arg9 : memref<!tpu.dma_semaphore, #tpu.memory_space<semaphore_mem>>)
      } else {
      }
      %ge3A_539 = arith.constant 4 : i32
      %ge3A_540 = arith.cmpi sge, %add3A_512, %ge3A_539 : i32
      %convert_element_type3A_541 = arith.extui %ge3A_540 : i1 to i32
      %cond3A_542 = arith.constant 0 : i32
      %cond3A_543 = arith.cmpi ne, %convert_element_type3A_541, %cond3A_542 : i32
      scf.if %cond3A_543 {
        %dma_wait3A_641 = arith.constant 2048 : i32
        %dma_wait3A_642 = tpu.memref_slice %arg7[%dma_wait3A_641] : memref<8192xf32, #tpu.memory_space<vmem>> -> memref<2048xf32, #tpu.memory_space<vmem>>
        %dma_wait3A_643 = tpu.memref_slice %arg4[%multiple_of3A_516] : memref<6400000xf32, #tpu.memory_space<hbm>> -> memref<2048xf32, #tpu.memory_space<hbm>>
        %dma_wait3A_644 = tpu.memref_slice %arg4[%multiple_of3A_516] : memref<6400000xf32, #tpu.memory_space<hbm>> -> memref<2048xf32, #tpu.memory_space<hbm>>
        %dma_wait3A_645 = arith.constant 2048 : i32
        %dma_wait3A_646 = tpu.memref_slice %arg7[%dma_wait3A_645] : memref<8192xf32, #tpu.memory_space<vmem>> -> memref<2048xf32, #tpu.memory_space<vmem>>
        tpu.wait_dma2 semaphore(%arg10 : memref<!tpu.dma_semaphore, #tpu.memory_space<semaphore_mem>>) src(%dma_wait3A_646 : memref<2048xf32, #tpu.memory_space<vmem>>) dst(%dma_wait3A_644 : memref<2048xf32, #tpu.memory_space<hbm>>)
      } else {
      }
      %parallel_loop3A_544 = arith.constant 0 : i32
      %parallel_loop3A_545 = arith.constant 128 : i32
      %parallel_loop3A_546 = arith.constant 1 : i32
      scf.for %parallel_loop3A_641 = %parallel_loop3A_544 to %parallel_loop3A_545 step %parallel_loop3A_546  : i32 {
        %parallel_loop3A_642 = arith.constant 16 : i32
        %parallel_loop3A_643 = arith.muli %parallel_loop3A_641, %parallel_loop3A_642 : i32
        %parallel_loop3A_644 = arith.constant 1 : i32
        %parallel_loop3A_645 = arith.constant 0 : i32
        %parallel_loop3A_646 = arith.index_cast %parallel_loop3A_644 : i32 to index
        %parallel_loop3A_647 = arith.index_cast %parallel_loop3A_645 : i32 to index
        %parallel_loop3A_648 = arith.index_cast %parallel_loop3A_643 : i32 to index
        %parallel_loop3A_649 = tpu.vector_load %arg6[%parallel_loop3A_646, %parallel_loop3A_647, %parallel_loop3A_648] {strides = array<i32>} : memref<4x2x2048xi32, #tpu.memory_space<vmem>>, vector<16xi32>,
        %parallel_loop3A_650 = arith.constant 16 : i32
        %parallel_loop3A_651 = arith.muli %parallel_loop3A_641, %parallel_loop3A_650 : i32
        %parallel_loop3A_652 = arith.constant 1 : i32
        %parallel_loop3A_653 = arith.constant 1 : i32
        %parallel_loop3A_654 = arith.index_cast %parallel_loop3A_652 : i32 to index
        %parallel_loop3A_655 = arith.index_cast %parallel_loop3A_653 : i32 to index
        %parallel_loop3A_656 = arith.index_cast %parallel_loop3A_651 : i32 to index
        %parallel_loop3A_657 = tpu.vector_load %arg6[%parallel_loop3A_654, %parallel_loop3A_655, %parallel_loop3A_656] {strides = array<i32>} : memref<4x2x2048xi32, #tpu.memory_space<vmem>>, vector<16xi32>,
        %parallel_loop3A_658 = tpu.vector_load_idx %arg5[%parallel_loop3A_649] : memref<100096xf32, #tpu.memory_space<vmem>>[vector<16xi32>], vector<16xf32>,
        %parallel_loop3A_659 = tpu.vector_load_idx %arg5[%parallel_loop3A_657] : memref<100096xf32, #tpu.memory_space<vmem>>[vector<16xi32>], vector<16xf32>,
        %parallel_loop3A_660 = arith.mulf %parallel_loop3A_658, %parallel_loop3A_659 : vector<16xf32>
        %parallel_loop3A_661 = arith.constant 16 : i32
        %parallel_loop3A_662 = arith.muli %parallel_loop3A_641, %parallel_loop3A_661 : i32
        %parallel_loop3A_663 = arith.constant 2048 : i32
        %parallel_loop3A_664 = arith.addi %parallel_loop3A_663, %parallel_loop3A_662 : i32
        %parallel_loop3A_665 = arith.index_cast %parallel_loop3A_664 : i32 to index
        %parallel_loop3A_666 = tpu.vector_load %arg7[%parallel_loop3A_665] {strides = array<i32>} : memref<8192xf32, #tpu.memory_space<vmem>>, vector<16xf32>,
        tpu.vector_store %arg7[%parallel_loop3A_665], %parallel_loop3A_660 {strides = array<i32>} : memref<8192xf32, #tpu.memory_space<vmem>>, vector<16xf32>,
      } {sc.loop_unroll_factor = 16 : i64, sc.parallel_access}
      %dma_start3A_547 = arith.constant 2048 : i32
      %dma_start3A_548 = tpu.memref_slice %arg7[%dma_start3A_547] : memref<8192xf32, #tpu.memory_space<vmem>> -> memref<2048xf32, #tpu.memory_space<vmem>>
      %dma_start3A_549 = tpu.memref_slice %arg4[%multiple_of3A_516] : memref<6400000xf32, #tpu.memory_space<hbm>> -> memref<2048xf32, #tpu.memory_space<hbm>>
      %dma_start3A_550 = tpu.memref_slice %arg4[%multiple_of3A_516] : memref<6400000xf32, #tpu.memory_space<hbm>> -> memref<2048xf32, #tpu.memory_space<hbm>>
      %dma_start3A_551 = arith.constant 2048 : i32
      %dma_start3A_552 = tpu.memref_slice %arg7[%dma_start3A_551] : memref<8192xf32, #tpu.memory_space<vmem>> -> memref<2048xf32, #tpu.memory_space<vmem>>
      tpu.enqueue_dma source(%dma_start3A_552 : memref<2048xf32, #tpu.memory_space<vmem>>) target(%dma_start3A_550 : memref<2048xf32, #tpu.memory_space<hbm>>) target_semaphore(%arg10 : memref<!tpu.dma_semaphore, #tpu.memory_space<semaphore_mem>>)
      %mul3A_553 = arith.constant 4 : i32
      %mul3A_554 = arith.muli %scan3A_468, %mul3A_553 : i32
      %add3A_555 = arith.constant 2 : i32
      %add3A_556 = arith.addi %mul3A_554, %add3A_555 : i32
      %mul3A_557 = arith.constant 2048 : i32
      %mul3A_558 = arith.muli %add3A_556, %mul3A_557 : i32
      %add3A_559 = arith.addi %mul3A_6, %mul3A_558 : i32
      %multiple_of3A_560 = tpu.assume_multiple %add3A_559, 2048 : i32
      %dma_wait3A_561 = arith.constant 2 : i32
      %dma_wait3A_562 = arith.constant 0 : i32
      %dma_wait3A_563 = arith.constant 0 : i32
      %dma_wait3A_564 = tpu.memref_slice %arg6[%dma_wait3A_561, %dma_wait3A_562, %dma_wait3A_563] : memref<4x2x2048xi32, #tpu.memory_space<vmem>> -> memref<1x2x2048xi32, #tpu.memory_space<vmem>>
      %dma_wait3A_565 = tpu.memref_squeeze %dma_wait3A_564 : memref<1x2x2048xi32, #tpu.memory_space<vmem>> -> memref<2x2048xi32, #tpu.memory_space<vmem>>
      %dma_wait3A_566 = arith.constant 0 : i32
      %dma_wait3A_567 = tpu.memref_slice %arg3[%dma_wait3A_566, %multiple_of3A_560] : memref<2x6400000xi32, #tpu.memory_space<hbm>> -> memref<2x2048xi32, #tpu.memory_space<hbm>>
      %dma_wait3A_568 = arith.constant 0 : i32
      %dma_wait3A_569 = arith.constant 0 : i32
      %dma_wait3A_570 = tpu.memref_slice %arg6[%dma_wait3A_561, %dma_wait3A_568, %dma_wait3A_569] : memref<4x2x2048xi32, #tpu.memory_space<vmem>> -> memref<1x2x2048xi32, #tpu.memory_space<vmem>>
      %dma_wait3A_571 = tpu.memref_squeeze %dma_wait3A_570 : memref<1x2x2048xi32, #tpu.memory_space<vmem>> -> memref<2x2048xi32, #tpu.memory_space<vmem>>
      %dma_wait3A_572 = arith.constant 0 : i32
      %dma_wait3A_573 = tpu.memref_slice %arg3[%dma_wait3A_572, %multiple_of3A_560] : memref<2x6400000xi32, #tpu.memory_space<hbm>> -> memref<2x2048xi32, #tpu.memory_space<hbm>>
      tpu.wait_dma2 semaphore(%arg9 : memref<!tpu.dma_semaphore, #tpu.memory_space<semaphore_mem>>) src(%dma_wait3A_573 : memref<2x2048xi32, #tpu.memory_space<hbm>>) dst(%dma_wait3A_571 : memref<2x2048xi32, #tpu.memory_space<vmem>>)
      %add3A_574 = arith.constant 4 : i32
      %add3A_575 = arith.addi %add3A_556, %add3A_574 : i32
      %sub3A_576 = arith.constant 1 : i32
      %sub3A_577 = arith.subi %add3A_575, %sub3A_576 : i32
      %lt3A_578 = arith.constant 96 : i32
      %lt3A_579 = arith.cmpi slt, %sub3A_577, %lt3A_578 : i32
      %convert_element_type3A_580 = arith.extui %lt3A_579 : i1 to i32
      %cond3A_581 = arith.constant 0 : i32
      %cond3A_582 = arith.cmpi ne, %convert_element_type3A_580, %cond3A_581 : i32
      scf.if %cond3A_582 {
        %add3A_641 = arith.constant 4 : i32
        %add3A_642 = arith.addi %add3A_556, %add3A_641 : i32
        %sub3A_643 = arith.constant 1 : i32
        %sub3A_644 = arith.subi %add3A_642, %sub3A_643 : i32
        %mul3A_645 = arith.constant 2048 : i32
        %mul3A_646 = arith.muli %sub3A_644, %mul3A_645 : i32
        %add3A_647 = arith.addi %mul3A_6, %mul3A_646 : i32
        %multiple_of3A_648 = tpu.assume_multiple %add3A_647, 2048 : i32
        %dma_start3A_649 = arith.constant 1 : i32
        %dma_start3A_650 = arith.constant 0 : i32
        %dma_start3A_651 = arith.constant 0 : i32
        %dma_start3A_652 = tpu.memref_slice %arg6[%dma_start3A_649, %dma_start3A_650, %dma_start3A_651] : memref<4x2x2048xi32, #tpu.memory_space<vmem>> -> memref<1x2x2048xi32, #tpu.memory_space<vmem>>
        %dma_start3A_653 = tpu.memref_squeeze %dma_start3A_652 : memref<1x2x2048xi32, #tpu.memory_space<vmem>> -> memref<2x2048xi32, #tpu.memory_space<vmem>>
        %dma_start3A_654 = arith.constant 0 : i32
        %dma_start3A_655 = tpu.memref_slice %arg3[%dma_start3A_654, %multiple_of3A_648] : memref<2x6400000xi32, #tpu.memory_space<hbm>> -> memref<2x2048xi32, #tpu.memory_space<hbm>>
        %dma_start3A_656 = arith.constant 0 : i32
        %dma_start3A_657 = arith.constant 0 : i32
        %dma_start3A_658 = tpu.memref_slice %arg6[%dma_start3A_649, %dma_start3A_656, %dma_start3A_657] : memref<4x2x2048xi32, #tpu.memory_space<vmem>> -> memref<1x2x2048xi32, #tpu.memory_space<vmem>>
        %dma_start3A_659 = tpu.memref_squeeze %dma_start3A_658 : memref<1x2x2048xi32, #tpu.memory_space<vmem>> -> memref<2x2048xi32, #tpu.memory_space<vmem>>
        %dma_start3A_660 = arith.constant 0 : i32
        %dma_start3A_661 = tpu.memref_slice %arg3[%dma_start3A_660, %multiple_of3A_648] : memref<2x6400000xi32, #tpu.memory_space<hbm>> -> memref<2x2048xi32, #tpu.memory_space<hbm>>
        tpu.enqueue_dma source(%dma_start3A_661 : memref<2x2048xi32, #tpu.memory_space<hbm>>) target(%dma_start3A_659 : memref<2x2048xi32, #tpu.memory_space<vmem>>) target_semaphore(%arg9 : memref<!tpu.dma_semaphore, #tpu.memory_space<semaphore_mem>>)
      } else {
      }
      %ge3A_583 = arith.constant 4 : i32
      %ge3A_584 = arith.cmpi sge, %add3A_556, %ge3A_583 : i32
      %convert_element_type3A_585 = arith.extui %ge3A_584 : i1 to i32
      %cond3A_586 = arith.constant 0 : i32
      %cond3A_587 = arith.cmpi ne, %convert_element_type3A_585, %cond3A_586 : i32
      scf.if %cond3A_587 {
        %dma_wait3A_641 = arith.constant 4096 : i32
        %dma_wait3A_642 = tpu.memref_slice %arg7[%dma_wait3A_641] : memref<8192xf32, #tpu.memory_space<vmem>> -> memref<2048xf32, #tpu.memory_space<vmem>>
        %dma_wait3A_643 = tpu.memref_slice %arg4[%multiple_of3A_560] : memref<6400000xf32, #tpu.memory_space<hbm>> -> memref<2048xf32, #tpu.memory_space<hbm>>
        %dma_wait3A_644 = tpu.memref_slice %arg4[%multiple_of3A_560] : memref<6400000xf32, #tpu.memory_space<hbm>> -> memref<2048xf32, #tpu.memory_space<hbm>>
        %dma_wait3A_645 = arith.constant 4096 : i32
        %dma_wait3A_646 = tpu.memref_slice %arg7[%dma_wait3A_645] : memref<8192xf32, #tpu.memory_space<vmem>> -> memref<2048xf32, #tpu.memory_space<vmem>>
        tpu.wait_dma2 semaphore(%arg10 : memref<!tpu.dma_semaphore, #tpu.memory_space<semaphore_mem>>) src(%dma_wait3A_646 : memref<2048xf32, #tpu.memory_space<vmem>>) dst(%dma_wait3A_644 : memref<2048xf32, #tpu.memory_space<hbm>>)
      } else {
      }
      %parallel_loop3A_588 = arith.constant 0 : i32
      %parallel_loop3A_589 = arith.constant 128 : i32
      %parallel_loop3A_590 = arith.constant 1 : i32
      scf.for %parallel_loop3A_641 = %parallel_loop3A_588 to %parallel_loop3A_589 step %parallel_loop3A_590  : i32 {
        %parallel_loop3A_642 = arith.constant 16 : i32
        %parallel_loop3A_643 = arith.muli %parallel_loop3A_641, %parallel_loop3A_642 : i32
        %parallel_loop3A_644 = arith.constant 2 : i32
        %parallel_loop3A_645 = arith.constant 0 : i32
        %parallel_loop3A_646 = arith.index_cast %parallel_loop3A_644 : i32 to index
        %parallel_loop3A_647 = arith.index_cast %parallel_loop3A_645 : i32 to index
        %parallel_loop3A_648 = arith.index_cast %parallel_loop3A_643 : i32 to index
        %parallel_loop3A_649 = tpu.vector_load %arg6[%parallel_loop3A_646, %parallel_loop3A_647, %parallel_loop3A_648] {strides = array<i32>} : memref<4x2x2048xi32, #tpu.memory_space<vmem>>, vector<16xi32>,
        %parallel_loop3A_650 = arith.constant 16 : i32
        %parallel_loop3A_651 = arith.muli %parallel_loop3A_641, %parallel_loop3A_650 : i32
        %parallel_loop3A_652 = arith.constant 2 : i32
        %parallel_loop3A_653 = arith.constant 1 : i32
        %parallel_loop3A_654 = arith.index_cast %parallel_loop3A_652 : i32 to index
        %parallel_loop3A_655 = arith.index_cast %parallel_loop3A_653 : i32 to index
        %parallel_loop3A_656 = arith.index_cast %parallel_loop3A_651 : i32 to index
        %parallel_loop3A_657 = tpu.vector_load %arg6[%parallel_loop3A_654, %parallel_loop3A_655, %parallel_loop3A_656] {strides = array<i32>} : memref<4x2x2048xi32, #tpu.memory_space<vmem>>, vector<16xi32>,
        %parallel_loop3A_658 = tpu.vector_load_idx %arg5[%parallel_loop3A_649] : memref<100096xf32, #tpu.memory_space<vmem>>[vector<16xi32>], vector<16xf32>,
        %parallel_loop3A_659 = tpu.vector_load_idx %arg5[%parallel_loop3A_657] : memref<100096xf32, #tpu.memory_space<vmem>>[vector<16xi32>], vector<16xf32>,
        %parallel_loop3A_660 = arith.mulf %parallel_loop3A_658, %parallel_loop3A_659 : vector<16xf32>
        %parallel_loop3A_661 = arith.constant 16 : i32
        %parallel_loop3A_662 = arith.muli %parallel_loop3A_641, %parallel_loop3A_661 : i32
        %parallel_loop3A_663 = arith.constant 4096 : i32
        %parallel_loop3A_664 = arith.addi %parallel_loop3A_663, %parallel_loop3A_662 : i32
        %parallel_loop3A_665 = arith.index_cast %parallel_loop3A_664 : i32 to index
        %parallel_loop3A_666 = tpu.vector_load %arg7[%parallel_loop3A_665] {strides = array<i32>} : memref<8192xf32, #tpu.memory_space<vmem>>, vector<16xf32>,
        tpu.vector_store %arg7[%parallel_loop3A_665], %parallel_loop3A_660 {strides = array<i32>} : memref<8192xf32, #tpu.memory_space<vmem>>, vector<16xf32>,
      } {sc.loop_unroll_factor = 16 : i64, sc.parallel_access}
      %dma_start3A_591 = arith.constant 4096 : i32
      %dma_start3A_592 = tpu.memref_slice %arg7[%dma_start3A_591] : memref<8192xf32, #tpu.memory_space<vmem>> -> memref<2048xf32, #tpu.memory_space<vmem>>
      %dma_start3A_593 = tpu.memref_slice %arg4[%multiple_of3A_560] : memref<6400000xf32, #tpu.memory_space<hbm>> -> memref<2048xf32, #tpu.memory_space<hbm>>
      %dma_start3A_594 = tpu.memref_slice %arg4[%multiple_of3A_560] : memref<6400000xf32, #tpu.memory_space<hbm>> -> memref<2048xf32, #tpu.memory_space<hbm>>
      %dma_start3A_595 = arith.constant 4096 : i32
      %dma_start3A_596 = tpu.memref_slice %arg7[%dma_start3A_595] : memref<8192xf32, #tpu.memory_space<vmem>> -> memref<2048xf32, #tpu.memory_space<vmem>>
      tpu.enqueue_dma source(%dma_start3A_596 : memref<2048xf32, #tpu.memory_space<vmem>>) target(%dma_start3A_594 : memref<2048xf32, #tpu.memory_space<hbm>>) target_semaphore(%arg10 : memref<!tpu.dma_semaphore, #tpu.memory_space<semaphore_mem>>)
      %mul3A_597 = arith.constant 4 : i32
      %mul3A_598 = arith.muli %scan3A_468, %mul3A_597 : i32
      %add3A_599 = arith.constant 3 : i32
      %add3A_600 = arith.addi %mul3A_598, %add3A_599 : i32
      %mul3A_601 = arith.constant 2048 : i32
      %mul3A_602 = arith.muli %add3A_600, %mul3A_601 : i32
      %add3A_603 = arith.addi %mul3A_6, %mul3A_602 : i32
      %multiple_of3A_604 = tpu.assume_multiple %add3A_603, 2048 : i32
      %dma_wait3A_605 = arith.constant 3 : i32
      %dma_wait3A_606 = arith.constant 0 : i32
      %dma_wait3A_607 = arith.constant 0 : i32
      %dma_wait3A_608 = tpu.memref_slice %arg6[%dma_wait3A_605, %dma_wait3A_606, %dma_wait3A_607] : memref<4x2x2048xi32, #tpu.memory_space<vmem>> -> memref<1x2x2048xi32, #tpu.memory_space<vmem>>
      %dma_wait3A_609 = tpu.memref_squeeze %dma_wait3A_608 : memref<1x2x2048xi32, #tpu.memory_space<vmem>> -> memref<2x2048xi32, #tpu.memory_space<vmem>>
      %dma_wait3A_610 = arith.constant 0 : i32
      %dma_wait3A_611 = tpu.memref_slice %arg3[%dma_wait3A_610, %multiple_of3A_604] : memref<2x6400000xi32, #tpu.memory_space<hbm>> -> memref<2x2048xi32, #tpu.memory_space<hbm>>
      %dma_wait3A_612 = arith.constant 0 : i32
      %dma_wait3A_613 = arith.constant 0 : i32
      %dma_wait3A_614 = tpu.memref_slice %arg6[%dma_wait3A_605, %dma_wait3A_612, %dma_wait3A_613] : memref<4x2x2048xi32, #tpu.memory_space<vmem>> -> memref<1x2x2048xi32, #tpu.memory_space<vmem>>
      %dma_wait3A_615 = tpu.memref_squeeze %dma_wait3A_614 : memref<1x2x2048xi32, #tpu.memory_space<vmem>> -> memref<2x2048xi32, #tpu.memory_space<vmem>>
      %dma_wait3A_616 = arith.constant 0 : i32
      %dma_wait3A_617 = tpu.memref_slice %arg3[%dma_wait3A_616, %multiple_of3A_604] : memref<2x6400000xi32, #tpu.memory_space<hbm>> -> memref<2x2048xi32, #tpu.memory_space<hbm>>
      tpu.wait_dma2 semaphore(%arg9 : memref<!tpu.dma_semaphore, #tpu.memory_space<semaphore_mem>>) src(%dma_wait3A_617 : memref<2x2048xi32, #tpu.memory_space<hbm>>) dst(%dma_wait3A_615 : memref<2x2048xi32, #tpu.memory_space<vmem>>)
      %add3A_618 = arith.constant 4 : i32
      %add3A_619 = arith.addi %add3A_600, %add3A_618 : i32
      %sub3A_620 = arith.constant 1 : i32
      %sub3A_621 = arith.subi %add3A_619, %sub3A_620 : i32
      %lt3A_622 = arith.constant 96 : i32
      %lt3A_623 = arith.cmpi slt, %sub3A_621, %lt3A_622 : i32
      %convert_element_type3A_624 = arith.extui %lt3A_623 : i1 to i32
      %cond3A_625 = arith.constant 0 : i32
      %cond3A_626 = arith.cmpi ne, %convert_element_type3A_624, %cond3A_625 : i32
      scf.if %cond3A_626 {
        %add3A_641 = arith.constant 4 : i32
        %add3A_642 = arith.addi %add3A_600, %add3A_641 : i32
        %sub3A_643 = arith.constant 1 : i32
        %sub3A_644 = arith.subi %add3A_642, %sub3A_643 : i32
        %mul3A_645 = arith.constant 2048 : i32
        %mul3A_646 = arith.muli %sub3A_644, %mul3A_645 : i32
        %add3A_647 = arith.addi %mul3A_6, %mul3A_646 : i32
        %multiple_of3A_648 = tpu.assume_multiple %add3A_647, 2048 : i32
        %dma_start3A_649 = arith.constant 2 : i32
        %dma_start3A_650 = arith.constant 0 : i32
        %dma_start3A_651 = arith.constant 0 : i32
        %dma_start3A_652 = tpu.memref_slice %arg6[%dma_start3A_649, %dma_start3A_650, %dma_start3A_651] : memref<4x2x2048xi32, #tpu.memory_space<vmem>> -> memref<1x2x2048xi32, #tpu.memory_space<vmem>>
        %dma_start3A_653 = tpu.memref_squeeze %dma_start3A_652 : memref<1x2x2048xi32, #tpu.memory_space<vmem>> -> memref<2x2048xi32, #tpu.memory_space<vmem>>
        %dma_start3A_654 = arith.constant 0 : i32
        %dma_start3A_655 = tpu.memref_slice %arg3[%dma_start3A_654, %multiple_of3A_648] : memref<2x6400000xi32, #tpu.memory_space<hbm>> -> memref<2x2048xi32, #tpu.memory_space<hbm>>
        %dma_start3A_656 = arith.constant 0 : i32
        %dma_start3A_657 = arith.constant 0 : i32
        %dma_start3A_658 = tpu.memref_slice %arg6[%dma_start3A_649, %dma_start3A_656, %dma_start3A_657] : memref<4x2x2048xi32, #tpu.memory_space<vmem>> -> memref<1x2x2048xi32, #tpu.memory_space<vmem>>
        %dma_start3A_659 = tpu.memref_squeeze %dma_start3A_658 : memref<1x2x2048xi32, #tpu.memory_space<vmem>> -> memref<2x2048xi32, #tpu.memory_space<vmem>>
        %dma_start3A_660 = arith.constant 0 : i32
        %dma_start3A_661 = tpu.memref_slice %arg3[%dma_start3A_660, %multiple_of3A_648] : memref<2x6400000xi32, #tpu.memory_space<hbm>> -> memref<2x2048xi32, #tpu.memory_space<hbm>>
        tpu.enqueue_dma source(%dma_start3A_661 : memref<2x2048xi32, #tpu.memory_space<hbm>>) target(%dma_start3A_659 : memref<2x2048xi32, #tpu.memory_space<vmem>>) target_semaphore(%arg9 : memref<!tpu.dma_semaphore, #tpu.memory_space<semaphore_mem>>)
      } else {
      }
      %ge3A_627 = arith.constant 4 : i32
      %ge3A_628 = arith.cmpi sge, %add3A_600, %ge3A_627 : i32
      %convert_element_type3A_629 = arith.extui %ge3A_628 : i1 to i32
      %cond3A_630 = arith.constant 0 : i32
      %cond3A_631 = arith.cmpi ne, %convert_element_type3A_629, %cond3A_630 : i32
      scf.if %cond3A_631 {
        %dma_wait3A_641 = arith.constant 6144 : i32
        %dma_wait3A_642 = tpu.memref_slice %arg7[%dma_wait3A_641] : memref<8192xf32, #tpu.memory_space<vmem>> -> memref<2048xf32, #tpu.memory_space<vmem>>
        %dma_wait3A_643 = tpu.memref_slice %arg4[%multiple_of3A_604] : memref<6400000xf32, #tpu.memory_space<hbm>> -> memref<2048xf32, #tpu.memory_space<hbm>>
        %dma_wait3A_644 = tpu.memref_slice %arg4[%multiple_of3A_604] : memref<6400000xf32, #tpu.memory_space<hbm>> -> memref<2048xf32, #tpu.memory_space<hbm>>
        %dma_wait3A_645 = arith.constant 6144 : i32
        %dma_wait3A_646 = tpu.memref_slice %arg7[%dma_wait3A_645] : memref<8192xf32, #tpu.memory_space<vmem>> -> memref<2048xf32, #tpu.memory_space<vmem>>
        tpu.wait_dma2 semaphore(%arg10 : memref<!tpu.dma_semaphore, #tpu.memory_space<semaphore_mem>>) src(%dma_wait3A_646 : memref<2048xf32, #tpu.memory_space<vmem>>) dst(%dma_wait3A_644 : memref<2048xf32, #tpu.memory_space<hbm>>)
      } else {
      }
      %parallel_loop3A_632 = arith.constant 0 : i32
      %parallel_loop3A_633 = arith.constant 128 : i32
      %parallel_loop3A_634 = arith.constant 1 : i32
      scf.for %parallel_loop3A_641 = %parallel_loop3A_632 to %parallel_loop3A_633 step %parallel_loop3A_634  : i32 {
        %parallel_loop3A_642 = arith.constant 16 : i32
        %parallel_loop3A_643 = arith.muli %parallel_loop3A_641, %parallel_loop3A_642 : i32
        %parallel_loop3A_644 = arith.constant 3 : i32
        %parallel_loop3A_645 = arith.constant 0 : i32
        %parallel_loop3A_646 = arith.index_cast %parallel_loop3A_644 : i32 to index
        %parallel_loop3A_647 = arith.index_cast %parallel_loop3A_645 : i32 to index
        %parallel_loop3A_648 = arith.index_cast %parallel_loop3A_643 : i32 to index
        %parallel_loop3A_649 = tpu.vector_load %arg6[%parallel_loop3A_646, %parallel_loop3A_647, %parallel_loop3A_648] {strides = array<i32>} : memref<4x2x2048xi32, #tpu.memory_space<vmem>>, vector<16xi32>,
        %parallel_loop3A_650 = arith.constant 16 : i32
        %parallel_loop3A_651 = arith.muli %parallel_loop3A_641, %parallel_loop3A_650 : i32
        %parallel_loop3A_652 = arith.constant 3 : i32
        %parallel_loop3A_653 = arith.constant 1 : i32
        %parallel_loop3A_654 = arith.index_cast %parallel_loop3A_652 : i32 to index
        %parallel_loop3A_655 = arith.index_cast %parallel_loop3A_653 : i32 to index
        %parallel_loop3A_656 = arith.index_cast %parallel_loop3A_651 : i32 to index
        %parallel_loop3A_657 = tpu.vector_load %arg6[%parallel_loop3A_654, %parallel_loop3A_655, %parallel_loop3A_656] {strides = array<i32>} : memref<4x2x2048xi32, #tpu.memory_space<vmem>>, vector<16xi32>,
        %parallel_loop3A_658 = tpu.vector_load_idx %arg5[%parallel_loop3A_649] : memref<100096xf32, #tpu.memory_space<vmem>>[vector<16xi32>], vector<16xf32>,
        %parallel_loop3A_659 = tpu.vector_load_idx %arg5[%parallel_loop3A_657] : memref<100096xf32, #tpu.memory_space<vmem>>[vector<16xi32>], vector<16xf32>,
        %parallel_loop3A_660 = arith.mulf %parallel_loop3A_658, %parallel_loop3A_659 : vector<16xf32>
        %parallel_loop3A_661 = arith.constant 16 : i32
        %parallel_loop3A_662 = arith.muli %parallel_loop3A_641, %parallel_loop3A_661 : i32
        %parallel_loop3A_663 = arith.constant 6144 : i32
        %parallel_loop3A_664 = arith.addi %parallel_loop3A_663, %parallel_loop3A_662 : i32
        %parallel_loop3A_665 = arith.index_cast %parallel_loop3A_664 : i32 to index
        %parallel_loop3A_666 = tpu.vector_load %arg7[%parallel_loop3A_665] {strides = array<i32>} : memref<8192xf32, #tpu.memory_space<vmem>>, vector<16xf32>,
        tpu.vector_store %arg7[%parallel_loop3A_665], %parallel_loop3A_660 {strides = array<i32>} : memref<8192xf32, #tpu.memory_space<vmem>>, vector<16xf32>,
      } {sc.loop_unroll_factor = 16 : i64, sc.parallel_access}
      %dma_start3A_635 = arith.constant 6144 : i32
      %dma_start3A_636 = tpu.memref_slice %arg7[%dma_start3A_635] : memref<8192xf32, #tpu.memory_space<vmem>> -> memref<2048xf32, #tpu.memory_space<vmem>>
      %dma_start3A_637 = tpu.memref_slice %arg4[%multiple_of3A_604] : memref<6400000xf32, #tpu.memory_space<hbm>> -> memref<2048xf32, #tpu.memory_space<hbm>>
      %dma_start3A_638 = tpu.memref_slice %arg4[%multiple_of3A_604] : memref<6400000xf32, #tpu.memory_space<hbm>> -> memref<2048xf32, #tpu.memory_space<hbm>>
      %dma_start3A_639 = arith.constant 6144 : i32
      %dma_start3A_640 = tpu.memref_slice %arg7[%dma_start3A_639] : memref<8192xf32, #tpu.memory_space<vmem>> -> memref<2048xf32, #tpu.memory_space<vmem>>
      tpu.enqueue_dma source(%dma_start3A_640 : memref<2048xf32, #tpu.memory_space<vmem>>) target(%dma_start3A_638 : memref<2048xf32, #tpu.memory_space<hbm>>) target_semaphore(%arg10 : memref<!tpu.dma_semaphore, #tpu.memory_space<semaphore_mem>>)
    }
    %scan3A_419 = arith.constant 24 : i32
    %add3A_420 = arith.constant 0 : i32
    %add3A_421 = arith.addi %mul3A_6, %add3A_420 : i32
    %multiple_of3A_422 = tpu.assume_multiple %add3A_421, 2048 : i32
    %dma_wait3A_423 = arith.constant 0 : i32
    %dma_wait3A_424 = tpu.memref_slice %arg7[%dma_wait3A_423] : memref<8192xf32, #tpu.memory_space<vmem>> -> memref<2048xf32, #tpu.memory_space<vmem>>
    %dma_wait3A_425 = tpu.memref_slice %arg4[%multiple_of3A_422] : memref<6400000xf32, #tpu.memory_space<hbm>> -> memref<2048xf32, #tpu.memory_space<hbm>>
    %dma_wait3A_426 = tpu.memref_slice %arg4[%multiple_of3A_422] : memref<6400000xf32, #tpu.memory_space<hbm>> -> memref<2048xf32, #tpu.memory_space<hbm>>
    %dma_wait3A_427 = arith.constant 0 : i32
    %dma_wait3A_428 = tpu.memref_slice %arg7[%dma_wait3A_427] : memref<8192xf32, #tpu.memory_space<vmem>> -> memref<2048xf32, #tpu.memory_space<vmem>>
    tpu.wait_dma2 semaphore(%arg10 : memref<!tpu.dma_semaphore, #tpu.memory_space<semaphore_mem>>) src(%dma_wait3A_428 : memref<2048xf32, #tpu.memory_space<vmem>>) dst(%dma_wait3A_426 : memref<2048xf32, #tpu.memory_space<hbm>>)
    %add3A_429 = arith.constant 0 : i32
    %add3A_430 = arith.addi %mul3A_6, %add3A_429 : i32
    %multiple_of3A_431 = tpu.assume_multiple %add3A_430, 2048 : i32
    %dma_wait3A_432 = arith.constant 2048 : i32
    %dma_wait3A_433 = tpu.memref_slice %arg7[%dma_wait3A_432] : memref<8192xf32, #tpu.memory_space<vmem>> -> memref<2048xf32, #tpu.memory_space<vmem>>
    %dma_wait3A_434 = tpu.memref_slice %arg4[%multiple_of3A_431] : memref<6400000xf32, #tpu.memory_space<hbm>> -> memref<2048xf32, #tpu.memory_space<hbm>>
    %dma_wait3A_435 = tpu.memref_slice %arg4[%multiple_of3A_431] : memref<6400000xf32, #tpu.memory_space<hbm>> -> memref<2048xf32, #tpu.memory_space<hbm>>
    %dma_wait3A_436 = arith.constant 2048 : i32
    %dma_wait3A_437 = tpu.memref_slice %arg7[%dma_wait3A_436] : memref<8192xf32, #tpu.memory_space<vmem>> -> memref<2048xf32, #tpu.memory_space<vmem>>
    tpu.wait_dma2 semaphore(%arg10 : memref<!tpu.dma_semaphore, #tpu.memory_space<semaphore_mem>>) src(%dma_wait3A_437 : memref<2048xf32, #tpu.memory_space<vmem>>) dst(%dma_wait3A_435 : memref<2048xf32, #tpu.memory_space<hbm>>)
    %add3A_438 = arith.constant 0 : i32
    %add3A_439 = arith.addi %mul3A_6, %add3A_438 : i32
    %multiple_of3A_440 = tpu.assume_multiple %add3A_439, 2048 : i32
    %dma_wait3A_441 = arith.constant 4096 : i32
    %dma_wait3A_442 = tpu.memref_slice %arg7[%dma_wait3A_441] : memref<8192xf32, #tpu.memory_space<vmem>> -> memref<2048xf32, #tpu.memory_space<vmem>>
    %dma_wait3A_443 = tpu.memref_slice %arg4[%multiple_of3A_440] : memref<6400000xf32, #tpu.memory_space<hbm>> -> memref<2048xf32, #tpu.memory_space<hbm>>
    %dma_wait3A_444 = tpu.memref_slice %arg4[%multiple_of3A_440] : memref<6400000xf32, #tpu.memory_space<hbm>> -> memref<2048xf32, #tpu.memory_space<hbm>>
    %dma_wait3A_445 = arith.constant 4096 : i32
    %dma_wait3A_446 = tpu.memref_slice %arg7[%dma_wait3A_445] : memref<8192xf32, #tpu.memory_space<vmem>> -> memref<2048xf32, #tpu.memory_space<vmem>>
    tpu.wait_dma2 semaphore(%arg10 : memref<!tpu.dma_semaphore, #tpu.memory_space<semaphore_mem>>) src(%dma_wait3A_446 : memref<2048xf32, #tpu.memory_space<vmem>>) dst(%dma_wait3A_444 : memref<2048xf32, #tpu.memory_space<hbm>>)
    %add3A_447 = arith.constant 0 : i32
    %add3A_448 = arith.addi %mul3A_6, %add3A_447 : i32
    %multiple_of3A_449 = tpu.assume_multiple %add3A_448, 2048 : i32
    %dma_wait3A_450 = arith.constant 6144 : i32
    %dma_wait3A_451 = tpu.memref_slice %arg7[%dma_wait3A_450] : memref<8192xf32, #tpu.memory_space<vmem>> -> memref<2048xf32, #tpu.memory_space<vmem>>
    %dma_wait3A_452 = tpu.memref_slice %arg4[%multiple_of3A_449] : memref<6400000xf32, #tpu.memory_space<hbm>> -> memref<2048xf32, #tpu.memory_space<hbm>>
    %dma_wait3A_453 = tpu.memref_slice %arg4[%multiple_of3A_449] : memref<6400000xf32, #tpu.memory_space<hbm>> -> memref<2048xf32, #tpu.memory_space<hbm>>
    %dma_wait3A_454 = arith.constant 6144 : i32
    %dma_wait3A_455 = tpu.memref_slice %arg7[%dma_wait3A_454] : memref<8192xf32, #tpu.memory_space<vmem>> -> memref<2048xf32, #tpu.memory_space<vmem>>
    tpu.wait_dma2 semaphore(%arg10 : memref<!tpu.dma_semaphore, #tpu.memory_space<semaphore_mem>>) src(%dma_wait3A_455 : memref<2048xf32, #tpu.memory_space<vmem>>) dst(%dma_wait3A_453 : memref<2048xf32, #tpu.memory_space<hbm>>)
    %lt3A = arith.constant 21 : i32
    %lt3A_456 = arith.cmpi slt, %add3A, %lt3A : i32
    %convert_element_type3A = arith.extui %lt3A_456 : i1 to i32
    %add3A_457 = arith.constant 1 : i32
    %add3A_458 = arith.addi %add3A_457, %convert_element_type3A : i32
    %while3A = arith.constant 0 : i32
    %while3A_459 = arith.constant 0 : i32
    %while3A_460 = arith.subi %add3A_458, %while3A_459 : i32
    %while3A_461 = arith.addi %while3A_459, %while3A_460 : i32
    %while3A_462 = arith.constant 1 : i32
    %while3A_463 = arith.divsi %while3A_460, %while3A_462 : i32
    %while3A_464 = arith.muli %while3A_463, %while3A_462 : i32
    %while3A_465 = arith.addi %while3A_459, %while3A_464 : i32
    %while3A_466 = arith.constant 1 : i32
    scf.for %while3A_468 = %while3A_459 to %while3A_465 step %while3A_466  : i32 {
      %add3A_469 = arith.constant 196608 : i32
      %add3A_470 = arith.addi %mul3A_6, %add3A_469 : i32
      %mul3A_471 = arith.constant 2048 : i32
      %mul3A_472 = arith.muli %while3A_468, %mul3A_471 : i32
      %add3A_473 = arith.addi %add3A_470, %mul3A_472 : i32
      %multiple_of3A_474 = tpu.assume_multiple %add3A_473, 2048 : i32
      %run_scoped3A = arith.constant 0 : i32
      "tpu.region"() ({
        %run_scoped3A_477 = tpu.sem_alloc : memref<!tpu.dma_semaphore, #tpu.memory_space<semaphore_mem>>
        %dma_start3A_478 = arith.constant 0 : i32
        %dma_start3A_479 = arith.constant 0 : i32
        %dma_start3A_480 = tpu.memref_slice %arg6[%run_scoped3A, %dma_start3A_478, %dma_start3A_479] : memref<4x2x2048xi32, #tpu.memory_space<vmem>> -> memref<1x2x2048xi32, #tpu.memory_space<vmem>>
        %dma_start3A_481 = tpu.memref_squeeze %dma_start3A_480 : memref<1x2x2048xi32, #tpu.memory_space<vmem>> -> memref<2x2048xi32, #tpu.memory_space<vmem>>
        %dma_start3A_482 = arith.constant 0 : i32
        %dma_start3A_483 = tpu.memref_slice %arg3[%dma_start3A_482, %multiple_of3A_474] : memref<2x6400000xi32, #tpu.memory_space<hbm>> -> memref<2x2048xi32, #tpu.memory_space<hbm>>
        %dma_start3A_484 = arith.constant 0 : i32
        %dma_start3A_485 = arith.constant 0 : i32
        %dma_start3A_486 = tpu.memref_slice %arg6[%run_scoped3A, %dma_start3A_484, %dma_start3A_485] : memref<4x2x2048xi32, #tpu.memory_space<vmem>> -> memref<1x2x2048xi32, #tpu.memory_space<vmem>>
        %dma_start3A_487 = tpu.memref_squeeze %dma_start3A_486 : memref<1x2x2048xi32, #tpu.memory_space<vmem>> -> memref<2x2048xi32, #tpu.memory_space<vmem>>
        %dma_start3A_488 = arith.constant 0 : i32
        %dma_start3A_489 = tpu.memref_slice %arg3[%dma_start3A_488, %multiple_of3A_474] : memref<2x6400000xi32, #tpu.memory_space<hbm>> -> memref<2x2048xi32, #tpu.memory_space<hbm>>
        tpu.enqueue_dma source(%dma_start3A_489 : memref<2x2048xi32, #tpu.memory_space<hbm>>) target(%dma_start3A_487 : memref<2x2048xi32, #tpu.memory_space<vmem>>) target_semaphore(%run_scoped3A_477 : memref<!tpu.dma_semaphore, #tpu.memory_space<semaphore_mem>>)
        %dma_wait3A_490 = arith.constant 0 : i32
        %dma_wait3A_491 = arith.constant 0 : i32
        %dma_wait3A_492 = tpu.memref_slice %arg6[%run_scoped3A, %dma_wait3A_490, %dma_wait3A_491] : memref<4x2x2048xi32, #tpu.memory_space<vmem>> -> memref<1x2x2048xi32, #tpu.memory_space<vmem>>
        %dma_wait3A_493 = tpu.memref_squeeze %dma_wait3A_492 : memref<1x2x2048xi32, #tpu.memory_space<vmem>> -> memref<2x2048xi32, #tpu.memory_space<vmem>>
        %dma_wait3A_494 = arith.constant 0 : i32
        %dma_wait3A_495 = tpu.memref_slice %arg3[%dma_wait3A_494, %multiple_of3A_474] : memref<2x6400000xi32, #tpu.memory_space<hbm>> -> memref<2x2048xi32, #tpu.memory_space<hbm>>
        %dma_wait3A_496 = arith.constant 0 : i32
        %dma_wait3A_497 = arith.constant 0 : i32
        %dma_wait3A_498 = tpu.memref_slice %arg6[%run_scoped3A, %dma_wait3A_496, %dma_wait3A_497] : memref<4x2x2048xi32, #tpu.memory_space<vmem>> -> memref<1x2x2048xi32, #tpu.memory_space<vmem>>
        %dma_wait3A_499 = tpu.memref_squeeze %dma_wait3A_498 : memref<1x2x2048xi32, #tpu.memory_space<vmem>> -> memref<2x2048xi32, #tpu.memory_space<vmem>>
        %dma_wait3A_500 = arith.constant 0 : i32
        %dma_wait3A_501 = tpu.memref_slice %arg3[%dma_wait3A_500, %multiple_of3A_474] : memref<2x6400000xi32, #tpu.memory_space<hbm>> -> memref<2x2048xi32, #tpu.memory_space<hbm>>
        tpu.wait_dma2 semaphore(%run_scoped3A_477 : memref<!tpu.dma_semaphore, #tpu.memory_space<semaphore_mem>>) src(%dma_wait3A_501 : memref<2x2048xi32, #tpu.memory_space<hbm>>) dst(%dma_wait3A_499 : memref<2x2048xi32, #tpu.memory_space<vmem>>)
        tpu.yield
      }) : () -> ()
      %parallel_loop3A = arith.constant 0 : i32
      %parallel_loop3A_475 = arith.constant 128 : i32
      %parallel_loop3A_476 = arith.constant 1 : i32
      scf.for %parallel_loop3A_477 = %parallel_loop3A to %parallel_loop3A_475 step %parallel_loop3A_476  : i32 {
        %parallel_loop3A_478 = arith.constant 16 : i32
        %parallel_loop3A_479 = arith.muli %parallel_loop3A_477, %parallel_loop3A_478 : i32
        %parallel_loop3A_480 = arith.constant 0 : i32
        %parallel_loop3A_481 = arith.constant 0 : i32
        %parallel_loop3A_482 = arith.index_cast %parallel_loop3A_480 : i32 to index
        %parallel_loop3A_483 = arith.index_cast %parallel_loop3A_481 : i32 to index
        %parallel_loop3A_484 = arith.index_cast %parallel_loop3A_479 : i32 to index
        %parallel_loop3A_485 = tpu.vector_load %arg6[%parallel_loop3A_482, %parallel_loop3A_483, %parallel_loop3A_484] {strides = array<i32>} : memref<4x2x2048xi32, #tpu.memory_space<vmem>>, vector<16xi32>,
        %parallel_loop3A_486 = arith.constant 16 : i32
        %parallel_loop3A_487 = arith.muli %parallel_loop3A_477, %parallel_loop3A_486 : i32
        %parallel_loop3A_488 = arith.constant 0 : i32
        %parallel_loop3A_489 = arith.constant 1 : i32
        %parallel_loop3A_490 = arith.index_cast %parallel_loop3A_488 : i32 to index
        %parallel_loop3A_491 = arith.index_cast %parallel_loop3A_489 : i32 to index
        %parallel_loop3A_492 = arith.index_cast %parallel_loop3A_487 : i32 to index
        %parallel_loop3A_493 = tpu.vector_load %arg6[%parallel_loop3A_490, %parallel_loop3A_491, %parallel_loop3A_492] {strides = array<i32>} : memref<4x2x2048xi32, #tpu.memory_space<vmem>>, vector<16xi32>,
        %parallel_loop3A_494 = tpu.vector_load_idx %arg5[%parallel_loop3A_485] : memref<100096xf32, #tpu.memory_space<vmem>>[vector<16xi32>], vector<16xf32>,
        %parallel_loop3A_495 = tpu.vector_load_idx %arg5[%parallel_loop3A_493] : memref<100096xf32, #tpu.memory_space<vmem>>[vector<16xi32>], vector<16xf32>,
        %parallel_loop3A_496 = arith.mulf %parallel_loop3A_494, %parallel_loop3A_495 : vector<16xf32>
        %parallel_loop3A_497 = arith.constant 16 : i32
        %parallel_loop3A_498 = arith.muli %parallel_loop3A_477, %parallel_loop3A_497 : i32
        %parallel_loop3A_499 = arith.index_cast %parallel_loop3A_498 : i32 to index
        %parallel_loop3A_500 = tpu.vector_load %arg7[%parallel_loop3A_499] {strides = array<i32>} : memref<8192xf32, #tpu.memory_space<vmem>>, vector<16xf32>,
        tpu.vector_store %arg7[%parallel_loop3A_499], %parallel_loop3A_496 {strides = array<i32>} : memref<8192xf32, #tpu.memory_space<vmem>>, vector<16xf32>,
      } {sc.loop_unroll_factor = 8 : i64, sc.parallel_access}
      "tpu.region"() ({
        %run_scoped3A_477 = tpu.sem_alloc : memref<!tpu.dma_semaphore, #tpu.memory_space<semaphore_mem>>
        %dma_start3A_478 = arith.constant 0 : i32
        %dma_start3A_479 = tpu.memref_slice %arg7[%dma_start3A_478] : memref<8192xf32, #tpu.memory_space<vmem>> -> memref<2048xf32, #tpu.memory_space<vmem>>
        %dma_start3A_480 = tpu.memref_slice %arg4[%multiple_of3A_474] : memref<6400000xf32, #tpu.memory_space<hbm>> -> memref<2048xf32, #tpu.memory_space<hbm>>
        %dma_start3A_481 = tpu.memref_slice %arg4[%multiple_of3A_474] : memref<6400000xf32, #tpu.memory_space<hbm>> -> memref<2048xf32, #tpu.memory_space<hbm>>
        %dma_start3A_482 = arith.constant 0 : i32
        %dma_start3A_483 = tpu.memref_slice %arg7[%dma_start3A_482] : memref<8192xf32, #tpu.memory_space<vmem>> -> memref<2048xf32, #tpu.memory_space<vmem>>
        tpu.enqueue_dma source(%dma_start3A_483 : memref<2048xf32, #tpu.memory_space<vmem>>) target(%dma_start3A_481 : memref<2048xf32, #tpu.memory_space<hbm>>) target_semaphore(%run_scoped3A_477 : memref<!tpu.dma_semaphore, #tpu.memory_space<semaphore_mem>>)
        %dma_wait3A_484 = arith.constant 0 : i32
        %dma_wait3A_485 = tpu.memref_slice %arg7[%dma_wait3A_484] : memref<8192xf32, #tpu.memory_space<vmem>> -> memref<2048xf32, #tpu.memory_space<vmem>>
        %dma_wait3A_486 = tpu.memref_slice %arg4[%multiple_of3A_474] : memref<6400000xf32, #tpu.memory_space<hbm>> -> memref<2048xf32, #tpu.memory_space<hbm>>
        %dma_wait3A_487 = tpu.memref_slice %arg4[%multiple_of3A_474] : memref<6400000xf32, #tpu.memory_space<hbm>> -> memref<2048xf32, #tpu.memory_space<hbm>>
        %dma_wait3A_488 = arith.constant 0 : i32
        %dma_wait3A_489 = tpu.memref_slice %arg7[%dma_wait3A_488] : memref<8192xf32, #tpu.memory_space<vmem>> -> memref<2048xf32, #tpu.memory_space<vmem>>
        tpu.wait_dma2 semaphore(%run_scoped3A_477 : memref<!tpu.dma_semaphore, #tpu.memory_space<semaphore_mem>>) src(%dma_wait3A_489 : memref<2048xf32, #tpu.memory_space<vmem>>) dst(%dma_wait3A_487 : memref<2048xf32, #tpu.memory_space<hbm>>)
        tpu.yield
      }) : () -> ()
    }
    %while3A_467 = arith.constant 1 : i32
    scf.for %while3A_468 = %while3A_465 to %while3A_461 step %while3A_467  : i32 {
      %add3A_469 = arith.constant 196608 : i32
      %add3A_470 = arith.addi %mul3A_6, %add3A_469 : i32
      %mul3A_471 = arith.constant 2048 : i32
      %mul3A_472 = arith.muli %while3A_468, %mul3A_471 : i32
      %add3A_473 = arith.addi %add3A_470, %mul3A_472 : i32
      %multiple_of3A_474 = tpu.assume_multiple %add3A_473, 2048 : i32
      %run_scoped3A = arith.constant 0 : i32
      "tpu.region"() ({
        %run_scoped3A_477 = tpu.sem_alloc : memref<!tpu.dma_semaphore, #tpu.memory_space<semaphore_mem>>
        %dma_start3A_478 = arith.constant 0 : i32
        %dma_start3A_479 = arith.constant 0 : i32
        %dma_start3A_480 = tpu.memref_slice %arg6[%run_scoped3A, %dma_start3A_478, %dma_start3A_479] : memref<4x2x2048xi32, #tpu.memory_space<vmem>> -> memref<1x2x2048xi32, #tpu.memory_space<vmem>>
        %dma_start3A_481 = tpu.memref_squeeze %dma_start3A_480 : memref<1x2x2048xi32, #tpu.memory_space<vmem>> -> memref<2x2048xi32, #tpu.memory_space<vmem>>
        %dma_start3A_482 = arith.constant 0 : i32
        %dma_start3A_483 = tpu.memref_slice %arg3[%dma_start3A_482, %multiple_of3A_474] : memref<2x6400000xi32, #tpu.memory_space<hbm>> -> memref<2x2048xi32, #tpu.memory_space<hbm>>
        %dma_start3A_484 = arith.constant 0 : i32
        %dma_start3A_485 = arith.constant 0 : i32
        %dma_start3A_486 = tpu.memref_slice %arg6[%run_scoped3A, %dma_start3A_484, %dma_start3A_485] : memref<4x2x2048xi32, #tpu.memory_space<vmem>> -> memref<1x2x2048xi32, #tpu.memory_space<vmem>>
        %dma_start3A_487 = tpu.memref_squeeze %dma_start3A_486 : memref<1x2x2048xi32, #tpu.memory_space<vmem>> -> memref<2x2048xi32, #tpu.memory_space<vmem>>
        %dma_start3A_488 = arith.constant 0 : i32
        %dma_start3A_489 = tpu.memref_slice %arg3[%dma_start3A_488, %multiple_of3A_474] : memref<2x6400000xi32, #tpu.memory_space<hbm>> -> memref<2x2048xi32, #tpu.memory_space<hbm>>
        tpu.enqueue_dma source(%dma_start3A_489 : memref<2x2048xi32, #tpu.memory_space<hbm>>) target(%dma_start3A_487 : memref<2x2048xi32, #tpu.memory_space<vmem>>) target_semaphore(%run_scoped3A_477 : memref<!tpu.dma_semaphore, #tpu.memory_space<semaphore_mem>>)
        %dma_wait3A_490 = arith.constant 0 : i32
        %dma_wait3A_491 = arith.constant 0 : i32
        %dma_wait3A_492 = tpu.memref_slice %arg6[%run_scoped3A, %dma_wait3A_490, %dma_wait3A_491] : memref<4x2x2048xi32, #tpu.memory_space<vmem>> -> memref<1x2x2048xi32, #tpu.memory_space<vmem>>
        %dma_wait3A_493 = tpu.memref_squeeze %dma_wait3A_492 : memref<1x2x2048xi32, #tpu.memory_space<vmem>> -> memref<2x2048xi32, #tpu.memory_space<vmem>>
        %dma_wait3A_494 = arith.constant 0 : i32
        %dma_wait3A_495 = tpu.memref_slice %arg3[%dma_wait3A_494, %multiple_of3A_474] : memref<2x6400000xi32, #tpu.memory_space<hbm>> -> memref<2x2048xi32, #tpu.memory_space<hbm>>
        %dma_wait3A_496 = arith.constant 0 : i32
        %dma_wait3A_497 = arith.constant 0 : i32
        %dma_wait3A_498 = tpu.memref_slice %arg6[%run_scoped3A, %dma_wait3A_496, %dma_wait3A_497] : memref<4x2x2048xi32, #tpu.memory_space<vmem>> -> memref<1x2x2048xi32, #tpu.memory_space<vmem>>
        %dma_wait3A_499 = tpu.memref_squeeze %dma_wait3A_498 : memref<1x2x2048xi32, #tpu.memory_space<vmem>> -> memref<2x2048xi32, #tpu.memory_space<vmem>>
        %dma_wait3A_500 = arith.constant 0 : i32
        %dma_wait3A_501 = tpu.memref_slice %arg3[%dma_wait3A_500, %multiple_of3A_474] : memref<2x6400000xi32, #tpu.memory_space<hbm>> -> memref<2x2048xi32, #tpu.memory_space<hbm>>
        tpu.wait_dma2 semaphore(%run_scoped3A_477 : memref<!tpu.dma_semaphore, #tpu.memory_space<semaphore_mem>>) src(%dma_wait3A_501 : memref<2x2048xi32, #tpu.memory_space<hbm>>) dst(%dma_wait3A_499 : memref<2x2048xi32, #tpu.memory_space<vmem>>)
        tpu.yield
      }) : () -> ()
      %parallel_loop3A = arith.constant 0 : i32
      %parallel_loop3A_475 = arith.constant 128 : i32
      %parallel_loop3A_476 = arith.constant 1 : i32
      scf.for %parallel_loop3A_477 = %parallel_loop3A to %parallel_loop3A_475 step %parallel_loop3A_476  : i32 {
        %parallel_loop3A_478 = arith.constant 16 : i32
        %parallel_loop3A_479 = arith.muli %parallel_loop3A_477, %parallel_loop3A_478 : i32
        %parallel_loop3A_480 = arith.constant 0 : i32
        %parallel_loop3A_481 = arith.constant 0 : i32
        %parallel_loop3A_482 = arith.index_cast %parallel_loop3A_480 : i32 to index
        %parallel_loop3A_483 = arith.index_cast %parallel_loop3A_481 : i32 to index
        %parallel_loop3A_484 = arith.index_cast %parallel_loop3A_479 : i32 to index
        %parallel_loop3A_485 = tpu.vector_load %arg6[%parallel_loop3A_482, %parallel_loop3A_483, %parallel_loop3A_484] {strides = array<i32>} : memref<4x2x2048xi32, #tpu.memory_space<vmem>>, vector<16xi32>,
        %parallel_loop3A_486 = arith.constant 16 : i32
        %parallel_loop3A_487 = arith.muli %parallel_loop3A_477, %parallel_loop3A_486 : i32
        %parallel_loop3A_488 = arith.constant 0 : i32
        %parallel_loop3A_489 = arith.constant 1 : i32
        %parallel_loop3A_490 = arith.index_cast %parallel_loop3A_488 : i32 to index
        %parallel_loop3A_491 = arith.index_cast %parallel_loop3A_489 : i32 to index
        %parallel_loop3A_492 = arith.index_cast %parallel_loop3A_487 : i32 to index
        %parallel_loop3A_493 = tpu.vector_load %arg6[%parallel_loop3A_490, %parallel_loop3A_491, %parallel_loop3A_492] {strides = array<i32>} : memref<4x2x2048xi32, #tpu.memory_space<vmem>>, vector<16xi32>,
        %parallel_loop3A_494 = tpu.vector_load_idx %arg5[%parallel_loop3A_485] : memref<100096xf32, #tpu.memory_space<vmem>>[vector<16xi32>], vector<16xf32>,
        %parallel_loop3A_495 = tpu.vector_load_idx %arg5[%parallel_loop3A_493] : memref<100096xf32, #tpu.memory_space<vmem>>[vector<16xi32>], vector<16xf32>,
        %parallel_loop3A_496 = arith.mulf %parallel_loop3A_494, %parallel_loop3A_495 : vector<16xf32>
        %parallel_loop3A_497 = arith.constant 16 : i32
        %parallel_loop3A_498 = arith.muli %parallel_loop3A_477, %parallel_loop3A_497 : i32
        %parallel_loop3A_499 = arith.index_cast %parallel_loop3A_498 : i32 to index
        %parallel_loop3A_500 = tpu.vector_load %arg7[%parallel_loop3A_499] {strides = array<i32>} : memref<8192xf32, #tpu.memory_space<vmem>>, vector<16xf32>,
        tpu.vector_store %arg7[%parallel_loop3A_499], %parallel_loop3A_496 {strides = array<i32>} : memref<8192xf32, #tpu.memory_space<vmem>>, vector<16xf32>,
      } {sc.loop_unroll_factor = 8 : i64, sc.parallel_access}
      "tpu.region"() ({
        %run_scoped3A_477 = tpu.sem_alloc : memref<!tpu.dma_semaphore, #tpu.memory_space<semaphore_mem>>
        %dma_start3A_478 = arith.constant 0 : i32
        %dma_start3A_479 = tpu.memref_slice %arg7[%dma_start3A_478] : memref<8192xf32, #tpu.memory_space<vmem>> -> memref<2048xf32, #tpu.memory_space<vmem>>
        %dma_start3A_480 = tpu.memref_slice %arg4[%multiple_of3A_474] : memref<6400000xf32, #tpu.memory_space<hbm>> -> memref<2048xf32, #tpu.memory_space<hbm>>
        %dma_start3A_481 = tpu.memref_slice %arg4[%multiple_of3A_474] : memref<6400000xf32, #tpu.memory_space<hbm>> -> memref<2048xf32, #tpu.memory_space<hbm>>
        %dma_start3A_482 = arith.constant 0 : i32
        %dma_start3A_483 = tpu.memref_slice %arg7[%dma_start3A_482] : memref<8192xf32, #tpu.memory_space<vmem>> -> memref<2048xf32, #tpu.memory_space<vmem>>
        tpu.enqueue_dma source(%dma_start3A_483 : memref<2048xf32, #tpu.memory_space<vmem>>) target(%dma_start3A_481 : memref<2048xf32, #tpu.memory_space<hbm>>) target_semaphore(%run_scoped3A_477 : memref<!tpu.dma_semaphore, #tpu.memory_space<semaphore_mem>>)
        %dma_wait3A_484 = arith.constant 0 : i32
        %dma_wait3A_485 = tpu.memref_slice %arg7[%dma_wait3A_484] : memref<8192xf32, #tpu.memory_space<vmem>> -> memref<2048xf32, #tpu.memory_space<vmem>>
        %dma_wait3A_486 = tpu.memref_slice %arg4[%multiple_of3A_474] : memref<6400000xf32, #tpu.memory_space<hbm>> -> memref<2048xf32, #tpu.memory_space<hbm>>
        %dma_wait3A_487 = tpu.memref_slice %arg4[%multiple_of3A_474] : memref<6400000xf32, #tpu.memory_space<hbm>> -> memref<2048xf32, #tpu.memory_space<hbm>>
        %dma_wait3A_488 = arith.constant 0 : i32
        %dma_wait3A_489 = tpu.memref_slice %arg7[%dma_wait3A_488] : memref<8192xf32, #tpu.memory_space<vmem>> -> memref<2048xf32, #tpu.memory_space<vmem>>
        tpu.wait_dma2 semaphore(%run_scoped3A_477 : memref<!tpu.dma_semaphore, #tpu.memory_space<semaphore_mem>>) src(%dma_wait3A_489 : memref<2048xf32, #tpu.memory_space<vmem>>) dst(%dma_wait3A_487 : memref<2048xf32, #tpu.memory_space<hbm>>)
        tpu.yield
      }) : () -> ()
    }
    return
  }
}

module attributes {stable_mosaic.version = 14 : i64} {
  func.func @_tc_att_loss(%arg0: memref<1xf32, #tpu.memory_space<smem>>, %arg1: memref<800x128xf32, #tpu.memory_space<vmem>>, %arg2: memref<800x128xf32, #tpu.memory_space<vmem>>, %arg3: memref<1xf32, #tpu.memory_space<smem>>) attributes {dimension_semantics = [], scalar_prefetch = 0 : i64, scratch_operands = 0 : i64, tpu.core_type = #tpu.core_type<tc>} {
    %get3A = arith.constant 0 : index
    %get3A_0 = arith.constant 0 : index
    %get3A_1 = vector.load %arg1[%get3A, %get3A_0] : memref<800x128xf32, #tpu.memory_space<vmem>>, vector<800x128xf32>
    %logistic3A = arith.negf %get3A_1 : vector<800x128xf32>
    %logistic3A_2 = math.exp %logistic3A : vector<800x128xf32>
    %logistic3A_3 = arith.constant 1.000000e+00 : f32
    %logistic3A_4 = vector.broadcast %logistic3A_3 : f32 to vector<800x128xf32>
    %logistic3A_5 = arith.addf %logistic3A_4, %logistic3A_2 : vector<800x128xf32>
    %logistic3A_6 = arith.divf %logistic3A_4, %logistic3A_5 : vector<800x128xf32>
    %swap3A = arith.constant 0 : index
    %swap3A_7 = arith.constant 0 : index
    %swap3A_8 = vector.load %arg2[%swap3A, %swap3A_7] : memref<800x128xf32, #tpu.memory_space<vmem>>, vector<800x128xf32>
    tpu.vector_store %arg2[%swap3A, %swap3A_7], %logistic3A_6 {strides = array<i32>} : memref<800x128xf32, #tpu.memory_space<vmem>>, vector<800x128xf32>,
    %get3A_9 = arith.constant 0 : index
    %get3A_10 = memref.load %arg0[%get3A_9] : memref<1xf32, #tpu.memory_space<smem>>
    %iota3A = tpu.iota {dimensions = array<i32: 0>} : vector<800x128xi32>
    %iota3A_11 = tpu.iota {dimensions = array<i32: 1>} : vector<800x128xi32>
    %mul3A = arith.constant 128 : i32
    %mul3A_12 = vector.broadcast %mul3A : i32 to vector<800x128xi32>
    %mul3A_13 = arith.muli %iota3A, %mul3A_12 : vector<800x128xi32>
    %add3A = arith.addi %mul3A_13, %iota3A_11 : vector<800x128xi32>
    %lt3A = arith.constant 100000 : i32
    %lt3A_14 = vector.broadcast %lt3A : i32 to vector<800x128xi32>
    %lt3A_15 = arith.cmpi slt, %add3A, %lt3A_14 : vector<800x128xi32>
    %div3A = vector.broadcast %get3A_10 : f32 to vector<800x128xf32>
    %div3A_16 = arith.divf %logistic3A_6, %div3A : vector<800x128xf32>
    %add3A_17 = arith.constant 9.99999997E-7 : f32
    %add3A_18 = vector.broadcast %add3A_17 : f32 to vector<800x128xf32>
    %add3A_19 = arith.addf %div3A_16, %add3A_18 : vector<800x128xf32>
    %log3A = math.log %add3A_19 : vector<800x128xf32>
    %mul3A_20 = arith.mulf %logistic3A_6, %log3A : vector<800x128xf32>
    %sub3A = arith.constant 1.000000e+00 : f32
    %sub3A_21 = vector.broadcast %sub3A : f32 to vector<800x128xf32>
    %sub3A_22 = arith.subf %sub3A_21, %logistic3A_6 : vector<800x128xf32>
    %sub3A_23 = arith.constant 1.000000e+00 : f32
    %sub3A_24 = vector.broadcast %sub3A_23 : f32 to vector<800x128xf32>
    %sub3A_25 = arith.subf %sub3A_24, %logistic3A_6 : vector<800x128xf32>
    %sub3A_26 = arith.constant 1.000000e+00 : f32
    %sub3A_27 = arith.subf %sub3A_26, %get3A_10 : f32
    %add3A_28 = arith.constant 9.99999997E-7 : f32
    %add3A_29 = arith.addf %sub3A_27, %add3A_28 : f32
    %div3A_30 = vector.broadcast %add3A_29 : f32 to vector<800x128xf32>
    %div3A_31 = arith.divf %sub3A_25, %div3A_30 : vector<800x128xf32>
    %add3A_32 = arith.constant 9.99999997E-7 : f32
    %add3A_33 = vector.broadcast %add3A_32 : f32 to vector<800x128xf32>
    %add3A_34 = arith.addf %div3A_31, %add3A_33 : vector<800x128xf32>
    %log3A_35 = math.log %add3A_34 : vector<800x128xf32>
    %mul3A_36 = arith.mulf %sub3A_22, %log3A_35 : vector<800x128xf32>
    %add3A_37 = arith.addf %mul3A_20, %mul3A_36 : vector<800x128xf32>
    %jit3A = arith.constant 0.000000e+00 : f32
    %broadcast_in_dim3A = vector.broadcast %jit3A : f32 to vector<800x128xf32>
    %select_n3A = arith.select %lt3A_15, %add3A_37, %broadcast_in_dim3A : vector<800x128xi1>, vector<800x128xf32>
    %reduce_sum3A = vector.shape_cast %select_n3A : vector<800x128xf32> to vector<1x800x128xf32>
    %reduce_sum3A_38 = arith.constant dense<0.000000e+00> : vector<1xf32>
    %reduce_sum3A_39 = vector.multi_reduction <add>, %reduce_sum3A, %reduce_sum3A_38 [1, 2] : vector<1x800x128xf32> to vector<1xf32>
    %reduce_sum3A_40 = vector.shape_cast %reduce_sum3A_39 : vector<1xf32> to vector<1x1x1xf32>
    %reduce_sum3A_41 = vector.extract %reduce_sum3A_40[0, 0, 0] : f32 from vector<1x1x1xf32>
    %div3A_42 = arith.constant 1.000000e+05 : f32
    %div3A_43 = arith.divf %reduce_sum3A_41, %div3A_42 : f32
    %swap3A_44 = arith.constant 0 : index
    %swap3A_45 = memref.load %arg3[%swap3A_44] : memref<1xf32, #tpu.memory_space<smem>>
    memref.store %div3A_43, %arg3[%swap3A_44] : memref<1xf32, #tpu.memory_space<smem>>
    return
  }
}

</mosaic_0001>

<sc_bundles>
// kernel: kernel.4.cloned.1.call-start
scs
__scs_entry_jumppad:
0x0: {  	(pc) =	sbr.rel $0x88, $3  }
0x1: {  	(tag) =	ssettag $0x0;
	lr =	simm.s32 $0x1  }
0x2: {  	[smem:$0x3F9E] =	sst lr;
	_ =	strace $0xD0000000  }
0x3: {  	_ = 	snop  }
0x4: {  	_ = 	snop  }
0x5: {  	_ = 	snop  }
0x6: {  	_ = 	snop  }
0x7: {  	_ = 	snop  }
__scs_overlays_trampoline_lowered:
0x8: {  	[smem:$0x3FAD] =	sst s0  }
0x9: {  	[smem:$0x3FAE] =	sst s1  }
0xa: {  	[smem:$0x3FAF] =	sst s2  }
0xb: {  	[smem:$0x3FB0] =	sst s3  }
0xc: {  	[smem:$0x3FB1] =	sst s4  }
0xd: {  	[smem:$0x3FB2] =	sst s5  }
0xe: {  	[smem:$0x3FB3] =	sst s6  }
0xf: {  	[smem:$0x3FB4] =	sst s7  }
0x10: {  	[smem:$0x3FB5] =	sst s8  }
0x11: {  	[smem:$0x3FB6] =	sst s9;
	s0 =	simm.s32 @!p0 $0x0  }
0x12: {  	s1 =	sld [smem:$0x3F9C];
	s0 =	simm.s32 @p0 $0x1  }
0x13: {  	[smem:$0x3FB7] =	sst s0;
	s0 =	simm.s32 @!p1 $0x0  }
0x14: {  	s2 =	sld [smem:$0x3F9B];
	s0 =	simm.s32 @p1 $0x1  }
0x15: {  	[smem:$0x3FB8] =	sst s0;
	s0 =	simm.s32 @!p2 $0x0  }
0x16: {  	s3 =	sld [smem:$0x3FDB];
	s0 =	simm.s32 @p2 $0x1  }
0x17: {  	s4 =	simm.s32 $0x1BF5;
	[smem:$0x3FBA] =	sst s0  }
0x18: {  	s0 =	sld [smem:$0x3F9D];
	_ =	swait.ge [sflag:s4], $0x0  }
0x19: {  	s7 =	sld [smem:$0x3F9E]  }
0x1a: {  	s8 =	sadd.s32 $0xFFFFE003, lr  }
0x1b: {  	s9 =	sadd.s32 $0xFFFFFEF7, lr;
	s5 =	simm.s32 $0xFFFFFFFF;
	p2 =	slt.u32 s8, $0xFFFFF086  }
0x1c: {  	p1 =	slt.u32 s9, $0xF7A;
	s5 =	simm.s32 @!p2 $0x0  }
0x1d: {  	s5 =	simm.s32 @p1 $0x1;
	p0 =	seq.s32 s7, s2  }
0x1e: {  	s7 =	smul.u32 @!p0 $0xF7A, s2;
	p2 =	seq.s32 @!p0 s5, $0x0  }
0x1f: {  	s9 =	smul.u32 $0xF7A, s1;
	s8 =	simm.s32 @!p0 $0x1BF5;
	p2 =	por !p2, p0  }
0x20: {  	[sflag:s8] =	ssyncset.s32 @!p0 $0xFFFFF086;
	s6 =	sadd.s32 @!p0 s3, s7;
	s7 =	simm.s32 @!p0 $0x108  }
0x21: {  	s3 =	sadd.s32 s3, s9;
	s6 =	sadd.s32 @!p0 $0x88, s6;
	s7 =	simm.s32 @p2 $0x1082  }
0x22: {  	[simem:s7], [sflag:s8] =	dma.local @!p0 [hbm:s6], $0xF7A  }
0x23: {  	s9 =	sor.u32 $0xD0000000, s2;
	s6 =	simm.s32 $0x108;
	_ =	swait.ge @!p0 [sflag:s8], $0x0  }
0x24: {  	s3 =	sadd.s32 $0x88, s3;
	s6 =	simm.s32 @!p1 $0x1082;
	[sflag:s4] =	ssyncset.s32 $0xFFFFF086  }
0x25: {  	[simem:s6], [sflag:s4] =	dma.local [hbm:s3], $0xF7A  }
0x26: {  	[smem:$0x3F9E] =	sst s1;
	(tag) =	ssettag s2;
	_ =	strace s9  }
0x27: {  	s1 =	sld [smem:$0x3FAE]  }
0x28: {  	s2 =	sld [smem:$0x3FAF]  }
0x29: {  	s4 =	sld [smem:$0x3FB1]  }
0x2a: {  	p0 =	seq.s32 s5, $0x0;
	s5 =	sld [smem:$0x3FB2]  }
0x2b: {  	s6 =	sld [smem:$0x3FB3]  }
0x2c: {  	s7 =	sld [smem:$0x3FB4]  }
0x2d: {  	s3 =	simm.s32 $0x108;
	s8 =	sld [smem:$0x3FB5]  }
0x2e: {  	s3 =	simm.s32 @!p0 $0x1082;
	s9 =	sld [smem:$0x3FB6]  }
0x2f: {  	lr =	sadd.s32 s0, s3;
	s0 =	sld [smem:$0x3FAD]  }
0x30: {  	s3 =	sld [smem:$0x3FB0]  }
0x31: {  	[smem:$0x3FB9] =	sst s10  }
0x32: {  	s10 =	sld [smem:$0x3FB7];
	_ =	sdelay $0x3  }
0x33: {  	p0 =	seq.s32 s10, $0x1;
	s10 =	sld [smem:$0x3FB9];
	_ =	sdelay $0x3  }
0x34: {  	[smem:$0x3FB9] =	sst s10  }
0x35: {  	s10 =	sld [smem:$0x3FB8];
	_ =	sdelay $0x3  }
0x36: {  	p1 =	seq.s32 s10, $0x1;
	s10 =	sld [smem:$0x3FB9];
	_ =	sdelay $0x3  }
0x37: {  	[smem:$0x3FB9] =	sst s10  }
0x38: {  	s10 =	sld [smem:$0x3FBA]  }
0x39: {  	_ = 	snop;
	(pc) =	sbr.ind lr, $3  }
0x3a: {  	_ = 	snop  }
0x3b: {  	_ = 	snop  }
0x3c: {  	p2 =	seq.s32 s10, $0x1;
	s10 =	sld [smem:$0x3FB9]  }
0x3d: {  	_ =	shalt  }
0x3e: {  	_ =	shalt  }
0x3f: {  	_ =	shalt  }
0x40: {  	_ =	shalt  }
0x41: {  	_ =	shalt  }
0x42: {  	_ =	shalt  }
0x43: {  	_ =	shalt  }
0x44: {  	_ =	shalt  }
0x45: {  	_ =	shalt  }
0x46: {  	_ =	shalt  }
0x47: {  	_ =	shalt  }
0x48: {  	_ =	shalt  }
0x49: {  	_ =	shalt  }
0x4a: {  	_ =	shalt  }
0x4b: {  	_ =	shalt  }
0x4c: {  	_ =	shalt  }
0x4d: {  	_ =	shalt  }
0x4e: {  	_ =	shalt  }
0x4f: {  	_ =	shalt  }
0x50: {  	_ =	shalt  }
0x51: {  	_ =	shalt  }
0x52: {  	_ =	shalt  }
0x53: {  	_ =	shalt  }
0x54: {  	_ =	shalt  }
0x55: {  	_ =	shalt  }
0x56: {  	_ =	shalt  }
0x57: {  	_ =	shalt  }
0x58: {  	_ =	shalt  }
0x59: {  	_ =	shalt  }
0x5a: {  	_ =	shalt  }
0x5b: {  	_ =	shalt  }
0x5c: {  	_ =	shalt  }
0x5d: {  	_ =	shalt  }
0x5e: {  	_ =	shalt  }
0x5f: {  	_ =	shalt  }
0x60: {  	_ =	shalt  }
0x61: {  	_ =	shalt  }
0x62: {  	_ =	shalt  }
0x63: {  	_ =	shalt  }
0x64: {  	_ =	shalt  }
0x65: {  	_ =	shalt  }
0x66: {  	_ =	shalt  }
0x67: {  	_ =	shalt  }
0x68: {  	_ =	shalt  }
0x69: {  	_ =	shalt  }
0x6a: {  	_ =	shalt  }
0x6b: {  	_ =	shalt  }
0x6c: {  	_ =	shalt  }
0x6d: {  	_ =	shalt  }
0x6e: {  	_ =	shalt  }
0x6f: {  	_ =	shalt  }
0x70: {  	_ =	shalt  }
0x71: {  	_ =	shalt  }
0x72: {  	_ =	shalt  }
0x73: {  	_ =	shalt  }
0x74: {  	_ =	shalt  }
0x75: {  	_ =	shalt  }
0x76: {  	_ =	shalt  }
0x77: {  	_ =	shalt  }
0x78: {  	_ =	shalt  }
0x79: {  	_ =	shalt  }
0x7a: {  	_ =	shalt  }
0x7b: {  	_ =	shalt  }
0x7c: {  	_ =	shalt  }
0x7d: {  	_ =	shalt  }
0x7e: {  	_ =	shalt  }
0x7f: {  	_ =	shalt  }
0x80: {  	_ =	shalt  }
0x81: {  	_ =	shalt  }
0x82: {  	_ =	shalt  }
0x83: {  	_ =	shalt  }
0x84: {  	_ =	shalt  }
0x85: {  	_ =	shalt  }
0x86: {  	_ =	shalt  }
0x87: {  	_ =	shalt  }
.Lfunc_end0:
.L_simem_size_0:
called_computation_lowered:
.L_overlay_start_0:
0x88: {  	s2 =	sld [smem:$0x3FD9]  }
0x89: {  	s3 =	sld [smem:$0x3FFE];
	_ =	sdelay $0x1  }
0x8a: {  	s1 =	srdreg.scid  }
0x8b: {  	s0 =	sand.u32 $0x1, s1  }
0x8c: {  	s14 =	sshll.u32 s0, $0xA;
	s2 =	sadd.s32 s3, s2  }
0x8d: {  	s2 =	sadd.s32 s2, s14  }
0x8e: {  	[smem:$0x3FC5] =	sst s2  }
0x8f: {  	_ = 	snop  }
0x90: {  	s2 =	sld [smem:$0x3FD0];
	_ =	sdelay $0x2  }
0x91: {  	s4 =	simm.s32 $0xA;
	s5 =	simm.s32 $0x10;
	s15 =	sld [smem:$0x3FC8]  }
0x92: {  	[smem:s5], [sflag:s4] =	dma.local [hbm:s2], $0x1  }
0x93: {  	_ =	swait.eq [sflag:s4], $0x1  }
0x94: {  	[sflag:s4] =	ssyncset.done $0x0  }
0x95: {  	[sflag:s4] =	ssyncadd.s32 $0xFFFFFFFF  }
0x96: {  	s16 =	sld [smem:$0x10];
	(tm) =	ssettm $0x1  }
0x97: {  	s17 =	sld [smem:$0x3FFB];
	_ =	sdelay $0x3  }
0x98: {  	_ =	strace s17  }
0x99: {  	s4 =	sld [smem:$0x3FFC];
	_ =	sdelay $0x3  }
0x9a: {  	_ =	strace s4  }
0x9b: {  	s4 =	sld [smem:$0x3FFD];
	_ =	sdelay $0x3  }
0x9c: {  	_ =	strace s4  }
0x9d: {  	_ =	strace $0x8FFFFFFF  }
0x9e: {  	s18 =	sld [smem:$0x3FDB];
	_ =	sdelay $0x1  }
0x9f: {  	s19 =	simm.s32 $_scs_section_size  }
0xa0: {  	s6 =	simm.s32 $_size__tile_overlayer_lowered;
	s7 =	simm.s32 $_tile_overlayer_lowered  }
0xa1: {  	s22 =	simm.s32 $0x1BFF;
	s21 =	sshll.u32 s7, $0x1;
	s4 =	sadd.s32 s19, s18  }
0xa2: {  	s8 =	simm.s32 $0x0;
	s20 =	sshll.u32 s6, $0x1;
	s6 =	sadd.s32 s21, s4  }
0xa3: {  	[timem:s8], [sflag:s22] =	dma.local [hbm:s6], s20  }
0xa4: {  	_ =	swait.ge [sflag:s22], s20  }
0xa5: {  	s5 =	ssub.s32 $0x0, s20;
	[sflag:s22] =	ssyncset.done $0x0  }
0xa6: {  	[sflag:s22] =	ssyncadd.s32 s5;
	_ =	sdelay $0x1  }
0xa7: {  	s23 =	simm.s32 $0x1B8B  }
0xa8: {  	_ =	swait.ge [sflag:s23], $0x1  }
0xa9: {  	[sflag:s23] =	ssyncset.done $0x0  }
0xaa: {  	s25 =	simm.s32 $0x1B8E;
	s24 =	sld [smem:$0x3FFE];
	[sflag:s23] =	ssyncadd.s32 $0xFFFFFFFF  }
0xab: {  	s26 =	simm.s32 $execute0_lowered;
	[smem:$0x3FD2] =	sst s25  }
0xac: {  	s6 =	sshll.u32 s26, $0x1;
	_ =	strace $0x80000046;
	[dreg:$0x1] =	wrdreg $0xFFFFFFFF  }
0xad: {  	s28 =	simm.s32 $_size_execute0_lowered;
	s4 =	sadd.s32 s4, s6;
	[dreg:$0x0] =	wrdreg $0x0  }
0xae: {  	s6 =	sshll.u32 s28, $0x1;
	[dreg:$0x2] =	wrdreg s4  }
0xaf: {  	[dreg:$0x3] =	wrdreg s6  }
0xb0: {  	[dreg:$0x4] =	wrdreg $0xC0  }
0xb1: {  	_ =	task [dreg:s8], $0x5FFFF  }
0xb2: {  	[dreg:$0x1] =	wrdreg $0xFFFFFFFF  }
0xb3: {  	[dreg:$0x0] =	wrdreg $0x60  }
0xb4: {  	[dreg:$0x2] =	wrdreg s24  }
0xb5: {  	[dreg:$0x3] =	wrdreg s15  }
0xb6: {  	[dreg:$0x4] =	wrdreg s16  }
0xb7: {  	[dreg:$0x5] =	wrdreg $0x1E7000  }
0xb8: {  	[dreg:$0x6] =	wrdreg $0x9  }
0xb9: {  	_ =	task.clear_ibuf [dreg:s8], $0x7FFFF;
	_ =	strace $0x90000046  }
0xba: {  	s29 =	simm.s32 $0x9;
	_ =	strace $0x80000048  }
0xbb: {  	_ =	swait.ge [sflag:s29], $0x1  }
0xbc: {  	[sflag:s29] =	ssyncadd.s32 $0xFFFFFFFF  }
0xbd: {  	_ =	strace $0x90000048  }
0xbe: {  	_ =	sfence  }
0xbf: {  	s30 =	sld [smem:$0x0];
	_ =	sdelay $0x2  }
0xc0: {  	s31 =	sshll.u32 s1, $0xD;
	s1 =	sshrl.u32 s1, $0x2  }
0xc1: {  	s3 =	sand.u32 $0x4000, s31;
	s1 =	sadd.s32 s1, s30  }
0xc2: {  	s0 =	sor.u32 s3, s0;
	s1 =	sshll.u32 s1, $0x11  }
0xc3: {  	s0 =	sor.u32 s1, s0  }
0xc4: {  	s0 =	sadd.s32 $0x8F2B, s0  }
0xc5: {  	[sflag:s0] =	ssyncadd.remote.s32 $0x1  }
0xc6: {  	_ =	sfence.sel $0xFFFF  }
0xc7: {  	[dreg:$0x0] =	wrdreg $0xFFFFFFFF;
	(pc) =	sbr.abs _section_cstart, $3  }
0xc8: {  	[dreg:$0x1] =	wrdreg $0xFFFFFFFF  }
0xc9: {  	_ =	task.clear_ibuf [dreg:s8], $0x2FFFF;
	_ =	strace $0x9FFFFFFF  }
0xca: {  	(tm) =	ssettm $0x7FFFFFFF  }
0xcb: {  	_ =	shalt  }
tec
execute0_lowered:
.L_overlay_start_1:
0x0: {  	(tag) =	ssettag $0x1  }
0x1: {  	s0 =	rddreg [dreg:$0x0]  }
0x2: {  	s2 =	rddreg [dreg:$0x1]  }
0x3: {  	s3 =	rddreg [dreg:$0x2]  }
0x4: {  	s11 =	rddreg [dreg:$0x3];
	s5 =	simm.s32 $0x0  }
0x5: {  	[smem:$0x7FF] =	sst s5;
	s13 =	sadd.s32 $0x80, s11  }
0x6: {  	s14 =	sadd.s32 $0x100, s11;
	_ =	strace $0x80000047;
	[dreg:$0xa] =	wrdreg s13  }
0x7: {  	s10 =	stileid.u32;
	s15 =	sadd.s32 $0x180, s11;
	[dreg:$0xb] =	wrdreg s14  }
0x8: {  	s1 =	srdreg.scid;
	s16 =	sadd.s32 $0x200, s11;
	[dreg:$0xc] =	wrdreg s15  }
0x9: {  	s1 =	sand.u32 $0x1, s1;
	s17 =	sadd.s32 $0x280, s11;
	[dreg:$0xd] =	wrdreg s16  }
0xa: {  	s4 =	sshll.u32 s10, $0x1;
	s18 =	sadd.s32 $0x300, s11;
	[dreg:$0xe] =	wrdreg s17  }
0xb: {  	s6 =	smul.u32 $0x310, s10;
	s19 =	sadd.s32 $0x380, s11;
	[dreg:$0xf] =	wrdreg s18  }
0xc: {  	s8 =	sshrl.u32 s10, $0x3;
	s20 =	sadd.s32 $0xC400, s11;
	[dreg:$0x10] =	wrdreg s19  }
0xd: {  	s28 =	sshll.u32 s10, $0x7;
	s21 =	sadd.s32 $0xC480, s11;
	[dreg:$0x11] =	wrdreg s20  }
0xe: {  	s29 =	sshll.u32 s10, $0x6;
	s22 =	sadd.s32 $0xC500, s11;
	[dreg:$0x12] =	wrdreg s21  }
0xf: {  	s23 =	sadd.s32 $0xC580, s11;
	s4 =	sor.u32 s1, s4;
	[dreg:$0x13] =	wrdreg s22  }
0x10: {  	s1 =	ssub.s32 $0x2, s1;
	s8 =	smul.u32 $0x31000, s8;
	[dreg:$0x14] =	wrdreg s23  }
0x11: {  	s13 =	simm.s32 $0x18700;
	s14 =	simm.s32 $0x3;
	s15 =	simm.s32 $0x400  }
0x12: {  	s16 =	simm.s32 $0x1B700;
	s17 =	simm.s32 $0x1C700;
	s18 =	simm.s32 $0x1CF00  }
0x13: {  	s19 =	simm.s32 $0x1D700;
	s20 =	simm.s32 $0x1DF00;
	s21 =	simm.s32 $0x2  }
0x14: {  	s22 =	simm.s32 $0x4;
	s23 =	simm.s32 $0x0;
	s7 =	smul.u32 $0x61, s4  }
0x15: {  	s9 =	sshrl.u32 s1, $0x1;
	s0 =	sadd.s32 s6, s0;
	s26 =	smin.u32 s4, $0x15  }
0x16: {  	p0 =	slt.u32 s4, $0x15;
	s1 =	ssub.s32 s1, s9;
	s8 =	sshrl.u32 s8, $0x2  }
0x17: {  	s9 =	sand.u32 $0x380, s28;
	s0 =	sadd.s32 $0x400, s0;
	s28 =	sadd.s32 $0xC680, s11  }
0x18: {  	s6 =	sadd.s32 s26, s7;
	s8 =	sadd.s32 s8, s11;
	[dreg:$0x5] =	wrdreg s0  }
0x19: {  	s24 =	smax.u32 s1, $0x1;
	s26 =	sadd.s32 $0xC600, s11;
	[dreg:$0x18] =	wrdreg s28  }
0x1a: {  	s7 =	sshll.u32 s6, $0xB;
	s8 =	sadd.s32 s9, s8;
	[dreg:$0x15] =	wrdreg s24  }
0x1b: {  	s30 =	sshll.u32 s6, $0x9;
	s9 =	sor.u32 $0x1C03, s29;
	[dreg:$0x17] =	wrdreg s26  }
0x1c: {  	s29 =	sadd.s32 $0xC700, s11;
	s31 =	sadd.s32 $0x1, s6;
	[dreg:$0x6] =	wrdreg s9  }
0x1d: {  	s1 =	sadd.s32 $0x2, s6;
	s10 =	sadd.s32 s2, s30;
	[dreg:$0x19] =	wrdreg s29  }
0x1e: {  	s4 =	sadd.s32 $0x5, s6;
	s25 =	sshrl.u32 s8, $0x3;
	[dreg:$0x7] =	wrdreg s10  }
0x1f: {  	s30 =	sadd.s32 $0xC780, s11;
	s8 =	sadd.s32 $0x6, s6;
	[dreg:$0x16] =	wrdreg s25  }
0x20: {  	s9 =	sadd.s32 $0x30000, s7;
	s12 =	sadd.s32 $0x200, s10;
	[dreg:$0x1a] =	wrdreg s30  }
0x21: {  	s11 =	simm.s32 $0x1;
	s0 =	sadd.s32 $0x400, s10;
	[dreg:$0x8] =	wrdreg s12  }
0x22: {  	[dreg:$0x9] =	wrdreg s0;
	s0 =	sadd.s32 $0x4, s6;
	s12 =	simm.s32 $0x80  }
.LBB2_1:
0x23: {  	s10 =	rddreg [dreg:$0x5]  }
0x24: {  	s24 =	rddreg [dreg:$0x6]  }
0x25: {  	s25 =	rddreg [dreg:$0x16];
	s26 =	simm.s32 $0x10  }
0x26: {  	[spmem:s25@s12], [sflag:s24] =	dma.strided [hbm:s10@s26], $0x310, s11, $0x10   }
0x27: {  	s10 =	rddreg [dreg:$0x7]  }
0x28: {  	[tilespmem:s13], [sflag:$0x1] =	stream.linear.gather [hbm4b:s10+s5], $0x1000, $0x38;
	[tilespmem:$0x1FF80] =	vst v63  }
0x29: {  	s26 =	simm.s32 $0x19700;
	s25 =	rddreg [dreg:$0x8]  }
0x2a: {  	[tilespmem:s26], [sflag:$0x1] =	stream.linear.gather [hbm4b:s25+s5], $0x1000, $0x38;
	[tilespmem:$0x1FF80] =	vst v63  }
0x2b: {  	s29 =	simm.s32 $0x1A700;
	s28 =	rddreg [dreg:$0x9]  }
0x2c: {  	[tilespmem:s29], [sflag:$0x1] =	stream.linear.gather [hbm4b:s28+s5], $0x1000, $0x38;
	[tilespmem:$0x1FF80] =	vst v63  }
0x2d: {  	_ =	swait.ge [sflag:s14], $0x310  }
0x2e: {  	[sflag:s14] =	ssyncset.done $0x0  }
0x2f: {  	[sflag:s14] =	ssyncadd.s32 $0xFFFFFCF0  }
0x30: {  	[bflag:$0x0] =	sbarrier.arrive $0xFFFF  }
0x31: {  	s30 =	rddreg [dreg:$0x3]  }
0x32: {  	[tilespmem:s5], [sflag:$0x3] =	stream.strided.gather [spmem:s30], $0x1880, s15, s12, $0x38;
	[tilespmem:$0x1FF80] =	vst v63  }
0x33: {  	s25 =	simm.s32 $0x1880;
	s24 =	rddreg [dreg:$0xa]  }
0x34: {  	[tilespmem:s25], [sflag:$0x3] =	stream.strided.gather [spmem:s24], $0x1880, s15, s12, $0x38;
	[tilespmem:$0x1FF80] =	vst v63  }
0x35: {  	s28 =	simm.s32 $0x3100;
	s26 =	rddreg [dreg:$0xb]  }
0x36: {  	[tilespmem:s28], [sflag:$0x3] =	stream.strided.gather [spmem:s26], $0x1880, s15, s12, $0x38;
	[tilespmem:$0x1FF80] =	vst v63  }
0x37: {  	s29 =	rddreg [dreg:$0xc];
	s30 =	simm.s32 $0x4980  }
0x38: {  	[tilespmem:s30], [sflag:$0x3] =	stream.strided.gather [spmem:s29], $0x1880, s15, s12, $0x38;
	[tilespmem:$0x1FF80] =	vst v63  }
0x39: {  	s24 =	rddreg [dreg:$0xd];
	s25 =	simm.s32 $0x6200  }
0x3a: {  	[tilespmem:s25], [sflag:$0x3] =	stream.strided.gather [spmem:s24], $0x1880, s15, s12, $0x38;
	[tilespmem:$0x1FF80] =	vst v63  }
0x3b: {  	s26 =	rddreg [dreg:$0xe];
	s28 =	simm.s32 $0x7A80  }
0x3c: {  	[tilespmem:s28], [sflag:$0x3] =	stream.strided.gather [spmem:s26], $0x1880, s15, s12, $0x38;
	[tilespmem:$0x1FF80] =	vst v63  }
0x3d: {  	s29 =	rddreg [dreg:$0xf];
	s30 =	simm.s32 $0x9300  }
0x3e: {  	[tilespmem:s30], [sflag:$0x3] =	stream.strided.gather [spmem:s29], $0x1880, s15, s12, $0x38;
	[tilespmem:$0x1FF80] =	vst v63  }
0x3f: {  	s24 =	rddreg [dreg:$0x10];
	s25 =	simm.s32 $0xAB80  }
0x40: {  	[tilespmem:s25], [sflag:$0x3] =	stream.strided.gather [spmem:s24], $0x1880, s15, s12, $0x38;
	[tilespmem:$0x1FF80] =	vst v63  }
0x41: {  	s26 =	rddreg [dreg:$0x11];
	s28 =	simm.s32 $0xC400  }
0x42: {  	[tilespmem:s28], [sflag:$0x3] =	stream.strided.gather [spmem:s26], $0x1880, s15, s12, $0x38;
	[tilespmem:$0x1FF80] =	vst v63  }
0x43: {  	s29 =	rddreg [dreg:$0x12];
	s30 =	simm.s32 $0xDC80  }
0x44: {  	[tilespmem:s30], [sflag:$0x3] =	stream.strided.gather [spmem:s29], $0x1880, s15, s12, $0x38;
	[tilespmem:$0x1FF80] =	vst v63  }
0x45: {  	s24 =	rddreg [dreg:$0x13];
	s25 =	simm.s32 $0xF500  }
0x46: {  	[tilespmem:s25], [sflag:$0x3] =	stream.strided.gather [spmem:s24], $0x1880, s15, s12, $0x38;
	[tilespmem:$0x1FF80] =	vst v63  }
0x47: {  	s26 =	rddreg [dreg:$0x14];
	s28 =	simm.s32 $0x10D80  }
0x48: {  	[tilespmem:s28], [sflag:$0x3] =	stream.strided.gather [spmem:s26], $0x1880, s15, s12, $0x38;
	[tilespmem:$0x1FF80] =	vst v63  }
0x49: {  	s29 =	rddreg [dreg:$0x17];
	s30 =	simm.s32 $0x12600  }
0x4a: {  	[tilespmem:s30], [sflag:$0x3] =	stream.strided.gather [spmem:s29], $0x1880, s15, s12, $0x38;
	[tilespmem:$0x1FF80] =	vst v63  }
0x4b: {  	s24 =	rddreg [dreg:$0x18];
	s25 =	simm.s32 $0x13E80  }
0x4c: {  	[tilespmem:s25], [sflag:$0x3] =	stream.strided.gather [spmem:s24], $0x1880, s15, s12, $0x38;
	[tilespmem:$0x1FF80] =	vst v63  }
0x4d: {  	s26 =	rddreg [dreg:$0x19];
	s28 =	simm.s32 $0x15700  }
0x4e: {  	[tilespmem:s28], [sflag:$0x3] =	stream.strided.gather [spmem:s26], $0x1880, s15, s12, $0x38;
	[tilespmem:$0x1FF80] =	vst v63  }
0x4f: {  	s29 =	rddreg [dreg:$0x1a];
	s30 =	simm.s32 $0x16F80  }
0x50: {  	[tilespmem:s30], [sflag:$0x3] =	stream.strided.gather [spmem:s29], $0x1780, s15, s12, $0x38;
	[tilespmem:$0x1FF80] =	vst v63  }
0x51: {  	_ =	swait.ge [sflag:s14], $0x1880  }
0x52: {  	[sflag:s14] =	ssyncset.done $0x0  }
0x53: {  	[sflag:s14] =	ssyncadd.s32 $0xFFFFE780  }
0x54: {  	_ =	swait.ge [sflag:s14], $0x1880  }
0x55: {  	[sflag:s14] =	ssyncset.done $0x0  }
0x56: {  	[sflag:s14] =	ssyncadd.s32 $0xFFFFE780  }
0x57: {  	_ =	swait.ge [sflag:s14], $0x1880  }
0x58: {  	[sflag:s14] =	ssyncset.done $0x0  }
0x59: {  	[sflag:s14] =	ssyncadd.s32 $0xFFFFE780  }
0x5a: {  	_ =	swait.ge [sflag:s14], $0x1880  }
0x5b: {  	[sflag:s14] =	ssyncset.done $0x0  }
0x5c: {  	[sflag:s14] =	ssyncadd.s32 $0xFFFFE780  }
0x5d: {  	_ =	swait.ge [sflag:s14], $0x1880  }
0x5e: {  	[sflag:s14] =	ssyncset.done $0x0  }
0x5f: {  	[sflag:s14] =	ssyncadd.s32 $0xFFFFE780  }
0x60: {  	_ =	swait.ge [sflag:s14], $0x1880  }
0x61: {  	[sflag:s14] =	ssyncset.done $0x0  }
0x62: {  	[sflag:s14] =	ssyncadd.s32 $0xFFFFE780  }
0x63: {  	_ =	swait.ge [sflag:s14], $0x1880  }
0x64: {  	[sflag:s14] =	ssyncset.done $0x0  }
0x65: {  	[sflag:s14] =	ssyncadd.s32 $0xFFFFE780  }
0x66: {  	_ =	swait.ge [sflag:s14], $0x1880  }
0x67: {  	[sflag:s14] =	ssyncset.done $0x0  }
0x68: {  	[sflag:s14] =	ssyncadd.s32 $0xFFFFE780  }
0x69: {  	_ =	swait.ge [sflag:s14], $0x1880  }
0x6a: {  	[sflag:s14] =	ssyncset.done $0x0  }
0x6b: {  	[sflag:s14] =	ssyncadd.s32 $0xFFFFE780  }
0x6c: {  	_ =	swait.ge [sflag:s14], $0x1880  }
0x6d: {  	[sflag:s14] =	ssyncset.done $0x0  }
0x6e: {  	[sflag:s14] =	ssyncadd.s32 $0xFFFFE780  }
0x6f: {  	_ =	swait.ge [sflag:s14], $0x1880  }
0x70: {  	[sflag:s14] =	ssyncset.done $0x0  }
0x71: {  	[sflag:s14] =	ssyncadd.s32 $0xFFFFE780  }
0x72: {  	_ =	swait.ge [sflag:s14], $0x1880  }
0x73: {  	[sflag:s14] =	ssyncset.done $0x0  }
0x74: {  	[sflag:s14] =	ssyncadd.s32 $0xFFFFE780  }
0x75: {  	_ =	swait.ge [sflag:s14], $0x1880  }
0x76: {  	[sflag:s14] =	ssyncset.done $0x0  }
0x77: {  	[sflag:s14] =	ssyncadd.s32 $0xFFFFE780  }
0x78: {  	_ =	swait.ge [sflag:s14], $0x1880  }
0x79: {  	[sflag:s14] =	ssyncset.done $0x0  }
0x7a: {  	[sflag:s14] =	ssyncadd.s32 $0xFFFFE780  }
0x7b: {  	_ =	swait.ge [sflag:s14], $0x1880  }
0x7c: {  	[sflag:s14] =	ssyncset.done $0x0  }
0x7d: {  	[sflag:s14] =	ssyncadd.s32 $0xFFFFE780  }
0x7e: {  	_ =	swait.ge [sflag:s14], $0x1780  }
0x7f: {  	[sflag:s14] =	ssyncset.done $0x0  }
0x80: {  	s24 =	simm.s32 $0x0;
	[sflag:s14] =	ssyncadd.s32 $0xFFFFE880  }
.LBB2_2:
0x81: {  	s26 =	sshll.u32 s24, $0x2  }
0x82: {  	s10 =	sadd.s32 s26, s6  }
0x83: {  	s25 =	sadd.s32 $0x3, s10  }
0x84: {  	_ =	swait.ge [sflag:s11], $0x1000;
	s10 =	sshll.u32 s25, $0x9  }
0x85: {  	[sflag:s11] =	ssyncset.done $0x0;
	s10 =	sand.u32 $0x1FFFFE00, s10  }
0x86: {  	p1 =	seq.s32 s24, $0x0;
	[sflag:s11] =	ssyncadd.s32 $0xFFFFF000;
	s10 =	sadd.s32 s2, s10  }
0x87: {  	[tilespmem:s16], [sflag:$0x1] =	stream.linear.gather [hbm4b:s10+s5], $0x1000, $0x38;
	[tilespmem:$0x1FF80] =	vst v63  }
0x88: {  	s10 =	simm.s32 @!p1 $0x2  }
0x89: {  	_ =	swait.ge @!p1 [sflag:s10], $0x800  }
0x8a: {  	[sflag:s10] =	ssyncset.done @!p1 $0x0  }
0x8b: {  	[sflag:s10] =	ssyncadd.s32 @!p1 $0xFFFFF800;
	s10 =	simm.s32 $0x18800  }
0x8c: {  	v0 =	vld [tilespmem:s10+$0x70]  }
0x8d: {  	v1 =	vld [tilespmem:s10+$0xF0]  }
0x8e: {  	v2 =	vld [tilespmem:s10+$0xFFFFFF80]  }
0x8f: {  	v3 =	vld [tilespmem:s10+$0xFFFFFF10]  }
0x90: {  	v4 =	vld [tilespmem:s10+$0xFFFFFF90]  }
0x91: {  	v5 =	vld [tilespmem:s10+$0xFFFFFF20]  }
0x92: {  	v6 =	vld [tilespmem:s10+$0xFFFFFFA0]  }
0x93: {  	v7 =	vld [tilespmem:s10+$0xFFFFFF30]  }
0x94: {  	v8 =	vld [tilespmem:s10+$0xFFFFFFB0]  }
0x95: {  	v9 =	vld [tilespmem:s10+$0xFFFFFF40]  }
0x96: {  	v10 =	vld [tilespmem:s10+$0xFFFFFFC0]  }
0x97: {  	v11 =	vld [tilespmem:s10+$0xFFFFFF50]  }
0x98: {  	v12 =	vld [tilespmem:s10+$0xFFFFFFD0]  }
0x99: {  	v13 =	vld [tilespmem:s10+$0xFFFFFF60]  }
0x9a: {  	v14 =	vld [tilespmem:s10+$0xFFFFFFE0]  }
0x9b: {  	v15 =	vld [tilespmem:s10+$0xFFFFFF70]  }
0x9c: {  	v16 =	vld [tilespmem:s10+$0xFFFFFFF0]  }
0x9d: {  	v17 =	vld [tilespmem:s10+$0x0]  }
0x9e: {  	v18 =	vld [tilespmem:s10+$0x80]  }
0x9f: {  	v19 =	vld [tilespmem:s10+$0x10]  }
0xa0: {  	v20 =	vld [tilespmem:s10+$0x90]  }
0xa1: {  	v21 =	vld [tilespmem:s10+$0x20]  }
0xa2: {  	v22 =	vld [tilespmem:s10+$0xA0]  }
0xa3: {  	v23 =	vld [tilespmem:s10+$0x30]  }
0xa4: {  	v24 =	vld [tilespmem:s10+$0xB0]  }
0xa5: {  	v25 =	vld [tilespmem:s10+$0x40]  }
0xa6: {  	v26 =	vld [tilespmem:s10+$0xC0]  }
0xa7: {  	v27 =	vld [tilespmem:s10+$0x50]  }
0xa8: {  	v28 =	vld [tilespmem:s10+$0xD0]  }
0xa9: {  	v29 =	vld [tilespmem:s10+$0x60]  }
0xaa: {  	v30 =	vld [tilespmem:s10+$0xE0]  }
0xab: {  	v31 =	vld [tilespmem:s10+$0xFFFFFF00]  }
0xac: {  	v0 =	vld.idx.msk [tilespmem:v0+s5+$0x0], $0xffff  }
0xad: {  	v1 =	vld.idx.msk [tilespmem:v1+s5+$0x0], $0xffff  }
0xae: {  	v2 =	vld.idx.msk [tilespmem:v2+s5+$0x0], $0xffff  }
0xaf: {  	v3 =	vld.idx.msk [tilespmem:v3+s5+$0x0], $0xffff  }
0xb0: {  	v4 =	vld.idx.msk [tilespmem:v4+s5+$0x0], $0xffff  }
0xb1: {  	v5 =	vld.idx.msk [tilespmem:v5+s5+$0x0], $0xffff  }
0xb2: {  	v6 =	vld.idx.msk [tilespmem:v6+s5+$0x0], $0xffff  }
0xb3: {  	v7 =	vld.idx.msk [tilespmem:v7+s5+$0x0], $0xffff  }
0xb4: {  	v8 =	vld.idx.msk [tilespmem:v8+s5+$0x0], $0xffff  }
0xb5: {  	v31 =	vld.idx.msk [tilespmem:v31+s5+$0x0], $0xffff  }
0xb6: {  	v9 =	vld.idx.msk [tilespmem:v9+s5+$0x0], $0xffff  }
0xb7: {  	v10 =	vld.idx.msk [tilespmem:v10+s5+$0x0], $0xffff  }
0xb8: {  	v11 =	vld.idx.msk [tilespmem:v11+s5+$0x0], $0xffff  }
0xb9: {  	v12 =	vld.idx.msk [tilespmem:v12+s5+$0x0], $0xffff  }
0xba: {  	v15 =	vld.idx.msk [tilespmem:v15+s5+$0x0], $0xffff  }
0xbb: {  	v16 =	vld.idx.msk [tilespmem:v16+s5+$0x0], $0xffff  }
0xbc: {  	v13 =	vld.idx.msk [tilespmem:v13+s5+$0x0], $0xffff  }
0xbd: {  	v14 =	vld.idx.msk [tilespmem:v14+s5+$0x0], $0xffff  }
0xbe: {  	v62 =	vld.idx.msk [tilespmem:v24+s5+$0x0], $0xffff;
	v0 =	vmul.f32 v1, v0  }
0xbf: {  	s28 =	simm.s32 $0x1C780;
	v1 =	vld.idx.msk [tilespmem:v17+s5+$0x0], $0xffff;
	v3 =	vmul.f32 v4, v3  }
0xc0: {  	v4 =	vld.idx.msk [tilespmem:v18+s5+$0x0], $0xffff;
	v63 =	vmul.f32 v16, v15;
	[tilespmem:s28+$0x70] =	vst v0  }
0xc1: {  	v0 =	vmul.f32 v6, v5;
	v5 =	vld.idx.msk [tilespmem:v19+s5+$0x0], $0xffff;
	[tilespmem:s28+$0xFFFFFF90] =	vst v3  }
0xc2: {  	v3 =	vmul.f32 v8, v7;
	v6 =	vld.idx.msk [tilespmem:v20+s5+$0x0], $0xffff;
	[tilespmem:s28+$0xFFFFFFF0] =	vst v63  }
0xc3: {  	v7 =	vld.idx.msk [tilespmem:v21+s5+$0x0], $0xffff;
	[tilespmem:s28+$0xFFFFFFA0] =	vst v0;
	v0 =	vmul.f32 v2, v31  }
0xc4: {  	[tilespmem:s28+$0xFFFFFFB0] =	vst v3;
	v2 =	vmul.f32 v10, v9;
	v3 =	vld.idx.msk [tilespmem:v22+s5+$0x0], $0xffff  }
0xc5: {  	v8 =	vld.idx.msk [tilespmem:v23+s5+$0x0], $0xffff;
	[tilespmem:s28+$0xFFFFFF80] =	vst v0;
	v0 =	vmul.f32 v12, v11  }
0xc6: {  	v4 =	vmul.f32 v4, v1;
	v1 =	vld.idx.msk [tilespmem:v27+s5+$0x0], $0xffff;
	[tilespmem:s28+$0xFFFFFFC0] =	vst v2;
	v2 =	vmul.f32 v14, v13  }
0xc7: {  	[tilespmem:s28+$0xFFFFFFD0] =	vst v0;
	v0 =	vld.idx.msk [tilespmem:v25+s5+$0x0], $0xffff  }
0xc8: {  	v5 =	vmul.f32 v6, v5;
	[tilespmem:s28+$0xFFFFFFE0] =	vst v2;
	v2 =	vld.idx.msk [tilespmem:v26+s5+$0x0], $0xffff  }
0xc9: {  	[tilespmem:s28+$0x0] =	vst v4;
	v4 =	vld.idx.msk [tilespmem:v28+s5+$0x0], $0xffff;
	v6 =	vmul.f32 v3, v7  }
0xca: {  	s10 =	sshll.u32 s24, $0xD;
	[tilespmem:s28+$0x10] =	vst v5;
	v3 =	vld.idx.msk [tilespmem:v29+s5+$0x0], $0xffff  }
0xcb: {  	s30 =	simm.s32 $0x0;
	s29 =	sadd.s32 s7, s10;
	s10 =	simm.s32 $0x18A00;
	v5 =	vld.idx.msk [tilespmem:v30+s5+$0x0], $0xffff;
	[tilespmem:s28+$0x20] =	vst v6;
	v6 =	vmul.f32 v62, v8  }
.LBB2_3:
0xcc: {  	v7 =	vld [tilespmem:s10+$0x70]  }
0xcd: {  	s30 =	sadd.s32 $0x10, s30;
	v0 =	vmul.f32 v2, v0;
	v8 =	vld [tilespmem:s10+$0xF0];
	[tilespmem:s28+$0x30] =	vst v6  }
0xce: {  	p1 =	slt.u32 s30, $0x70;
	v2 =	vld [tilespmem:s10+$0xFFFFFF80]  }
0xcf: {  	v6 =	vld [tilespmem:s10+$0xFFFFFF10];
	[tilespmem:s28+$0x40] =	vst v0;
	v0 =	vmul.f32 v4, v1  }
0xd0: {  	v1 =	vld [tilespmem:s10+$0xFFFFFF90]  }
0xd1: {  	v4 =	vld [tilespmem:s10+$0xFFFFFF20];
	[tilespmem:s28+$0x50] =	vst v0;
	v0 =	vmul.f32 v5, v3  }
0xd2: {  	v3 =	vld [tilespmem:s10+$0xFFFFFFA0]  }
0xd3: {  	v5 =	vld [tilespmem:s10+$0xFFFFFF30];
	[tilespmem:s28+$0x60] =	vst v0  }
0xd4: {  	v0 =	vld.idx.msk [tilespmem:v7+s5+$0x0], $0xffff  }
0xd5: {  	v7 =	vld.idx.msk [tilespmem:v8+s5+$0x0], $0xffff  }
0xd6: {  	v8 =	vld [tilespmem:s10+$0xFFFFFFB0]  }
0xd7: {  	v9 =	vld [tilespmem:s10+$0xFFFFFF40]  }
0xd8: {  	v10 =	vld [tilespmem:s10+$0xFFFFFFC0]  }
0xd9: {  	v11 =	vld [tilespmem:s10+$0xFFFFFF50]  }
0xda: {  	v12 =	vld [tilespmem:s10+$0xFFFFFFD0]  }
0xdb: {  	v0 =	vmul.f32 v7, v0;
	v13 =	vld [tilespmem:s10+$0xFFFFFF60]  }
0xdc: {  	s28 =	sadd.s32 $0x100, s28;
	v7 =	vld [tilespmem:s10+$0xFFFFFFE0]  }
0xdd: {  	v14 =	vld [tilespmem:s10+$0xFFFFFF70];
	[tilespmem:s28+$0x70] =	vst v0  }
0xde: {  	v0 =	vld [tilespmem:s10+$0xFFFFFFF0]  }
0xdf: {  	v15 =	vld [tilespmem:s10+$0x0]  }
0xe0: {  	v16 =	vld [tilespmem:s10+$0x80]  }
0xe1: {  	v17 =	vld [tilespmem:s10+$0x10]  }
0xe2: {  	v18 =	vld [tilespmem:s10+$0x90]  }
0xe3: {  	v19 =	vld [tilespmem:s10+$0x20]  }
0xe4: {  	v20 =	vld [tilespmem:s10+$0xA0]  }
0xe5: {  	v21 =	vld [tilespmem:s10+$0x30]  }
0xe6: {  	v22 =	vld [tilespmem:s10+$0xB0]  }
0xe7: {  	v23 =	vld [tilespmem:s10+$0x40]  }
0xe8: {  	v24 =	vld [tilespmem:s10+$0xC0]  }
0xe9: {  	v25 =	vld [tilespmem:s10+$0x50]  }
0xea: {  	v26 =	vld [tilespmem:s10+$0xD0]  }
0xeb: {  	v27 =	vld [tilespmem:s10+$0x60]  }
0xec: {  	v28 =	vld [tilespmem:s10+$0xE0]  }
0xed: {  	v29 =	vld [tilespmem:s10+$0xFFFFFF00]  }
0xee: {  	v2 =	vld.idx.msk [tilespmem:v2+s5+$0x0], $0xffff  }
0xef: {  	v6 =	vld.idx.msk [tilespmem:v6+s5+$0x0], $0xffff  }
0xf0: {  	v1 =	vld.idx.msk [tilespmem:v1+s5+$0x0], $0xffff  }
0xf1: {  	v4 =	vld.idx.msk [tilespmem:v4+s5+$0x0], $0xffff  }
0xf2: {  	v3 =	vld.idx.msk [tilespmem:v3+s5+$0x0], $0xffff  }
0xf3: {  	v5 =	vld.idx.msk [tilespmem:v5+s5+$0x0], $0xffff  }
0xf4: {  	v8 =	vld.idx.msk [tilespmem:v8+s5+$0x0], $0xffff  }
0xf5: {  	v29 =	vld.idx.msk [tilespmem:v29+s5+$0x0], $0xffff  }
0xf6: {  	v1 =	vmul.f32 v1, v6;
	v6 =	vld.idx.msk [tilespmem:v9+s5+$0x0], $0xffff  }
0xf7: {  	v9 =	vld.idx.msk [tilespmem:v10+s5+$0x0], $0xffff  }
0xf8: {  	[tilespmem:s28+$0xFFFFFF90] =	vst v1;
	v1 =	vmul.f32 v3, v4;
	v3 =	vld.idx.msk [tilespmem:v11+s5+$0x0], $0xffff  }
0xf9: {  	v4 =	vld.idx.msk [tilespmem:v12+s5+$0x0], $0xffff  }
0xfa: {  	[tilespmem:s28+$0xFFFFFFA0] =	vst v1;
	v1 =	vmul.f32 v8, v5;
	v5 =	vld.idx.msk [tilespmem:v13+s5+$0x0], $0xffff  }
0xfb: {  	v2 =	vmul.f32 v2, v29;
	v7 =	vld.idx.msk [tilespmem:v7+s5+$0x0], $0xffff  }
0xfc: {  	[tilespmem:s28+$0xFFFFFFB0] =	vst v1;
	v1 =	vld.idx.msk [tilespmem:v14+s5+$0x0], $0xffff  }
0xfd: {  	[tilespmem:s28+$0xFFFFFF80] =	vst v2;
	v2 =	vmul.f32 v9, v6;
	v0 =	vld.idx.msk [tilespmem:v0+s5+$0x0], $0xffff  }
0xfe: {  	v6 =	vld.idx.msk [tilespmem:v15+s5+$0x0], $0xffff  }
0xff: {  	[tilespmem:s28+$0xFFFFFFC0] =	vst v2;
	v2 =	vmul.f32 v4, v3;
	v3 =	vld.idx.msk [tilespmem:v16+s5+$0x0], $0xffff  }
0x100: {  	v4 =	vld.idx.msk [tilespmem:v17+s5+$0x0], $0xffff  }
0x101: {  	[tilespmem:s28+$0xFFFFFFD0] =	vst v2;
	v2 =	vmul.f32 v7, v5;
	v5 =	vld.idx.msk [tilespmem:v18+s5+$0x0], $0xffff  }
0x102: {  	v7 =	vld.idx.msk [tilespmem:v19+s5+$0x0], $0xffff  }
0x103: {  	v0 =	vmul.f32 v0, v1;
	[tilespmem:s28+$0xFFFFFFE0] =	vst v2;
	v8 =	vld.idx.msk [tilespmem:v20+s5+$0x0], $0xffff  }
0x104: {  	v9 =	vld.idx.msk [tilespmem:v21+s5+$0x0], $0xffff  }
0x105: {  	v1 =	vmul.f32 v3, v6;
	[tilespmem:s28+$0xFFFFFFF0] =	vst v0;
	v6 =	vld.idx.msk [tilespmem:v22+s5+$0x0], $0xffff  }
0x106: {  	v0 =	vld.idx.msk [tilespmem:v23+s5+$0x0], $0xffff  }
.Ltmp0:
0x107: {  	v3 =	vmul.f32 v5, v4;
	[tilespmem:s28+$0x0] =	vst v1;
	v2 =	vld.idx.msk [tilespmem:v24+s5+$0x0], $0xffff;
	(pc) =	sbr.rel @p1 .LBB2_3-.Ltmp0, $4  }
0x108: {  	v1 =	vld.idx.msk [tilespmem:v25+s5+$0x0], $0xffff  }
0x109: {  	v5 =	vmul.f32 v8, v7;
	[tilespmem:s28+$0x10] =	vst v3;
	v4 =	vld.idx.msk [tilespmem:v26+s5+$0x0], $0xffff  }
0x10a: {  	v3 =	vld.idx.msk [tilespmem:v27+s5+$0x0], $0xffff  }
0x10b: {  	s10 =	sadd.s32 $0x200, s10;
	v6 =	vmul.f32 v6, v9;
	[tilespmem:s28+$0x20] =	vst v5;
	v5 =	vld.idx.msk [tilespmem:v28+s5+$0x0], $0xffff  }
0x10c: {  	_ =	sdelay $0x1  }
0x10d: {  	v0 =	vmul.f32 v2, v0  }
0x10e: {  	[tilespmem:s28+$0x30] =	vst v6;
	v1 =	vmul.f32 v4, v1  }
0x10f: {  	[tilespmem:s28+$0x40] =	vst v0;
	v0 =	vmul.f32 v5, v3  }
0x110: {  	s10 =	sshrl.u32 s29, $0x3;
	[tilespmem:s28+$0x50] =	vst v1  }
0x111: {  	p1 =	seq.s32 s24, $0x17;
	s10 =	sadd.s32 s3, s10;
	[tilespmem:s28+$0x60] =	vst v0  }
0x112: {  	[hbm4b:s10+s5] =	stream.linear.scatter [tilespmem:s17], [sflag:$0x2], $0x800, $0x38;
	[tilespmem:$0x1FF80] =	vst v63  }
0x113: {  	p2 =	seq.s32 @!p1 s24, $0x0;
	s10 =	sadd.s32 @!p1 s26, s0  }
0x114: {  	s29 =	simm.s32 @!p1 $0x18700;
	_ =	swait.ge [sflag:s11], $0x1000;
	s10 =	sshll.u32 @!p1 s10, $0x9  }
0x115: {  	p2 =	por p1, !p2;
	[sflag:s11] =	ssyncset.done $0x0;
	s10 =	sand.u32 @!p1 $0x1FFFFE00, s10  }
0x116: {  	s28 =	simm.s32 @!p1 $0x0;
	[sflag:s11] =	ssyncadd.s32 $0xFFFFF000;
	s10 =	sadd.s32 @!p1 s2, s10  }
0x117: {  	[tilespmem:s29], [sflag:$0x1] =	stream.linear.gather @!p1 [hbm4b:s10+s28], $0x1000, $0x38;
	[tilespmem:$0x1FF80] =	vst v63  }
0x118: {  	_ =	swait.ge @p2 [sflag:s21], $0x800  }
0x119: {  	[sflag:s21] =	ssyncset.done @p2 $0x0  }
0x11a: {  	s10 =	simm.s32 $0x198F0;
	[sflag:s21] =	ssyncadd.s32 @p2 $0xFFFFF800  }
0x11b: {  	v0 =	vld [tilespmem:s10+$0xFFFFFF80]  }
0x11c: {  	v1 =	vld [tilespmem:s10+$0x0]  }
0x11d: {  	v2 =	vld [tilespmem:s10+$0xFFFFFE90]  }
0x11e: {  	v3 =	vld [tilespmem:s10+$0xFFFFFE20]  }
0x11f: {  	v4 =	vld [tilespmem:s10+$0xFFFFFEA0]  }
0x120: {  	v5 =	vld [tilespmem:s10+$0xFFFFFE30]  }
0x121: {  	v6 =	vld [tilespmem:s10+$0xFFFFFEB0]  }
0x122: {  	v7 =	vld [tilespmem:s10+$0xFFFFFE40]  }
0x123: {  	v8 =	vld [tilespmem:s10+$0xFFFFFEC0]  }
0x124: {  	v9 =	vld [tilespmem:s10+$0xFFFFFE50]  }
0x125: {  	v10 =	vld [tilespmem:s10+$0xFFFFFED0]  }
0x126: {  	v11 =	vld [tilespmem:s10+$0xFFFFFE60]  }
0x127: {  	v12 =	vld [tilespmem:s10+$0xFFFFFEE0]  }
0x128: {  	v13 =	vld [tilespmem:s10+$0xFFFFFE70]  }
0x129: {  	v14 =	vld [tilespmem:s10+$0xFFFFFEF0]  }
0x12a: {  	v15 =	vld [tilespmem:s10+$0xFFFFFE80]  }
0x12b: {  	v16 =	vld [tilespmem:s10+$0xFFFFFF00]  }
0x12c: {  	v17 =	vld [tilespmem:s10+$0xFFFFFF10]  }
0x12d: {  	v18 =	vld [tilespmem:s10+$0xFFFFFF90]  }
0x12e: {  	v19 =	vld [tilespmem:s10+$0xFFFFFF20]  }
0x12f: {  	v20 =	vld [tilespmem:s10+$0xFFFFFFA0]  }
0x130: {  	v21 =	vld [tilespmem:s10+$0xFFFFFF30]  }
0x131: {  	v22 =	vld [tilespmem:s10+$0xFFFFFFB0]  }
0x132: {  	v23 =	vld [tilespmem:s10+$0xFFFFFF40]  }
0x133: {  	v24 =	vld [tilespmem:s10+$0xFFFFFFC0]  }
0x134: {  	v25 =	vld [tilespmem:s10+$0xFFFFFF50]  }
0x135: {  	v26 =	vld [tilespmem:s10+$0xFFFFFFD0]  }
0x136: {  	v27 =	vld [tilespmem:s10+$0xFFFFFF60]  }
0x137: {  	v28 =	vld [tilespmem:s10+$0xFFFFFFE0]  }
0x138: {  	v29 =	vld [tilespmem:s10+$0xFFFFFF70]  }
0x139: {  	v30 =	vld [tilespmem:s10+$0xFFFFFFF0]  }
0x13a: {  	v31 =	vld [tilespmem:s10+$0xFFFFFE10]  }
0x13b: {  	v0 =	vld.idx.msk [tilespmem:v0+s5+$0x0], $0xffff  }
0x13c: {  	v1 =	vld.idx.msk [tilespmem:v1+s5+$0x0], $0xffff  }
0x13d: {  	v2 =	vld.idx.msk [tilespmem:v2+s5+$0x0], $0xffff  }
0x13e: {  	v3 =	vld.idx.msk [tilespmem:v3+s5+$0x0], $0xffff  }
0x13f: {  	v4 =	vld.idx.msk [tilespmem:v4+s5+$0x0], $0xffff  }
0x140: {  	v5 =	vld.idx.msk [tilespmem:v5+s5+$0x0], $0xffff  }
0x141: {  	v6 =	vld.idx.msk [tilespmem:v6+s5+$0x0], $0xffff  }
0x142: {  	v7 =	vld.idx.msk [tilespmem:v7+s5+$0x0], $0xffff  }
0x143: {  	v8 =	vld.idx.msk [tilespmem:v8+s5+$0x0], $0xffff  }
0x144: {  	v31 =	vld.idx.msk [tilespmem:v31+s5+$0x0], $0xffff  }
0x145: {  	v9 =	vld.idx.msk [tilespmem:v9+s5+$0x0], $0xffff  }
0x146: {  	v10 =	vld.idx.msk [tilespmem:v10+s5+$0x0], $0xffff  }
0x147: {  	v11 =	vld.idx.msk [tilespmem:v11+s5+$0x0], $0xffff  }
0x148: {  	v12 =	vld.idx.msk [tilespmem:v12+s5+$0x0], $0xffff  }
0x149: {  	v15 =	vld.idx.msk [tilespmem:v15+s5+$0x0], $0xffff  }
0x14a: {  	v16 =	vld.idx.msk [tilespmem:v16+s5+$0x0], $0xffff  }
0x14b: {  	v13 =	vld.idx.msk [tilespmem:v13+s5+$0x0], $0xffff  }
0x14c: {  	v14 =	vld.idx.msk [tilespmem:v14+s5+$0x0], $0xffff  }
0x14d: {  	v62 =	vld.idx.msk [tilespmem:v24+s5+$0x0], $0xffff;
	v0 =	vmul.f32 v1, v0  }
0x14e: {  	s28 =	simm.s32 $0x1CFF0;
	v1 =	vld.idx.msk [tilespmem:v17+s5+$0x0], $0xffff;
	v3 =	vmul.f32 v4, v3  }
0x14f: {  	v4 =	vld.idx.msk [tilespmem:v18+s5+$0x0], $0xffff;
	v63 =	vmul.f32 v16, v15;
	[tilespmem:s28+$0x0] =	vst v0  }
0x150: {  	v0 =	vmul.f32 v6, v5;
	v5 =	vld.idx.msk [tilespmem:v19+s5+$0x0], $0xffff;
	[tilespmem:s28+$0xFFFFFF20] =	vst v3  }
0x151: {  	v3 =	vmul.f32 v8, v7;
	v6 =	vld.idx.msk [tilespmem:v20+s5+$0x0], $0xffff;
	[tilespmem:s28+$0xFFFFFF80] =	vst v63  }
0x152: {  	v7 =	vld.idx.msk [tilespmem:v22+s5+$0x0], $0xffff;
	[tilespmem:s28+$0xFFFFFF30] =	vst v0;
	v0 =	vmul.f32 v2, v31  }
0x153: {  	v2 =	vld.idx.msk [tilespmem:v21+s5+$0x0], $0xffff;
	[tilespmem:s28+$0xFFFFFF40] =	vst v3;
	v3 =	vmul.f32 v10, v9  }
0x154: {  	v8 =	vld.idx.msk [tilespmem:v23+s5+$0x0], $0xffff;
	[tilespmem:s28+$0xFFFFFF10] =	vst v0;
	v0 =	vmul.f32 v12, v11  }
0x155: {  	v4 =	vmul.f32 v4, v1;
	v1 =	vld.idx.msk [tilespmem:v27+s5+$0x0], $0xffff;
	[tilespmem:s28+$0xFFFFFF50] =	vst v3;
	v3 =	vmul.f32 v14, v13  }
0x156: {  	[tilespmem:s28+$0xFFFFFF60] =	vst v0;
	v0 =	vld.idx.msk [tilespmem:v25+s5+$0x0], $0xffff  }
0x157: {  	v5 =	vmul.f32 v6, v5;
	[tilespmem:s28+$0xFFFFFF70] =	vst v3;
	v3 =	vld.idx.msk [tilespmem:v26+s5+$0x0], $0xffff  }
0x158: {  	[tilespmem:s28+$0xFFFFFF90] =	vst v4;
	v4 =	vld.idx.msk [tilespmem:v28+s5+$0x0], $0xffff;
	v6 =	vmul.f32 v7, v2  }
0x159: {  	[tilespmem:s28+$0xFFFFFFA0] =	vst v5;
	v2 =	vld.idx.msk [tilespmem:v29+s5+$0x0], $0xffff  }
0x15a: {  	s30 =	simm.s32 $0x0;
	s29 =	sadd.s32 s26, s31;
	s10 =	simm.s32 $0x19AF0;
	v5 =	vld.idx.msk [tilespmem:v30+s5+$0x0], $0xffff;
	[tilespmem:s28+$0xFFFFFFB0] =	vst v6;
	v6 =	vmul.f32 v62, v8  }
.LBB2_5:
0x15b: {  	v7 =	vld [tilespmem:s10+$0xFFFFFF80]  }
0x15c: {  	s30 =	sadd.s32 $0x10, s30;
	v0 =	vmul.f32 v3, v0;
	v8 =	vld [tilespmem:s10+$0x0];
	[tilespmem:s28+$0xFFFFFFC0] =	vst v6  }
0x15d: {  	p3 =	slt.u32 s30, $0x70;
	v3 =	vld [tilespmem:s10+$0xFFFFFE90]  }
0x15e: {  	v6 =	vld [tilespmem:s10+$0xFFFFFE20];
	[tilespmem:s28+$0xFFFFFFD0] =	vst v0;
	v0 =	vmul.f32 v4, v1  }
0x15f: {  	v1 =	vld [tilespmem:s10+$0xFFFFFEA0]  }
0x160: {  	v4 =	vld [tilespmem:s10+$0xFFFFFE30];
	[tilespmem:s28+$0xFFFFFFE0] =	vst v0;
	v0 =	vmul.f32 v5, v2  }
0x161: {  	v2 =	vld [tilespmem:s10+$0xFFFFFEB0]  }
0x162: {  	v5 =	vld [tilespmem:s10+$0xFFFFFE40];
	[tilespmem:s28+$0xFFFFFFF0] =	vst v0  }
0x163: {  	v0 =	vld.idx.msk [tilespmem:v7+s5+$0x0], $0xffff  }
0x164: {  	v7 =	vld.idx.msk [tilespmem:v8+s5+$0x0], $0xffff  }
0x165: {  	v8 =	vld [tilespmem:s10+$0xFFFFFEC0]  }
0x166: {  	v9 =	vld [tilespmem:s10+$0xFFFFFE50]  }
0x167: {  	v10 =	vld [tilespmem:s10+$0xFFFFFED0]  }
0x168: {  	v11 =	vld [tilespmem:s10+$0xFFFFFE60]  }
0x169: {  	v12 =	vld [tilespmem:s10+$0xFFFFFEE0]  }
0x16a: {  	v0 =	vmul.f32 v7, v0;
	v13 =	vld [tilespmem:s10+$0xFFFFFE70]  }
0x16b: {  	s28 =	sadd.s32 $0x100, s28;
	v7 =	vld [tilespmem:s10+$0xFFFFFEF0]  }
0x16c: {  	v14 =	vld [tilespmem:s10+$0xFFFFFE80];
	[tilespmem:s28+$0x0] =	vst v0  }
0x16d: {  	v0 =	vld [tilespmem:s10+$0xFFFFFF00]  }
0x16e: {  	v15 =	vld [tilespmem:s10+$0xFFFFFF10]  }
0x16f: {  	v16 =	vld [tilespmem:s10+$0xFFFFFF90]  }
0x170: {  	v17 =	vld [tilespmem:s10+$0xFFFFFF20]  }
0x171: {  	v18 =	vld [tilespmem:s10+$0xFFFFFFA0]  }
0x172: {  	v19 =	vld [tilespmem:s10+$0xFFFFFF30]  }
0x173: {  	v20 =	vld [tilespmem:s10+$0xFFFFFFB0]  }
0x174: {  	v21 =	vld [tilespmem:s10+$0xFFFFFF40]  }
0x175: {  	v22 =	vld [tilespmem:s10+$0xFFFFFFC0]  }
0x176: {  	v23 =	vld [tilespmem:s10+$0xFFFFFF50]  }
0x177: {  	v24 =	vld [tilespmem:s10+$0xFFFFFFD0]  }
0x178: {  	v25 =	vld [tilespmem:s10+$0xFFFFFF60]  }
0x179: {  	v26 =	vld [tilespmem:s10+$0xFFFFFFE0]  }
0x17a: {  	v27 =	vld [tilespmem:s10+$0xFFFFFF70]  }
0x17b: {  	v28 =	vld [tilespmem:s10+$0xFFFFFFF0]  }
0x17c: {  	v29 =	vld [tilespmem:s10+$0xFFFFFE10]  }
0x17d: {  	v3 =	vld.idx.msk [tilespmem:v3+s5+$0x0], $0xffff  }
0x17e: {  	v6 =	vld.idx.msk [tilespmem:v6+s5+$0x0], $0xffff  }
0x17f: {  	v1 =	vld.idx.msk [tilespmem:v1+s5+$0x0], $0xffff  }
0x180: {  	v4 =	vld.idx.msk [tilespmem:v4+s5+$0x0], $0xffff  }
0x181: {  	v2 =	vld.idx.msk [tilespmem:v2+s5+$0x0], $0xffff  }
0x182: {  	v5 =	vld.idx.msk [tilespmem:v5+s5+$0x0], $0xffff  }
0x183: {  	v8 =	vld.idx.msk [tilespmem:v8+s5+$0x0], $0xffff  }
0x184: {  	v29 =	vld.idx.msk [tilespmem:v29+s5+$0x0], $0xffff  }
0x185: {  	v1 =	vmul.f32 v1, v6;
	v6 =	vld.idx.msk [tilespmem:v9+s5+$0x0], $0xffff  }
0x186: {  	v9 =	vld.idx.msk [tilespmem:v10+s5+$0x0], $0xffff  }
0x187: {  	[tilespmem:s28+$0xFFFFFF20] =	vst v1;
	v1 =	vmul.f32 v2, v4;
	v2 =	vld.idx.msk [tilespmem:v11+s5+$0x0], $0xffff  }
0x188: {  	v4 =	vld.idx.msk [tilespmem:v12+s5+$0x0], $0xffff  }
0x189: {  	[tilespmem:s28+$0xFFFFFF30] =	vst v1;
	v1 =	vmul.f32 v8, v5;
	v5 =	vld.idx.msk [tilespmem:v13+s5+$0x0], $0xffff  }
0x18a: {  	v3 =	vmul.f32 v3, v29;
	v7 =	vld.idx.msk [tilespmem:v7+s5+$0x0], $0xffff  }
0x18b: {  	[tilespmem:s28+$0xFFFFFF40] =	vst v1;
	v1 =	vld.idx.msk [tilespmem:v14+s5+$0x0], $0xffff  }
0x18c: {  	[tilespmem:s28+$0xFFFFFF10] =	vst v3;
	v3 =	vmul.f32 v9, v6;
	v0 =	vld.idx.msk [tilespmem:v0+s5+$0x0], $0xffff  }
0x18d: {  	v6 =	vld.idx.msk [tilespmem:v15+s5+$0x0], $0xffff  }
0x18e: {  	v2 =	vmul.f32 v4, v2;
	[tilespmem:s28+$0xFFFFFF50] =	vst v3;
	v3 =	vld.idx.msk [tilespmem:v16+s5+$0x0], $0xffff  }
0x18f: {  	v4 =	vld.idx.msk [tilespmem:v17+s5+$0x0], $0xffff  }
0x190: {  	[tilespmem:s28+$0xFFFFFF60] =	vst v2;
	v2 =	vmul.f32 v7, v5;
	v5 =	vld.idx.msk [tilespmem:v18+s5+$0x0], $0xffff  }
0x191: {  	v7 =	vld.idx.msk [tilespmem:v19+s5+$0x0], $0xffff  }
0x192: {  	v0 =	vmul.f32 v0, v1;
	[tilespmem:s28+$0xFFFFFF70] =	vst v2;
	v2 =	vld.idx.msk [tilespmem:v20+s5+$0x0], $0xffff  }
0x193: {  	v8 =	vld.idx.msk [tilespmem:v21+s5+$0x0], $0xffff  }
0x194: {  	v1 =	vmul.f32 v3, v6;
	[tilespmem:s28+$0xFFFFFF80] =	vst v0;
	v6 =	vld.idx.msk [tilespmem:v22+s5+$0x0], $0xffff  }
0x195: {  	v0 =	vld.idx.msk [tilespmem:v23+s5+$0x0], $0xffff  }
.Ltmp1:
0x196: {  	v4 =	vmul.f32 v5, v4;
	[tilespmem:s28+$0xFFFFFF90] =	vst v1;
	v3 =	vld.idx.msk [tilespmem:v24+s5+$0x0], $0xffff;
	(pc) =	sbr.rel @p3 .LBB2_5-.Ltmp1, $4  }
0x197: {  	v1 =	vld.idx.msk [tilespmem:v25+s5+$0x0], $0xffff  }
0x198: {  	v5 =	vmul.f32 v2, v7;
	[tilespmem:s28+$0xFFFFFFA0] =	vst v4;
	v4 =	vld.idx.msk [tilespmem:v26+s5+$0x0], $0xffff  }
0x199: {  	v2 =	vld.idx.msk [tilespmem:v27+s5+$0x0], $0xffff  }
0x19a: {  	s10 =	sadd.s32 $0x200, s10;
	v6 =	vmul.f32 v6, v8;
	[tilespmem:s28+$0xFFFFFFB0] =	vst v5;
	v5 =	vld.idx.msk [tilespmem:v28+s5+$0x0], $0xffff  }
0x19b: {  	_ =	sdelay $0x1  }
0x19c: {  	v0 =	vmul.f32 v3, v0  }
0x19d: {  	[tilespmem:s28+$0xFFFFFFC0] =	vst v6;
	v1 =	vmul.f32 v4, v1  }
0x19e: {  	s10 =	sshll.u32 s29, $0x8;
	[tilespmem:s28+$0xFFFFFFD0] =	vst v0;
	v0 =	vmul.f32 v5, v2  }
0x19f: {  	s10 =	sand.u32 $0x1FFFFF00, s10;
	[tilespmem:s28+$0xFFFFFFE0] =	vst v1  }
0x1a0: {  	s10 =	sadd.s32 s3, s10;
	[tilespmem:s28+$0xFFFFFFF0] =	vst v0  }
0x1a1: {  	[hbm4b:s10+s5] =	stream.linear.scatter [tilespmem:s18], [sflag:$0x2], $0x800, $0x38;
	[tilespmem:$0x1FF80] =	vst v63  }
0x1a2: {  	s10 =	sadd.s32 @!p1 s26, s4  }
0x1a3: {  	_ =	swait.ge [sflag:s11], $0x1000;
	s10 =	sshll.u32 @!p1 s10, $0x9  }
0x1a4: {  	s29 =	simm.s32 @!p1 $0x19700;
	[sflag:s11] =	ssyncset.done $0x0;
	s10 =	sand.u32 @!p1 $0x1FFFFE00, s10  }
0x1a5: {  	s28 =	simm.s32 @!p1 $0x0;
	[sflag:s11] =	ssyncadd.s32 $0xFFFFF000;
	s10 =	sadd.s32 @!p1 s2, s10  }
0x1a6: {  	[tilespmem:s29], [sflag:$0x1] =	stream.linear.gather @!p1 [hbm4b:s10+s28], $0x1000, $0x38;
	[tilespmem:$0x1FF80] =	vst v63  }
0x1a7: {  	_ =	swait.ge @p2 [sflag:s21], $0x800  }
0x1a8: {  	[sflag:s21] =	ssyncset.done @p2 $0x0  }
0x1a9: {  	s10 =	simm.s32 $0x1A8F0;
	[sflag:s21] =	ssyncadd.s32 @p2 $0xFFFFF800  }
0x1aa: {  	v0 =	vld [tilespmem:s10+$0xFFFFFF80]  }
0x1ab: {  	v1 =	vld [tilespmem:s10+$0x0]  }
0x1ac: {  	v2 =	vld [tilespmem:s10+$0xFFFFFE90]  }
0x1ad: {  	v3 =	vld [tilespmem:s10+$0xFFFFFE20]  }
0x1ae: {  	v4 =	vld [tilespmem:s10+$0xFFFFFEA0]  }
0x1af: {  	v5 =	vld [tilespmem:s10+$0xFFFFFE30]  }
0x1b0: {  	v6 =	vld [tilespmem:s10+$0xFFFFFEB0]  }
0x1b1: {  	v7 =	vld [tilespmem:s10+$0xFFFFFE40]  }
0x1b2: {  	v8 =	vld [tilespmem:s10+$0xFFFFFEC0]  }
0x1b3: {  	v9 =	vld [tilespmem:s10+$0xFFFFFE50]  }
0x1b4: {  	v10 =	vld [tilespmem:s10+$0xFFFFFED0]  }
0x1b5: {  	v11 =	vld [tilespmem:s10+$0xFFFFFE60]  }
0x1b6: {  	v12 =	vld [tilespmem:s10+$0xFFFFFEE0]  }
0x1b7: {  	v13 =	vld [tilespmem:s10+$0xFFFFFE70]  }
0x1b8: {  	v14 =	vld [tilespmem:s10+$0xFFFFFEF0]  }
0x1b9: {  	v15 =	vld [tilespmem:s10+$0xFFFFFE80]  }
0x1ba: {  	v16 =	vld [tilespmem:s10+$0xFFFFFF00]  }
0x1bb: {  	v17 =	vld [tilespmem:s10+$0xFFFFFF10]  }
0x1bc: {  	v18 =	vld [tilespmem:s10+$0xFFFFFF90]  }
0x1bd: {  	v19 =	vld [tilespmem:s10+$0xFFFFFF20]  }
0x1be: {  	v20 =	vld [tilespmem:s10+$0xFFFFFFA0]  }
0x1bf: {  	v21 =	vld [tilespmem:s10+$0xFFFFFF30]  }
0x1c0: {  	v22 =	vld [tilespmem:s10+$0xFFFFFFB0]  }
0x1c1: {  	v23 =	vld [tilespmem:s10+$0xFFFFFF40]  }
0x1c2: {  	v24 =	vld [tilespmem:s10+$0xFFFFFFC0]  }
0x1c3: {  	v25 =	vld [tilespmem:s10+$0xFFFFFF50]  }
0x1c4: {  	v26 =	vld [tilespmem:s10+$0xFFFFFFD0]  }
0x1c5: {  	v27 =	vld [tilespmem:s10+$0xFFFFFF60]  }
0x1c6: {  	v28 =	vld [tilespmem:s10+$0xFFFFFFE0]  }
0x1c7: {  	v29 =	vld [tilespmem:s10+$0xFFFFFF70]  }
0x1c8: {  	v30 =	vld [tilespmem:s10+$0xFFFFFFF0]  }
0x1c9: {  	v31 =	vld [tilespmem:s10+$0xFFFFFE10]  }
0x1ca: {  	v0 =	vld.idx.msk [tilespmem:v0+s5+$0x0], $0xffff  }
0x1cb: {  	v1 =	vld.idx.msk [tilespmem:v1+s5+$0x0], $0xffff  }
0x1cc: {  	v2 =	vld.idx.msk [tilespmem:v2+s5+$0x0], $0xffff  }
0x1cd: {  	v3 =	vld.idx.msk [tilespmem:v3+s5+$0x0], $0xffff  }
0x1ce: {  	v4 =	vld.idx.msk [tilespmem:v4+s5+$0x0], $0xffff  }
0x1cf: {  	v5 =	vld.idx.msk [tilespmem:v5+s5+$0x0], $0xffff  }
0x1d0: {  	v6 =	vld.idx.msk [tilespmem:v6+s5+$0x0], $0xffff  }
0x1d1: {  	v7 =	vld.idx.msk [tilespmem:v7+s5+$0x0], $0xffff  }
0x1d2: {  	v8 =	vld.idx.msk [tilespmem:v8+s5+$0x0], $0xffff  }
0x1d3: {  	v31 =	vld.idx.msk [tilespmem:v31+s5+$0x0], $0xffff  }
0x1d4: {  	v9 =	vld.idx.msk [tilespmem:v9+s5+$0x0], $0xffff  }
0x1d5: {  	v10 =	vld.idx.msk [tilespmem:v10+s5+$0x0], $0xffff  }
0x1d6: {  	v11 =	vld.idx.msk [tilespmem:v11+s5+$0x0], $0xffff  }
0x1d7: {  	v12 =	vld.idx.msk [tilespmem:v12+s5+$0x0], $0xffff  }
0x1d8: {  	v15 =	vld.idx.msk [tilespmem:v15+s5+$0x0], $0xffff  }
0x1d9: {  	v16 =	vld.idx.msk [tilespmem:v16+s5+$0x0], $0xffff  }
0x1da: {  	v13 =	vld.idx.msk [tilespmem:v13+s5+$0x0], $0xffff  }
0x1db: {  	v14 =	vld.idx.msk [tilespmem:v14+s5+$0x0], $0xffff  }
0x1dc: {  	v62 =	vld.idx.msk [tilespmem:v24+s5+$0x0], $0xffff;
	v0 =	vmul.f32 v1, v0  }
0x1dd: {  	s28 =	simm.s32 $0x1D7F0;
	v1 =	vld.idx.msk [tilespmem:v17+s5+$0x0], $0xffff;
	v3 =	vmul.f32 v4, v3  }
0x1de: {  	v4 =	vld.idx.msk [tilespmem:v18+s5+$0x0], $0xffff;
	v63 =	vmul.f32 v16, v15;
	[tilespmem:s28+$0x0] =	vst v0  }
0x1df: {  	v0 =	vmul.f32 v6, v5;
	v5 =	vld.idx.msk [tilespmem:v19+s5+$0x0], $0xffff;
	[tilespmem:s28+$0xFFFFFF20] =	vst v3  }
0x1e0: {  	v3 =	vmul.f32 v8, v7;
	v6 =	vld.idx.msk [tilespmem:v20+s5+$0x0], $0xffff;
	[tilespmem:s28+$0xFFFFFF80] =	vst v63  }
0x1e1: {  	v7 =	vld.idx.msk [tilespmem:v22+s5+$0x0], $0xffff;
	[tilespmem:s28+$0xFFFFFF30] =	vst v0;
	v0 =	vmul.f32 v2, v31  }
0x1e2: {  	v2 =	vld.idx.msk [tilespmem:v21+s5+$0x0], $0xffff;
	[tilespmem:s28+$0xFFFFFF40] =	vst v3;
	v3 =	vmul.f32 v10, v9  }
0x1e3: {  	v8 =	vld.idx.msk [tilespmem:v23+s5+$0x0], $0xffff;
	[tilespmem:s28+$0xFFFFFF10] =	vst v0;
	v0 =	vmul.f32 v12, v11  }
0x1e4: {  	v4 =	vmul.f32 v4, v1;
	v1 =	vld.idx.msk [tilespmem:v27+s5+$0x0], $0xffff;
	[tilespmem:s28+$0xFFFFFF50] =	vst v3;
	v3 =	vmul.f32 v14, v13  }
0x1e5: {  	[tilespmem:s28+$0xFFFFFF60] =	vst v0;
	v0 =	vld.idx.msk [tilespmem:v25+s5+$0x0], $0xffff  }
0x1e6: {  	v5 =	vmul.f32 v6, v5;
	[tilespmem:s28+$0xFFFFFF70] =	vst v3;
	v3 =	vld.idx.msk [tilespmem:v26+s5+$0x0], $0xffff  }
0x1e7: {  	[tilespmem:s28+$0xFFFFFF90] =	vst v4;
	v4 =	vld.idx.msk [tilespmem:v28+s5+$0x0], $0xffff;
	v6 =	vmul.f32 v7, v2  }
0x1e8: {  	[tilespmem:s28+$0xFFFFFFA0] =	vst v5;
	v2 =	vld.idx.msk [tilespmem:v29+s5+$0x0], $0xffff  }
0x1e9: {  	s30 =	simm.s32 $0x0;
	s29 =	sadd.s32 s26, s1;
	s10 =	simm.s32 $0x1AAF0;
	v5 =	vld.idx.msk [tilespmem:v30+s5+$0x0], $0xffff;
	[tilespmem:s28+$0xFFFFFFB0] =	vst v6;
	v6 =	vmul.f32 v62, v8  }
.LBB2_7:
0x1ea: {  	v7 =	vld [tilespmem:s10+$0xFFFFFF80]  }
0x1eb: {  	s30 =	sadd.s32 $0x10, s30;
	v0 =	vmul.f32 v3, v0;
	v8 =	vld [tilespmem:s10+$0x0];
	[tilespmem:s28+$0xFFFFFFC0] =	vst v6  }
0x1ec: {  	p3 =	slt.u32 s30, $0x70;
	v3 =	vld [tilespmem:s10+$0xFFFFFE90]  }
0x1ed: {  	v6 =	vld [tilespmem:s10+$0xFFFFFE20];
	[tilespmem:s28+$0xFFFFFFD0] =	vst v0;
	v0 =	vmul.f32 v4, v1  }
0x1ee: {  	v1 =	vld [tilespmem:s10+$0xFFFFFEA0]  }
0x1ef: {  	v4 =	vld [tilespmem:s10+$0xFFFFFE30];
	[tilespmem:s28+$0xFFFFFFE0] =	vst v0;
	v0 =	vmul.f32 v5, v2  }
0x1f0: {  	v2 =	vld [tilespmem:s10+$0xFFFFFEB0]  }
0x1f1: {  	v5 =	vld [tilespmem:s10+$0xFFFFFE40];
	[tilespmem:s28+$0xFFFFFFF0] =	vst v0  }
0x1f2: {  	v0 =	vld.idx.msk [tilespmem:v7+s5+$0x0], $0xffff  }
0x1f3: {  	v7 =	vld.idx.msk [tilespmem:v8+s5+$0x0], $0xffff  }
0x1f4: {  	v8 =	vld [tilespmem:s10+$0xFFFFFEC0]  }
0x1f5: {  	v9 =	vld [tilespmem:s10+$0xFFFFFE50]  }
0x1f6: {  	v10 =	vld [tilespmem:s10+$0xFFFFFED0]  }
0x1f7: {  	v11 =	vld [tilespmem:s10+$0xFFFFFE60]  }
0x1f8: {  	v12 =	vld [tilespmem:s10+$0xFFFFFEE0]  }
0x1f9: {  	v0 =	vmul.f32 v7, v0;
	v13 =	vld [tilespmem:s10+$0xFFFFFE70]  }
0x1fa: {  	s28 =	sadd.s32 $0x100, s28;
	v7 =	vld [tilespmem:s10+$0xFFFFFEF0]  }
0x1fb: {  	v14 =	vld [tilespmem:s10+$0xFFFFFE80];
	[tilespmem:s28+$0x0] =	vst v0  }
0x1fc: {  	v0 =	vld [tilespmem:s10+$0xFFFFFF00]  }
0x1fd: {  	v15 =	vld [tilespmem:s10+$0xFFFFFF10]  }
0x1fe: {  	v16 =	vld [tilespmem:s10+$0xFFFFFF90]  }
0x1ff: {  	v17 =	vld [tilespmem:s10+$0xFFFFFF20]  }
0x200: {  	v18 =	vld [tilespmem:s10+$0xFFFFFFA0]  }
0x201: {  	v19 =	vld [tilespmem:s10+$0xFFFFFF30]  }
0x202: {  	v20 =	vld [tilespmem:s10+$0xFFFFFFB0]  }
0x203: {  	v21 =	vld [tilespmem:s10+$0xFFFFFF40]  }
0x204: {  	v22 =	vld [tilespmem:s10+$0xFFFFFFC0]  }
0x205: {  	v23 =	vld [tilespmem:s10+$0xFFFFFF50]  }
0x206: {  	v24 =	vld [tilespmem:s10+$0xFFFFFFD0]  }
0x207: {  	v25 =	vld [tilespmem:s10+$0xFFFFFF60]  }
0x208: {  	v26 =	vld [tilespmem:s10+$0xFFFFFFE0]  }
0x209: {  	v27 =	vld [tilespmem:s10+$0xFFFFFF70]  }
0x20a: {  	v28 =	vld [tilespmem:s10+$0xFFFFFFF0]  }
0x20b: {  	v29 =	vld [tilespmem:s10+$0xFFFFFE10]  }
0x20c: {  	v3 =	vld.idx.msk [tilespmem:v3+s5+$0x0], $0xffff  }
0x20d: {  	v6 =	vld.idx.msk [tilespmem:v6+s5+$0x0], $0xffff  }
0x20e: {  	v1 =	vld.idx.msk [tilespmem:v1+s5+$0x0], $0xffff  }
0x20f: {  	v4 =	vld.idx.msk [tilespmem:v4+s5+$0x0], $0xffff  }
0x210: {  	v2 =	vld.idx.msk [tilespmem:v2+s5+$0x0], $0xffff  }
0x211: {  	v5 =	vld.idx.msk [tilespmem:v5+s5+$0x0], $0xffff  }
0x212: {  	v8 =	vld.idx.msk [tilespmem:v8+s5+$0x0], $0xffff  }
0x213: {  	v29 =	vld.idx.msk [tilespmem:v29+s5+$0x0], $0xffff  }
0x214: {  	v1 =	vmul.f32 v1, v6;
	v6 =	vld.idx.msk [tilespmem:v9+s5+$0x0], $0xffff  }
0x215: {  	v9 =	vld.idx.msk [tilespmem:v10+s5+$0x0], $0xffff  }
0x216: {  	[tilespmem:s28+$0xFFFFFF20] =	vst v1;
	v1 =	vmul.f32 v2, v4;
	v2 =	vld.idx.msk [tilespmem:v11+s5+$0x0], $0xffff  }
0x217: {  	v4 =	vld.idx.msk [tilespmem:v12+s5+$0x0], $0xffff  }
0x218: {  	[tilespmem:s28+$0xFFFFFF30] =	vst v1;
	v1 =	vmul.f32 v8, v5;
	v5 =	vld.idx.msk [tilespmem:v13+s5+$0x0], $0xffff  }
0x219: {  	v3 =	vmul.f32 v3, v29;
	v7 =	vld.idx.msk [tilespmem:v7+s5+$0x0], $0xffff  }
0x21a: {  	[tilespmem:s28+$0xFFFFFF40] =	vst v1;
	v1 =	vld.idx.msk [tilespmem:v14+s5+$0x0], $0xffff  }
0x21b: {  	[tilespmem:s28+$0xFFFFFF10] =	vst v3;
	v3 =	vmul.f32 v9, v6;
	v0 =	vld.idx.msk [tilespmem:v0+s5+$0x0], $0xffff  }
0x21c: {  	v6 =	vld.idx.msk [tilespmem:v15+s5+$0x0], $0xffff  }
0x21d: {  	v2 =	vmul.f32 v4, v2;
	[tilespmem:s28+$0xFFFFFF50] =	vst v3;
	v3 =	vld.idx.msk [tilespmem:v16+s5+$0x0], $0xffff  }
0x21e: {  	v4 =	vld.idx.msk [tilespmem:v17+s5+$0x0], $0xffff  }
0x21f: {  	[tilespmem:s28+$0xFFFFFF60] =	vst v2;
	v2 =	vmul.f32 v7, v5;
	v5 =	vld.idx.msk [tilespmem:v18+s5+$0x0], $0xffff  }
0x220: {  	v7 =	vld.idx.msk [tilespmem:v19+s5+$0x0], $0xffff  }
0x221: {  	v0 =	vmul.f32 v0, v1;
	[tilespmem:s28+$0xFFFFFF70] =	vst v2;
	v2 =	vld.idx.msk [tilespmem:v20+s5+$0x0], $0xffff  }
0x222: {  	v8 =	vld.idx.msk [tilespmem:v21+s5+$0x0], $0xffff  }
0x223: {  	v1 =	vmul.f32 v3, v6;
	[tilespmem:s28+$0xFFFFFF80] =	vst v0;
	v6 =	vld.idx.msk [tilespmem:v22+s5+$0x0], $0xffff  }
0x224: {  	v0 =	vld.idx.msk [tilespmem:v23+s5+$0x0], $0xffff  }
.Ltmp2:
0x225: {  	v4 =	vmul.f32 v5, v4;
	[tilespmem:s28+$0xFFFFFF90] =	vst v1;
	v3 =	vld.idx.msk [tilespmem:v24+s5+$0x0], $0xffff;
	(pc) =	sbr.rel @p3 .LBB2_7-.Ltmp2, $4  }
0x226: {  	v1 =	vld.idx.msk [tilespmem:v25+s5+$0x0], $0xffff  }
0x227: {  	v5 =	vmul.f32 v2, v7;
	[tilespmem:s28+$0xFFFFFFA0] =	vst v4;
	v4 =	vld.idx.msk [tilespmem:v26+s5+$0x0], $0xffff  }
0x228: {  	v2 =	vld.idx.msk [tilespmem:v27+s5+$0x0], $0xffff  }
0x229: {  	s10 =	sadd.s32 $0x200, s10;
	v6 =	vmul.f32 v6, v8;
	[tilespmem:s28+$0xFFFFFFB0] =	vst v5;
	v5 =	vld.idx.msk [tilespmem:v28+s5+$0x0], $0xffff  }
0x22a: {  	_ =	sdelay $0x1  }
0x22b: {  	v0 =	vmul.f32 v3, v0  }
0x22c: {  	[tilespmem:s28+$0xFFFFFFC0] =	vst v6;
	v1 =	vmul.f32 v4, v1  }
0x22d: {  	s10 =	sshll.u32 s29, $0x8;
	[tilespmem:s28+$0xFFFFFFD0] =	vst v0;
	v0 =	vmul.f32 v5, v2  }
0x22e: {  	s10 =	sand.u32 $0x1FFFFF00, s10;
	[tilespmem:s28+$0xFFFFFFE0] =	vst v1  }
0x22f: {  	s10 =	sadd.s32 s3, s10;
	[tilespmem:s28+$0xFFFFFFF0] =	vst v0  }
0x230: {  	[hbm4b:s10+s5] =	stream.linear.scatter [tilespmem:s19], [sflag:$0x2], $0x800, $0x38;
	[tilespmem:$0x1FF80] =	vst v63  }
0x231: {  	s10 =	sadd.s32 @!p1 s26, s8  }
0x232: {  	_ =	swait.ge [sflag:s11], $0x1000;
	s10 =	sshll.u32 @!p1 s10, $0x9  }
0x233: {  	s28 =	simm.s32 @!p1 $0x1A700;
	[sflag:s11] =	ssyncset.done $0x0;
	s10 =	sand.u32 @!p1 $0x1FFFFE00, s10  }
0x234: {  	s26 =	simm.s32 @!p1 $0x0;
	[sflag:s11] =	ssyncadd.s32 $0xFFFFF000;
	s10 =	sadd.s32 @!p1 s2, s10  }
0x235: {  	[tilespmem:s28], [sflag:$0x1] =	stream.linear.gather @!p1 [hbm4b:s10+s26], $0x1000, $0x38;
	[tilespmem:$0x1FF80] =	vst v63  }
0x236: {  	_ =	swait.ge @p2 [sflag:s21], $0x800  }
0x237: {  	[sflag:s21] =	ssyncset.done @p2 $0x0  }
0x238: {  	s30 =	simm.s32 $0x1B8F0;
	[sflag:s21] =	ssyncadd.s32 @p2 $0xFFFFF800  }
0x239: {  	v0 =	vld [tilespmem:s30+$0xFFFFFF80]  }
0x23a: {  	v1 =	vld [tilespmem:s30+$0x0]  }
0x23b: {  	v2 =	vld [tilespmem:s30+$0xFFFFFE90]  }
0x23c: {  	v3 =	vld [tilespmem:s30+$0xFFFFFE20]  }
0x23d: {  	v4 =	vld [tilespmem:s30+$0xFFFFFEA0]  }
0x23e: {  	v5 =	vld [tilespmem:s30+$0xFFFFFE30]  }
0x23f: {  	v6 =	vld [tilespmem:s30+$0xFFFFFEB0]  }
0x240: {  	v7 =	vld [tilespmem:s30+$0xFFFFFE40]  }
0x241: {  	v8 =	vld [tilespmem:s30+$0xFFFFFEC0]  }
0x242: {  	v9 =	vld [tilespmem:s30+$0xFFFFFE50]  }
0x243: {  	v10 =	vld [tilespmem:s30+$0xFFFFFED0]  }
0x244: {  	v11 =	vld [tilespmem:s30+$0xFFFFFE60]  }
0x245: {  	v12 =	vld [tilespmem:s30+$0xFFFFFEE0]  }
0x246: {  	v13 =	vld [tilespmem:s30+$0xFFFFFE70]  }
0x247: {  	v14 =	vld [tilespmem:s30+$0xFFFFFEF0]  }
0x248: {  	v15 =	vld [tilespmem:s30+$0xFFFFFE80]  }
0x249: {  	v16 =	vld [tilespmem:s30+$0xFFFFFF00]  }
0x24a: {  	v17 =	vld [tilespmem:s30+$0xFFFFFF10]  }
0x24b: {  	v18 =	vld [tilespmem:s30+$0xFFFFFF90]  }
0x24c: {  	v19 =	vld [tilespmem:s30+$0xFFFFFF20]  }
0x24d: {  	v20 =	vld [tilespmem:s30+$0xFFFFFFA0]  }
0x24e: {  	v21 =	vld [tilespmem:s30+$0xFFFFFF30]  }
0x24f: {  	v22 =	vld [tilespmem:s30+$0xFFFFFFB0]  }
0x250: {  	v23 =	vld [tilespmem:s30+$0xFFFFFF40]  }
0x251: {  	v24 =	vld [tilespmem:s30+$0xFFFFFFC0]  }
0x252: {  	v25 =	vld [tilespmem:s30+$0xFFFFFF50]  }
0x253: {  	v26 =	vld [tilespmem:s30+$0xFFFFFFD0]  }
0x254: {  	v27 =	vld [tilespmem:s30+$0xFFFFFF60]  }
0x255: {  	v28 =	vld [tilespmem:s30+$0xFFFFFFE0]  }
0x256: {  	v29 =	vld [tilespmem:s30+$0xFFFFFF70]  }
0x257: {  	v30 =	vld [tilespmem:s30+$0xFFFFFFF0]  }
0x258: {  	v31 =	vld [tilespmem:s30+$0xFFFFFE10]  }
0x259: {  	v0 =	vld.idx.msk [tilespmem:v0+s5+$0x0], $0xffff  }
0x25a: {  	v1 =	vld.idx.msk [tilespmem:v1+s5+$0x0], $0xffff  }
0x25b: {  	v2 =	vld.idx.msk [tilespmem:v2+s5+$0x0], $0xffff  }
0x25c: {  	v3 =	vld.idx.msk [tilespmem:v3+s5+$0x0], $0xffff  }
0x25d: {  	v4 =	vld.idx.msk [tilespmem:v4+s5+$0x0], $0xffff  }
0x25e: {  	v5 =	vld.idx.msk [tilespmem:v5+s5+$0x0], $0xffff  }
0x25f: {  	v6 =	vld.idx.msk [tilespmem:v6+s5+$0x0], $0xffff  }
0x260: {  	v7 =	vld.idx.msk [tilespmem:v7+s5+$0x0], $0xffff  }
0x261: {  	v8 =	vld.idx.msk [tilespmem:v8+s5+$0x0], $0xffff  }
0x262: {  	v31 =	vld.idx.msk [tilespmem:v31+s5+$0x0], $0xffff  }
0x263: {  	v9 =	vld.idx.msk [tilespmem:v9+s5+$0x0], $0xffff  }
0x264: {  	v10 =	vld.idx.msk [tilespmem:v10+s5+$0x0], $0xffff  }
0x265: {  	v11 =	vld.idx.msk [tilespmem:v11+s5+$0x0], $0xffff  }
0x266: {  	v12 =	vld.idx.msk [tilespmem:v12+s5+$0x0], $0xffff  }
0x267: {  	v15 =	vld.idx.msk [tilespmem:v15+s5+$0x0], $0xffff  }
0x268: {  	v16 =	vld.idx.msk [tilespmem:v16+s5+$0x0], $0xffff  }
0x269: {  	v13 =	vld.idx.msk [tilespmem:v13+s5+$0x0], $0xffff  }
0x26a: {  	v14 =	vld.idx.msk [tilespmem:v14+s5+$0x0], $0xffff  }
0x26b: {  	v62 =	vld.idx.msk [tilespmem:v24+s5+$0x0], $0xffff;
	v0 =	vmul.f32 v1, v0  }
0x26c: {  	s26 =	simm.s32 $0x1DFF0;
	v1 =	vld.idx.msk [tilespmem:v17+s5+$0x0], $0xffff;
	v3 =	vmul.f32 v4, v3  }
0x26d: {  	v4 =	vld.idx.msk [tilespmem:v18+s5+$0x0], $0xffff;
	v63 =	vmul.f32 v16, v15;
	[tilespmem:s26+$0x0] =	vst v0  }
0x26e: {  	v0 =	vmul.f32 v6, v5;
	v5 =	vld.idx.msk [tilespmem:v19+s5+$0x0], $0xffff;
	[tilespmem:s26+$0xFFFFFF20] =	vst v3  }
0x26f: {  	v3 =	vmul.f32 v8, v7;
	v6 =	vld.idx.msk [tilespmem:v20+s5+$0x0], $0xffff;
	[tilespmem:s26+$0xFFFFFF80] =	vst v63  }
0x270: {  	v7 =	vld.idx.msk [tilespmem:v22+s5+$0x0], $0xffff;
	[tilespmem:s26+$0xFFFFFF30] =	vst v0;
	v0 =	vmul.f32 v2, v31  }
0x271: {  	v2 =	vld.idx.msk [tilespmem:v21+s5+$0x0], $0xffff;
	[tilespmem:s26+$0xFFFFFF40] =	vst v3;
	v3 =	vmul.f32 v10, v9  }
0x272: {  	v8 =	vld.idx.msk [tilespmem:v23+s5+$0x0], $0xffff;
	[tilespmem:s26+$0xFFFFFF10] =	vst v0;
	v0 =	vmul.f32 v12, v11  }
0x273: {  	v4 =	vmul.f32 v4, v1;
	v1 =	vld.idx.msk [tilespmem:v27+s5+$0x0], $0xffff;
	[tilespmem:s26+$0xFFFFFF50] =	vst v3;
	v3 =	vmul.f32 v14, v13  }
0x274: {  	[tilespmem:s26+$0xFFFFFF60] =	vst v0;
	v0 =	vld.idx.msk [tilespmem:v25+s5+$0x0], $0xffff  }
0x275: {  	v5 =	vmul.f32 v6, v5;
	[tilespmem:s26+$0xFFFFFF70] =	vst v3;
	v3 =	vld.idx.msk [tilespmem:v26+s5+$0x0], $0xffff  }
0x276: {  	[tilespmem:s26+$0xFFFFFF90] =	vst v4;
	v4 =	vld.idx.msk [tilespmem:v28+s5+$0x0], $0xffff;
	v6 =	vmul.f32 v7, v2  }
0x277: {  	[tilespmem:s26+$0xFFFFFFA0] =	vst v5;
	v2 =	vld.idx.msk [tilespmem:v29+s5+$0x0], $0xffff  }
0x278: {  	s28 =	simm.s32 $0x0;
	s10 =	simm.s32 $0x1BAF0;
	v5 =	vld.idx.msk [tilespmem:v30+s5+$0x0], $0xffff;
	[tilespmem:s26+$0xFFFFFFB0] =	vst v6;
	v6 =	vmul.f32 v62, v8  }
.LBB2_9:
0x279: {  	v7 =	vld [tilespmem:s10+$0xFFFFFF80]  }
0x27a: {  	s28 =	sadd.s32 $0x10, s28;
	v0 =	vmul.f32 v3, v0;
	v8 =	vld [tilespmem:s10+$0x0];
	[tilespmem:s26+$0xFFFFFFC0] =	vst v6  }
0x27b: {  	p1 =	slt.u32 s28, $0x70;
	v3 =	vld [tilespmem:s10+$0xFFFFFE90]  }
0x27c: {  	v6 =	vld [tilespmem:s10+$0xFFFFFE20];
	[tilespmem:s26+$0xFFFFFFD0] =	vst v0;
	v0 =	vmul.f32 v4, v1  }
0x27d: {  	v1 =	vld [tilespmem:s10+$0xFFFFFEA0]  }
0x27e: {  	v4 =	vld [tilespmem:s10+$0xFFFFFE30];
	[tilespmem:s26+$0xFFFFFFE0] =	vst v0;
	v0 =	vmul.f32 v5, v2  }
0x27f: {  	v2 =	vld [tilespmem:s10+$0xFFFFFEB0]  }
0x280: {  	v5 =	vld [tilespmem:s10+$0xFFFFFE40];
	[tilespmem:s26+$0xFFFFFFF0] =	vst v0  }
0x281: {  	v0 =	vld.idx.msk [tilespmem:v7+s5+$0x0], $0xffff  }
0x282: {  	v7 =	vld.idx.msk [tilespmem:v8+s5+$0x0], $0xffff  }
0x283: {  	v8 =	vld [tilespmem:s10+$0xFFFFFEC0]  }
0x284: {  	v9 =	vld [tilespmem:s10+$0xFFFFFE50]  }
0x285: {  	v10 =	vld [tilespmem:s10+$0xFFFFFED0]  }
0x286: {  	v11 =	vld [tilespmem:s10+$0xFFFFFE60]  }
0x287: {  	v12 =	vld [tilespmem:s10+$0xFFFFFEE0]  }
0x288: {  	v0 =	vmul.f32 v7, v0;
	v13 =	vld [tilespmem:s10+$0xFFFFFE70]  }
0x289: {  	s26 =	sadd.s32 $0x100, s26;
	v7 =	vld [tilespmem:s10+$0xFFFFFEF0]  }
0x28a: {  	v14 =	vld [tilespmem:s10+$0xFFFFFE80];
	[tilespmem:s26+$0x0] =	vst v0  }
0x28b: {  	v0 =	vld [tilespmem:s10+$0xFFFFFF00]  }
0x28c: {  	v15 =	vld [tilespmem:s10+$0xFFFFFF10]  }
0x28d: {  	v16 =	vld [tilespmem:s10+$0xFFFFFF90]  }
0x28e: {  	v17 =	vld [tilespmem:s10+$0xFFFFFF20]  }
0x28f: {  	v18 =	vld [tilespmem:s10+$0xFFFFFFA0]  }
0x290: {  	v19 =	vld [tilespmem:s10+$0xFFFFFF30]  }
0x291: {  	v20 =	vld [tilespmem:s10+$0xFFFFFFB0]  }
0x292: {  	v21 =	vld [tilespmem:s10+$0xFFFFFF40]  }
0x293: {  	v22 =	vld [tilespmem:s10+$0xFFFFFFC0]  }
0x294: {  	v23 =	vld [tilespmem:s10+$0xFFFFFF50]  }
0x295: {  	v24 =	vld [tilespmem:s10+$0xFFFFFFD0]  }
0x296: {  	v25 =	vld [tilespmem:s10+$0xFFFFFF60]  }
0x297: {  	v26 =	vld [tilespmem:s10+$0xFFFFFFE0]  }
0x298: {  	v27 =	vld [tilespmem:s10+$0xFFFFFF70]  }
0x299: {  	v28 =	vld [tilespmem:s10+$0xFFFFFFF0]  }
0x29a: {  	v29 =	vld [tilespmem:s10+$0xFFFFFE10]  }
0x29b: {  	v3 =	vld.idx.msk [tilespmem:v3+s5+$0x0], $0xffff  }
0x29c: {  	v6 =	vld.idx.msk [tilespmem:v6+s5+$0x0], $0xffff  }
0x29d: {  	v1 =	vld.idx.msk [tilespmem:v1+s5+$0x0], $0xffff  }
0x29e: {  	v4 =	vld.idx.msk [tilespmem:v4+s5+$0x0], $0xffff  }
0x29f: {  	v2 =	vld.idx.msk [tilespmem:v2+s5+$0x0], $0xffff  }
0x2a0: {  	v5 =	vld.idx.msk [tilespmem:v5+s5+$0x0], $0xffff  }
0x2a1: {  	v8 =	vld.idx.msk [tilespmem:v8+s5+$0x0], $0xffff  }
0x2a2: {  	v29 =	vld.idx.msk [tilespmem:v29+s5+$0x0], $0xffff  }
0x2a3: {  	v1 =	vmul.f32 v1, v6;
	v6 =	vld.idx.msk [tilespmem:v9+s5+$0x0], $0xffff  }
0x2a4: {  	v9 =	vld.idx.msk [tilespmem:v10+s5+$0x0], $0xffff  }
0x2a5: {  	[tilespmem:s26+$0xFFFFFF20] =	vst v1;
	v1 =	vmul.f32 v2, v4;
	v2 =	vld.idx.msk [tilespmem:v11+s5+$0x0], $0xffff  }
0x2a6: {  	v4 =	vld.idx.msk [tilespmem:v12+s5+$0x0], $0xffff  }
0x2a7: {  	[tilespmem:s26+$0xFFFFFF30] =	vst v1;
	v1 =	vmul.f32 v8, v5;
	v5 =	vld.idx.msk [tilespmem:v13+s5+$0x0], $0xffff  }
0x2a8: {  	v3 =	vmul.f32 v3, v29;
	v7 =	vld.idx.msk [tilespmem:v7+s5+$0x0], $0xffff  }
0x2a9: {  	[tilespmem:s26+$0xFFFFFF40] =	vst v1;
	v1 =	vld.idx.msk [tilespmem:v14+s5+$0x0], $0xffff  }
0x2aa: {  	[tilespmem:s26+$0xFFFFFF10] =	vst v3;
	v3 =	vmul.f32 v9, v6;
	v0 =	vld.idx.msk [tilespmem:v0+s5+$0x0], $0xffff  }
0x2ab: {  	v6 =	vld.idx.msk [tilespmem:v15+s5+$0x0], $0xffff  }
0x2ac: {  	v2 =	vmul.f32 v4, v2;
	[tilespmem:s26+$0xFFFFFF50] =	vst v3;
	v3 =	vld.idx.msk [tilespmem:v16+s5+$0x0], $0xffff  }
0x2ad: {  	v4 =	vld.idx.msk [tilespmem:v17+s5+$0x0], $0xffff  }
0x2ae: {  	[tilespmem:s26+$0xFFFFFF60] =	vst v2;
	v2 =	vmul.f32 v7, v5;
	v5 =	vld.idx.msk [tilespmem:v18+s5+$0x0], $0xffff  }
0x2af: {  	v7 =	vld.idx.msk [tilespmem:v19+s5+$0x0], $0xffff  }
0x2b0: {  	v0 =	vmul.f32 v0, v1;
	[tilespmem:s26+$0xFFFFFF70] =	vst v2;
	v2 =	vld.idx.msk [tilespmem:v20+s5+$0x0], $0xffff  }
0x2b1: {  	v8 =	vld.idx.msk [tilespmem:v21+s5+$0x0], $0xffff  }
0x2b2: {  	v1 =	vmul.f32 v3, v6;
	[tilespmem:s26+$0xFFFFFF80] =	vst v0;
	v6 =	vld.idx.msk [tilespmem:v22+s5+$0x0], $0xffff  }
0x2b3: {  	v0 =	vld.idx.msk [tilespmem:v23+s5+$0x0], $0xffff  }
.Ltmp3:
0x2b4: {  	v4 =	vmul.f32 v5, v4;
	[tilespmem:s26+$0xFFFFFF90] =	vst v1;
	v3 =	vld.idx.msk [tilespmem:v24+s5+$0x0], $0xffff;
	(pc) =	sbr.rel @p1 .LBB2_9-.Ltmp3, $4  }
0x2b5: {  	v1 =	vld.idx.msk [tilespmem:v25+s5+$0x0], $0xffff  }
0x2b6: {  	v5 =	vmul.f32 v2, v7;
	[tilespmem:s26+$0xFFFFFFA0] =	vst v4;
	v4 =	vld.idx.msk [tilespmem:v26+s5+$0x0], $0xffff  }
0x2b7: {  	v2 =	vld.idx.msk [tilespmem:v27+s5+$0x0], $0xffff  }
0x2b8: {  	s10 =	sadd.s32 $0x200, s10;
	v6 =	vmul.f32 v6, v8;
	[tilespmem:s26+$0xFFFFFFB0] =	vst v5;
	v5 =	vld.idx.msk [tilespmem:v28+s5+$0x0], $0xffff  }
0x2b9: {  	_ = 	snop  }
0x2ba: {  	s24 =	sadd.s32 $0x1, s24  }
0x2bb: {  	v0 =	vmul.f32 v3, v0;
	p1 =	sne.s32 s24, $0x18  }
.Ltmp4:
0x2bc: {  	[tilespmem:s26+$0xFFFFFFC0] =	vst v6;
	v1 =	vmul.f32 v4, v1;
	(pc) =	sbr.rel @p1 .LBB2_2-.Ltmp4, $4  }
0x2bd: {  	s10 =	sshll.u32 s25, $0x8;
	[tilespmem:s26+$0xFFFFFFD0] =	vst v0;
	v63 =	vmul.f32 v5, v2  }
0x2be: {  	s10 =	sand.u32 $0x1FFFFF00, s10;
	[tilespmem:s26+$0xFFFFFFE0] =	vst v1  }
0x2bf: {  	s10 =	sadd.s32 s3, s10;
	[tilespmem:s26+$0xFFFFFFF0] =	vst v63  }
0x2c0: {  	[hbm4b:s10+s5] =	stream.linear.scatter [tilespmem:s20], [sflag:$0x2], $0x800, $0x38;
	[tilespmem:$0x1FF80] =	vst v63  }
0x2c1: {  	_ =	swait.ge [sflag:s21], $0x800  }
0x2c2: {  	[sflag:s21] =	ssyncset.done $0x0  }
0x2c3: {  	[sflag:s21] =	ssyncadd.s32 $0xFFFFF800  }
0x2c4: {  	_ =	swait.ge [sflag:s21], $0x800  }
0x2c5: {  	[sflag:s21] =	ssyncset.done $0x0  }
0x2c6: {  	[sflag:s21] =	ssyncadd.s32 $0xFFFFF800  }
0x2c7: {  	_ =	swait.ge [sflag:s21], $0x800  }
0x2c8: {  	[sflag:s21] =	ssyncset.done $0x0  }
0x2c9: {  	[sflag:s21] =	ssyncadd.s32 $0xFFFFF800  }
0x2ca: {  	_ =	swait.ge [sflag:s21], $0x800  }
0x2cb: {  	[sflag:s21] =	ssyncset.done $0x0  }
0x2cc: {  	s10 =	simm.s32 $0x0;
	p2 =	por p0, p0;
	[sflag:s21] =	ssyncadd.s32 $0xFFFFF800  }
.LBB2_12:
0x2cd: {  	s10 =	sadd.s32 s10, s9  }
0x2ce: {  	s24 =	sshrl.u32 s10, $0x2  }
0x2cf: {  	s24 =	sadd.s32 s2, s24  }
0x2d0: {  	[tilespmem:s13], [sflag:$0x4] =	stream.linear.gather [hbm4b:s24+s5], $0x1000, $0x38;
	[tilespmem:$0x1FF80] =	vst v63  }
0x2d1: {  	_ =	swait.ge [sflag:s22], $0x1000  }
0x2d2: {  	[sflag:s22] =	ssyncset.done $0x0  }
0x2d3: {  	s30 =	simm.s32 $0x18780;
	[sflag:s22] =	ssyncadd.s32 $0xFFFFF000  }
0x2d4: {  	v0 =	vld [tilespmem:s30+$0xFFFFFFF0]  }
0x2d5: {  	v1 =	vld [tilespmem:s30+$0x70]  }
0x2d6: {  	v2 =	vld [tilespmem:s30+$0x0]  }
0x2d7: {  	v3 =	vld [tilespmem:s30+$0xFFFFFF90]  }
0x2d8: {  	v4 =	vld [tilespmem:s30+$0x10]  }
0x2d9: {  	v5 =	vld [tilespmem:s30+$0xFFFFFFA0]  }
0x2da: {  	v6 =	vld [tilespmem:s30+$0x20]  }
0x2db: {  	v7 =	vld [tilespmem:s30+$0xFFFFFFB0]  }
0x2dc: {  	v9 =	vld [tilespmem:s30+$0xFFFFFFC0]  }
0x2dd: {  	v10 =	vld [tilespmem:s30+$0x40]  }
0x2de: {  	v11 =	vld [tilespmem:s30+$0xFFFFFFD0]  }
0x2df: {  	v12 =	vld [tilespmem:s30+$0x50]  }
0x2e0: {  	v13 =	vld [tilespmem:s30+$0xFFFFFFE0]  }
0x2e1: {  	v14 =	vld [tilespmem:s30+$0x60]  }
0x2e2: {  	v15 =	vld [tilespmem:s30+$0xFFFFFF80]  }
0x2e3: {  	v8 =	vld.idx.msk [tilespmem:v0+s5+$0x0], $0xffff  }
0x2e4: {  	v1 =	vld.idx.msk [tilespmem:v1+s5+$0x0], $0xffff  }
0x2e5: {  	v0 =	vld [tilespmem:s30+$0x30]  }
0x2e6: {  	v16 =	vld.idx.msk [tilespmem:v2+s5+$0x0], $0xffff  }
0x2e7: {  	v3 =	vld.idx.msk [tilespmem:v3+s5+$0x0], $0xffff  }
0x2e8: {  	v4 =	vld.idx.msk [tilespmem:v4+s5+$0x0], $0xffff  }
0x2e9: {  	v5 =	vld.idx.msk [tilespmem:v5+s5+$0x0], $0xffff  }
0x2ea: {  	v6 =	vld.idx.msk [tilespmem:v6+s5+$0x0], $0xffff  }
0x2eb: {  	v7 =	vld.idx.msk [tilespmem:v7+s5+$0x0], $0xffff  }
0x2ec: {  	v15 =	vld.idx.msk [tilespmem:v15+s5+$0x0], $0xffff  }
0x2ed: {  	v17 =	vld.idx.msk [tilespmem:v0+s5+$0x0], $0xffff  }
0x2ee: {  	v2 =	vld.idx.msk [tilespmem:v10+s5+$0x0], $0xffff  }
0x2ef: {  	v8 =	vmul.f32 v1, v8;
	v1 =	vld.idx.msk [tilespmem:v11+s5+$0x0], $0xffff  }
0x2f0: {  	s24 =	simm.s32 $0x1C740;
	v3 =	vmul.f32 v4, v3;
	v0 =	vld.idx.msk [tilespmem:v9+s5+$0x0], $0xffff  }
0x2f1: {  	v5 =	vmul.f32 v6, v5;
	v4 =	vld.idx.msk [tilespmem:v12+s5+$0x0], $0xffff;
	[tilespmem:s24+$0x30] =	vst v8  }
0x2f2: {  	[tilespmem:s24+$0xFFFFFFD0] =	vst v3;
	v3 =	vld.idx.msk [tilespmem:v13+s5+$0x0], $0xffff;
	v7 =	vmul.f32 v17, v7  }
0x2f3: {  	p1 =	por p2, p2;
	s25 =	simm.s32 $0x0;
	s26 =	simm.s32 $0x18880;
	v6 =	vmul.f32 v16, v15;
	[tilespmem:s24+$0xFFFFFFE0] =	vst v5;
	v5 =	vld.idx.msk [tilespmem:v14+s5+$0x0], $0xffff  }
.LBB2_13:
0x2f4: {  	v8 =	vld [tilespmem:s26+$0xFFFFFFF0];
	[tilespmem:s24+$0xFFFFFFF0] =	vst v7  }
0x2f5: {  	s25 =	sadd.s32 $0x8, s25;
	v0 =	vmul.f32 v2, v0;
	v7 =	vld [tilespmem:s26+$0x70];
	[tilespmem:s24+$0xFFFFFFC0] =	vst v6  }
0x2f6: {  	p2 =	slt.u32 s25, $0x78;
	v2 =	vld [tilespmem:s26+$0x0]  }
0x2f7: {  	v6 =	vld [tilespmem:s26+$0xFFFFFF90];
	[tilespmem:s24+$0x0] =	vst v0;
	v0 =	vmul.f32 v4, v1  }
0x2f8: {  	v1 =	vld [tilespmem:s26+$0x10]  }
0x2f9: {  	v4 =	vld [tilespmem:s26+$0xFFFFFFA0];
	[tilespmem:s24+$0x10] =	vst v0;
	v0 =	vmul.f32 v5, v3  }
0x2fa: {  	v3 =	vld [tilespmem:s26+$0x20]  }
0x2fb: {  	v5 =	vld [tilespmem:s26+$0xFFFFFFB0];
	[tilespmem:s24+$0x20] =	vst v0  }
0x2fc: {  	v0 =	vld.idx.msk [tilespmem:v8+s5+$0x0], $0xffff  }
0x2fd: {  	v7 =	vld.idx.msk [tilespmem:v7+s5+$0x0], $0xffff  }
0x2fe: {  	v8 =	vld [tilespmem:s26+$0x30]  }
0x2ff: {  	v9 =	vld [tilespmem:s26+$0xFFFFFFC0]  }
0x300: {  	v10 =	vld [tilespmem:s26+$0x40]  }
0x301: {  	v11 =	vld [tilespmem:s26+$0xFFFFFFD0]  }
0x302: {  	v12 =	vld [tilespmem:s26+$0x50]  }
0x303: {  	v0 =	vmul.f32 v7, v0;
	v13 =	vld [tilespmem:s26+$0xFFFFFFE0]  }
0x304: {  	s24 =	sadd.s32 $0x80, s24;
	v14 =	vld [tilespmem:s26+$0x60]  }
0x305: {  	v7 =	vld [tilespmem:s26+$0xFFFFFF80];
	[tilespmem:s24+$0x30] =	vst v0  }
0x306: {  	v15 =	vld.idx.msk [tilespmem:v2+s5+$0x0], $0xffff  }
0x307: {  	v0 =	vld.idx.msk [tilespmem:v6+s5+$0x0], $0xffff  }
0x308: {  	v1 =	vld.idx.msk [tilespmem:v1+s5+$0x0], $0xffff  }
0x309: {  	v4 =	vld.idx.msk [tilespmem:v4+s5+$0x0], $0xffff  }
0x30a: {  	v3 =	vld.idx.msk [tilespmem:v3+s5+$0x0], $0xffff  }
0x30b: {  	v5 =	vld.idx.msk [tilespmem:v5+s5+$0x0], $0xffff  }
0x30c: {  	v6 =	vld.idx.msk [tilespmem:v8+s5+$0x0], $0xffff  }
0x30d: {  	v8 =	vld.idx.msk [tilespmem:v7+s5+$0x0], $0xffff  }
0x30e: {  	v1 =	vmul.f32 v1, v0;
	v0 =	vld.idx.msk [tilespmem:v9+s5+$0x0], $0xffff  }
.Ltmp5:
0x30f: {  	v2 =	vld.idx.msk [tilespmem:v10+s5+$0x0], $0xffff;
	(pc) =	sbr.rel @p2 .LBB2_13-.Ltmp5, $4  }
0x310: {  	v3 =	vmul.f32 v3, v4;
	[tilespmem:s24+$0xFFFFFFD0] =	vst v1;
	v1 =	vld.idx.msk [tilespmem:v11+s5+$0x0], $0xffff  }
0x311: {  	v4 =	vld.idx.msk [tilespmem:v12+s5+$0x0], $0xffff  }
0x312: {  	v7 =	vmul.f32 v6, v5;
	[tilespmem:s24+$0xFFFFFFE0] =	vst v3;
	v3 =	vld.idx.msk [tilespmem:v13+s5+$0x0], $0xffff  }
0x313: {  	s26 =	sadd.s32 $0x100, s26;
	v6 =	vmul.f32 v15, v8;
	v5 =	vld.idx.msk [tilespmem:v14+s5+$0x0], $0xffff  }
0x314: {  	_ =	sdelay $0x1  }
0x315: {  	[tilespmem:s24+$0xFFFFFFF0] =	vst v7;
	v0 =	vmul.f32 v2, v0  }
0x316: {  	[tilespmem:s24+$0xFFFFFFC0] =	vst v6;
	v1 =	vmul.f32 v4, v1  }
0x317: {  	[tilespmem:s24+$0x0] =	vst v0;
	v63 =	vmul.f32 v5, v3  }
0x318: {  	s10 =	sshrl.u32 s10, $0x3;
	[tilespmem:s24+$0x10] =	vst v1  }
.Ltmp6:
0x319: {  	s10 =	sadd.s32 s3, s10;
	[tilespmem:s24+$0x20] =	vst v63;
	(pc) =	sbr.rel @p1 .LBB2_12-.Ltmp6, $4  }
0x31a: {  	[hbm4b:s10+s5] =	stream.linear.scatter [tilespmem:s17], [sflag:$0x4], $0x800, $0x38;
	[tilespmem:$0x1FF80] =	vst v63  }
0x31b: {  	_ =	swait.ge [sflag:s22], $0x800  }
0x31c: {  	[sflag:s22] =	ssyncset.done $0x0  }
0x31d: {  	p2 =	por $0x0, $0x0;
	s10 =	simm.s32 $0x800;
	[sflag:s22] =	ssyncadd.s32 $0xFFFFF800  }
0x31e: {  	s23 =	sadd.s32 $0x1, s23;
	s10 =	rddreg [dreg:$0x15]  }
0x31f: {  	p1 =	sne.s32 s23, s10  }
.Ltmp7:
0x320: {  	_ = 	snop;
	(pc) =	sbr.rel @p1 .LBB2_1-.Ltmp7, $1  }
0x321: {  	_ =	sdelay $0x3  }
0x322: {  	_ =	sfence.sel $0x180000  }
0x323: {  	[bflag:$0x0] =	sbarrier.arrive $0xFFFF  }
0x324: {  	_ =	strace $0x90000047  }
0x325: {  	s0 =	stileid.u32;
	[bflag:$0x2] =	sbarrier.arrive $0xFFFF  }
0x326: {  	p0 =	sne.s32 s0, $0x0;
	s0 =	rddreg [dreg:$0x4]  }
0x327: {  	s0 =	sadd.s32 @!p0 $0x100000, s0  }
0x328: {  	[sflag:s0] =	ssyncadd.tile.s32 @!p0 $0x1;
	_ =	shalt  }
.Lfunc_end2:
_tile_overlayer_lowered:
.L_overlay_start_2:
0x329: {  	(tag) =	ssettag $0x2  }
0x32a: {  	s0 =	rddreg [dreg:$0x0];
	s2 =	stileid.u32  }
0x32b: {  	s1 =	rddreg [dreg:$0x1];
	p0 =	sne.s32 s2, $0x0  }
0x32c: {  	s3 =	rddreg [dreg:$0x2];
	[bflag:$0x3] =	sbarrier.arrive $0xFFFF;
	s2 =	simm.s32 @!p0 $0x1C04  }
0x32d: {  	[timem:s3], [sflag:s2] =	dma.local @!p0 [hbm:s0], s1  }
0x32e: {  	s0 =	simm.s32 @!p0 $0x4  }
0x32f: {  	_ =	swait.ge @!p0 [sflag:s0], s1  }
0x330: {  	s1 =	ssub.s32 @!p0 $0x0, s1;
	[sflag:s0] =	ssyncset.done @!p0 $0x0  }
0x331: {  	[sflag:s0] =	ssyncadd.s32 @!p0 s1  }
0x332: {  	[bflag:$0x3] =	sbarrier.arrive $0xFFFF  }
0x333: {  	_ =	shalt  }

</sc_bundles>
